<compile_context>
chip_gen: v7x
topology: tpu7x:2x2x1
jax: 0.10.2.dev20260603
libtpu: 0.0.44.dev20260713+nightly
codegen_flags: <defaults>
</compile_context>

<pallas_src>
import functools

import jax
import jax.numpy as jnp
from jax import lax
from jax.experimental import pallas as pl
from jax.experimental.pallas import tpu as pltpu
from jax.experimental.pallas import tpu_sc as plsc

NC = 2
NS = 16
NW = NC * NS
L = 16


@functools.lru_cache(maxsize=None)
def _build(n_nodes, n_edges, dp, n_rel, block):
    assert dp % L == 0
    ew = n_edges // NW
    assert ew * NW == n_edges
    b = block
    assert ew % b == 0 and b % L == 0
    nb = ew // b
    ng = b // L

    mesh = plsc.VectorSubcoreMesh(
        core_axis_name="c", subcore_axis_name="s",
        num_cores=NC, num_subcores=NS)

    rows_t = pltpu.VMEM((b, dp), jnp.int32)

    @functools.partial(
        pl.kernel,
        out_type=jax.ShapeDtypeStruct((n_edges,), jnp.float32),
        mesh=mesh,
        scratch_types=[
            pltpu.VMEM((ew,), jnp.int32),
            pltpu.VMEM((ew,), jnp.int32),
            pltpu.VMEM((ew,), jnp.int32),
            rows_t, rows_t, rows_t,
            rows_t, rows_t, rows_t,
            pltpu.VMEM((ew,), jnp.float32),
            pltpu.VMEM((L * (L + 1),), jnp.int32),
            pltpu.SemaphoreType.DMA, pltpu.SemaphoreType.DMA,
            pltpu.SemaphoreType.DMA, pltpu.SemaphoreType.DMA,
            pltpu.SemaphoreType.DMA, pltpu.SemaphoreType.DMA,
        ],
        compiler_params=pltpu.CompilerParams(
            needs_layout_passes=False, use_tc_tiling_on_sc=False,
            disable_bounds_checks=True, disable_semaphore_checks=True),
    )
    def k(z_hbm, src_hbm, dst_hbm, rel_hbm, w_hbm, out_hbm,
          src_ids, dst_ids, rel_ids,
          sa, ta, ra, sb, tb, rb,
          out_v, tr, sma0, sma1, sma2, smb0, smb1, smb2):
        wid = lax.axis_index("s") * NC + lax.axis_index("c")
        ebase = wid * ew
        pltpu.sync_copy(src_hbm.at[pl.ds(ebase, ew)], src_ids)
        pltpu.sync_copy(dst_hbm.at[pl.ds(ebase, ew)], dst_ids)
        pltpu.sync_copy(rel_hbm.at[pl.ds(ebase, ew)], rel_ids)

        lane_iota = lax.iota(jnp.int32, L)
        tr_col = lane_iota * (L + 1)

        def descs(blk, bufs, sems):
            off = blk * b
            return (
                pltpu.make_async_copy(
                    z_hbm.at[src_ids.at[pl.ds(off, b)]], bufs[0], sems[0]),
                pltpu.make_async_copy(
                    z_hbm.at[dst_ids.at[pl.ds(off, b)]], bufs[1], sems[1]),
                pltpu.make_async_copy(
                    w_hbm.at[rel_ids.at[pl.ds(off, b)]], bufs[2], sems[2]),
            )

        def issue(blk, bufs, sems):
            for c in descs(blk, bufs, sems):
                c.start()

        def drain(blk, bufs, sems):
            for c in descs(blk, bufs, sems):
                c.wait()

        def compute(blk, bufs):
            s_rows, t_rows, r_rows = bufs
            off = blk * b

            def load_edge(e):
                trip = []
                for i in range(dp // L):
                    sl = pl.ds(i * L, L)
                    trip.append((s_rows[e, sl], t_rows[e, sl], r_rows[e, sl]))
                return trip

            def edge_sum(trip):
                ps = [plsc.bitcast(s, jnp.bfloat16)
                      * plsc.bitcast(t, jnp.bfloat16)
                      * plsc.bitcast(r, jnp.bfloat16) for s, t, r in trip]
                while len(ps) > 1:
                    ps = [a + c for a, c in zip(ps[::2], ps[1::2])]
                return ps[0]

            def group_body(g, cur):
                for j in range(L):
                    nxt = load_edge(g * L + j + 1) if j < L - 1 else None
                    acc = edge_sum(cur)
                    plsc.store_scatter(
                        tr, [tr_col + j], plsc.bitcast(acc, jnp.int32))
                    cur = nxt
                nxt = load_edge((g + 1) * L % b)
                rows = [plsc.bitcast(tr[pl.ds(kk * (L + 1), L)], jnp.bfloat16)
                        for kk in range(L)]
                while len(rows) > 1:
                    rows = [a + c for a, c in zip(rows[::2], rows[1::2])]
                lo, hi = plsc.unpack(
                    rows[0], format=plsc.PackFormat.INTERLEAVED)
                out_v[pl.ds(off + g * L, L)] = lo + hi
                return nxt

            cur0 = load_edge(0)
            lax.fori_loop(0, ng, group_body, cur0)

        bufs_a = (sa, ta, ra)
        bufs_b = (sb, tb, rb)
        sems_a = (sma0, sma1, sma2)
        sems_b = (smb0, smb1, smb2)

        issue(0, bufs_a, sems_a)

        def pair_body(g, carry):
            blk = 2 * g

            @pl.when(blk + 1 < nb)
            def _():
                issue(blk + 1, bufs_b, sems_b)

            drain(blk, bufs_a, sems_a)
            compute(blk, bufs_a)

            @pl.when(blk + 2 < nb)
            def _():
                issue(blk + 2, bufs_a, sems_a)

            @pl.when(blk + 1 < nb)
            def _():
                drain(blk + 1, bufs_b, sems_b)
                compute(blk + 1, bufs_b)

            return carry

        lax.fori_loop(0, (nb + 1) // 2, pair_body, 0)

        sig_u = 5
        assert ew % (sig_u * L) == 0

        def sig_body(i, carry):
            base = i * (sig_u * L)
            for u in range(sig_u):
                sl = pl.ds(base + u * L, L)
                x = out_v[sl]
                out_v[sl] = 1.0 / (1.0 + jnp.exp(-x))
            return carry

        lax.fori_loop(0, ew // (sig_u * L), sig_body, 0)
        pltpu.sync_copy(out_v, out_hbm.at[pl.ds(ebase, ew)])

    return k


def _pack_bf16(x):
    n, d = x.shape
    xb = x.astype(jnp.bfloat16).reshape(n, d // 2, 2)
    return jax.lax.bitcast_convert_type(xb, jnp.int32)


def kernel(z, edge_index, edge_type, weight):
    n_nodes, d = z.shape
    n_edges = edge_type.shape[0]
    n_rel = weight.shape[0]
    src = edge_index[0].astype(jnp.int32)
    dst = edge_index[1].astype(jnp.int32)
    rel = edge_type.astype(jnp.int32)
    ew = n_edges // NW
    block = 80 if ew % 80 == 0 else L
    k = _build(n_nodes, n_edges, d // 2, n_rel, block)
    return k(_pack_bf16(z.astype(jnp.float32)), src, dst, rel,
             _pack_bf16(weight.astype(jnp.float32)))

# --- scband reference (transcript-rebuilt; emitter-appended) ---
"""Pipeline reference for scband-multi-rela-inner-product-decoder-919123001607 (READ-ONLY COPY).

The authoritative reference and input builder live on the scoring server;
editing this copy changes nothing except your own understanding.
"""

import jax, jax.numpy as jnp
import numpy as np

N_NODES = 10000
N_EDGES = 320000
IN_DIM = 128
NUM_ET = 1000


def setup_inputs(seed: int = 0) -> dict:
    key = jax.random.key(seed)
    k_z, k_ei, k_et, k_w = jax.random.split(key, 4)
    z = jax.random.normal(k_z, (N_NODES, IN_DIM), dtype=jnp.float32)
    edge_index = jax.random.randint(k_ei, (2, N_EDGES), 0, N_NODES, dtype=jnp.int64)
    edge_type = jax.random.randint(k_et, (N_EDGES,), 0, NUM_ET, dtype=jnp.int64)
    # learned DistMult relation weight, init normal(std=1/sqrt(in_dim)) as in reset_parameters
    weight = jax.random.normal(k_w, (NUM_ET, IN_DIM), dtype=jnp.float32) * (1.0 / np.sqrt(IN_DIM))
    return {"z": z, "edge_index": edge_index, "edge_type": edge_type, "weight": weight}


def reference(z, edge_index, edge_type, weight):
    # DistMult score: sum_d z[src,d] * z[dst,d] * w[rel,d], then sigmoid
    src = jnp.take(z, edge_index[0], axis=0)          # [E, D] gather
    dst = jnp.take(z, edge_index[1], axis=0)          # [E, D] gather
    rel = jnp.take(weight, edge_type, axis=0)         # [E, D] embedding lookup
    value = jnp.sum(src * dst * rel, axis=1)          # [E]
    return jax.nn.sigmoid(value)

if __name__ == "__main__":
    import jax
    _d = setup_inputs()
    print(jax.jit(kernel)(*tuple(_d.values())))

</pallas_src>

<mosaic_0001>
#map = affine_map<(d0, d1) -> (0, 0)>
#map1 = affine_map<(d0, d1) -> (0)>
module attributes {stable_mosaic.version = 14 : i64} {
  func.func @k(%arg0: i32, %arg1: i32, %arg2: memref<10000x64xi32, #tpu.memory_space<hbm>>, %arg3: memref<320000xi32, #tpu.memory_space<hbm>>, %arg4: memref<320000xi32, #tpu.memory_space<hbm>>, %arg5: memref<320000xi32, #tpu.memory_space<hbm>>, %arg6: memref<1000x64xi32, #tpu.memory_space<hbm>>, %arg7: memref<320000xf32, #tpu.memory_space<hbm>>, %arg8: memref<10000xi32, #tpu.memory_space<vmem>>, %arg9: memref<10000xi32, #tpu.memory_space<vmem>>, %arg10: memref<10000xi32, #tpu.memory_space<vmem>>, %arg11: memref<80x64xi32, #tpu.memory_space<vmem>>, %arg12: memref<80x64xi32, #tpu.memory_space<vmem>>, %arg13: memref<80x64xi32, #tpu.memory_space<vmem>>, %arg14: memref<80x64xi32, #tpu.memory_space<vmem>>, %arg15: memref<80x64xi32, #tpu.memory_space<vmem>>, %arg16: memref<80x64xi32, #tpu.memory_space<vmem>>, %arg17: memref<10000xf32, #tpu.memory_space<vmem>>, %arg18: memref<272xi32, #tpu.memory_space<vmem>>, %arg19: memref<!tpu.dma_semaphore, #tpu.memory_space<semaphore_mem>>, %arg20: memref<!tpu.dma_semaphore, #tpu.memory_space<semaphore_mem>>, %arg21: memref<!tpu.dma_semaphore, #tpu.memory_space<semaphore_mem>>, %arg22: memref<!tpu.dma_semaphore, #tpu.memory_space<semaphore_mem>>, %arg23: memref<!tpu.dma_semaphore, #tpu.memory_space<semaphore_mem>>, %arg24: memref<!tpu.dma_semaphore, #tpu.memory_space<semaphore_mem>>) attributes {dimension_semantics = [#tpu.dimension_semantics<core_parallel>, #tpu.dimension_semantics<subcore_parallel>], iteration_bounds = array<i64: 2, 16>, scalar_prefetch = 0 : i64, scratch_operands = 17 : i64, tpu.core_type = #tpu.core_type<sc_vector_subcore>, window_params = [{transform_indices = #map}, {transform_indices = #map1}, {transform_indices = #map1}, {transform_indices = #map1}, {transform_indices = #map}, {transform_indices = #map1}]} {
    %mul3A = arith.constant 2 : i32
    %mul3A_0 = arith.muli %arg1, %mul3A : i32
    %add3A = arith.addi %mul3A_0, %arg0 : i32
    %mul3A_1 = arith.constant 10000 : i32
    %mul3A_2 = arith.muli %add3A, %mul3A_1 : i32
    "tpu.region"() ({
      %run_scoped3A = tpu.sem_alloc : memref<!tpu.dma_semaphore, #tpu.memory_space<semaphore_mem>>
      %dma_start3A_31 = tpu.memref_slice %arg3[%mul3A_2] : memref<320000xi32, #tpu.memory_space<hbm>> -> memref<10000xi32, #tpu.memory_space<hbm>>
      %dma_start3A_32 = tpu.memref_slice %arg3[%mul3A_2] : memref<320000xi32, #tpu.memory_space<hbm>> -> memref<10000xi32, #tpu.memory_space<hbm>>
      tpu.enqueue_dma source(%dma_start3A_32 : memref<10000xi32, #tpu.memory_space<hbm>>) target(%arg8 : memref<10000xi32, #tpu.memory_space<vmem>>) target_semaphore(%run_scoped3A : memref<!tpu.dma_semaphore, #tpu.memory_space<semaphore_mem>>)
      %dma_wait3A = tpu.memref_slice %arg3[%mul3A_2] : memref<320000xi32, #tpu.memory_space<hbm>> -> memref<10000xi32, #tpu.memory_space<hbm>>
      %dma_wait3A_33 = tpu.memref_slice %arg3[%mul3A_2] : memref<320000xi32, #tpu.memory_space<hbm>> -> memref<10000xi32, #tpu.memory_space<hbm>>
      tpu.wait_dma2 semaphore(%run_scoped3A : memref<!tpu.dma_semaphore, #tpu.memory_space<semaphore_mem>>) src(%dma_wait3A_33 : memref<10000xi32, #tpu.memory_space<hbm>>) dst(%arg8 : memref<10000xi32, #tpu.memory_space<vmem>>)
      tpu.yield
    }) : () -> ()
    "tpu.region"() ({
      %run_scoped3A = tpu.sem_alloc : memref<!tpu.dma_semaphore, #tpu.memory_space<semaphore_mem>>
      %dma_start3A_31 = tpu.memref_slice %arg4[%mul3A_2] : memref<320000xi32, #tpu.memory_space<hbm>> -> memref<10000xi32, #tpu.memory_space<hbm>>
      %dma_start3A_32 = tpu.memref_slice %arg4[%mul3A_2] : memref<320000xi32, #tpu.memory_space<hbm>> -> memref<10000xi32, #tpu.memory_space<hbm>>
      tpu.enqueue_dma source(%dma_start3A_32 : memref<10000xi32, #tpu.memory_space<hbm>>) target(%arg9 : memref<10000xi32, #tpu.memory_space<vmem>>) target_semaphore(%run_scoped3A : memref<!tpu.dma_semaphore, #tpu.memory_space<semaphore_mem>>)
      %dma_wait3A = tpu.memref_slice %arg4[%mul3A_2] : memref<320000xi32, #tpu.memory_space<hbm>> -> memref<10000xi32, #tpu.memory_space<hbm>>
      %dma_wait3A_33 = tpu.memref_slice %arg4[%mul3A_2] : memref<320000xi32, #tpu.memory_space<hbm>> -> memref<10000xi32, #tpu.memory_space<hbm>>
      tpu.wait_dma2 semaphore(%run_scoped3A : memref<!tpu.dma_semaphore, #tpu.memory_space<semaphore_mem>>) src(%dma_wait3A_33 : memref<10000xi32, #tpu.memory_space<hbm>>) dst(%arg9 : memref<10000xi32, #tpu.memory_space<vmem>>)
      tpu.yield
    }) : () -> ()
    "tpu.region"() ({
      %run_scoped3A = tpu.sem_alloc : memref<!tpu.dma_semaphore, #tpu.memory_space<semaphore_mem>>
      %dma_start3A_31 = tpu.memref_slice %arg5[%mul3A_2] : memref<320000xi32, #tpu.memory_space<hbm>> -> memref<10000xi32, #tpu.memory_space<hbm>>
      %dma_start3A_32 = tpu.memref_slice %arg5[%mul3A_2] : memref<320000xi32, #tpu.memory_space<hbm>> -> memref<10000xi32, #tpu.memory_space<hbm>>
      tpu.enqueue_dma source(%dma_start3A_32 : memref<10000xi32, #tpu.memory_space<hbm>>) target(%arg10 : memref<10000xi32, #tpu.memory_space<vmem>>) target_semaphore(%run_scoped3A : memref<!tpu.dma_semaphore, #tpu.memory_space<semaphore_mem>>)
      %dma_wait3A = tpu.memref_slice %arg5[%mul3A_2] : memref<320000xi32, #tpu.memory_space<hbm>> -> memref<10000xi32, #tpu.memory_space<hbm>>
      %dma_wait3A_33 = tpu.memref_slice %arg5[%mul3A_2] : memref<320000xi32, #tpu.memory_space<hbm>> -> memref<10000xi32, #tpu.memory_space<hbm>>
      tpu.wait_dma2 semaphore(%run_scoped3A : memref<!tpu.dma_semaphore, #tpu.memory_space<semaphore_mem>>) src(%dma_wait3A_33 : memref<10000xi32, #tpu.memory_space<hbm>>) dst(%arg10 : memref<10000xi32, #tpu.memory_space<vmem>>)
      tpu.yield
    }) : () -> ()
    %iota3A = tpu.iota {dimensions = array<i32: 0>} : vector<16xi32>
    %mul3A_3 = arith.constant 17 : i32
    %mul3A_4 = vector.broadcast %mul3A_3 : i32 to vector<16xi32>
    %mul3A_5 = arith.muli %iota3A, %mul3A_4 : vector<16xi32>
    %dma_start3A = arith.constant 0 : i32
    %dma_start3A_6 = tpu.memref_slice %arg8[%dma_start3A] : memref<10000xi32, #tpu.memory_space<vmem>> -> memref<80xi32, #tpu.memory_space<vmem>>
    %dma_start3A_7 = arith.constant 0 : i32
    %dma_start3A_8 = arith.constant 0 : i32
    %dma_start3A_9 = tpu.memref_slice %arg2[%dma_start3A_7, %dma_start3A_8] : memref<10000x64xi32, #tpu.memory_space<hbm>> -> memref<10000x64xi32, #tpu.memory_space<hbm>>
    tpu.enqueue_indirect_dma source(%dma_start3A_9 : memref<10000x64xi32, #tpu.memory_space<hbm>>) target(%arg11 : memref<80x64xi32, #tpu.memory_space<vmem>>) offsets(%dma_start3A_6 : memref<80xi32, #tpu.memory_space<vmem>>) semaphore(%arg19 : memref<!tpu.dma_semaphore, #tpu.memory_space<semaphore_mem>>)
    %dma_start3A_10 = arith.constant 0 : i32
    %dma_start3A_11 = tpu.memref_slice %arg9[%dma_start3A_10] : memref<10000xi32, #tpu.memory_space<vmem>> -> memref<80xi32, #tpu.memory_space<vmem>>
    %dma_start3A_12 = arith.constant 0 : i32
    %dma_start3A_13 = arith.constant 0 : i32
    %dma_start3A_14 = tpu.memref_slice %arg2[%dma_start3A_12, %dma_start3A_13] : memref<10000x64xi32, #tpu.memory_space<hbm>> -> memref<10000x64xi32, #tpu.memory_space<hbm>>
    tpu.enqueue_indirect_dma source(%dma_start3A_14 : memref<10000x64xi32, #tpu.memory_space<hbm>>) target(%arg12 : memref<80x64xi32, #tpu.memory_space<vmem>>) offsets(%dma_start3A_11 : memref<80xi32, #tpu.memory_space<vmem>>) semaphore(%arg20 : memref<!tpu.dma_semaphore, #tpu.memory_space<semaphore_mem>>)
    %dma_start3A_15 = arith.constant 0 : i32
    %dma_start3A_16 = tpu.memref_slice %arg10[%dma_start3A_15] : memref<10000xi32, #tpu.memory_space<vmem>> -> memref<80xi32, #tpu.memory_space<vmem>>
    %dma_start3A_17 = arith.constant 0 : i32
    %dma_start3A_18 = arith.constant 0 : i32
    %dma_start3A_19 = tpu.memref_slice %arg6[%dma_start3A_17, %dma_start3A_18] : memref<1000x64xi32, #tpu.memory_space<hbm>> -> memref<1000x64xi32, #tpu.memory_space<hbm>>
    tpu.enqueue_indirect_dma source(%dma_start3A_19 : memref<1000x64xi32, #tpu.memory_space<hbm>>) target(%arg13 : memref<80x64xi32, #tpu.memory_space<vmem>>) offsets(%dma_start3A_16 : memref<80xi32, #tpu.memory_space<vmem>>) semaphore(%arg21 : memref<!tpu.dma_semaphore, #tpu.memory_space<semaphore_mem>>)
    %scan3A = arith.constant 0 : i32
    %scan3A_20 = arith.constant 0 : i32
    %scan3A_21 = arith.constant 63 : i32
    %scan3A_22 = arith.addi %scan3A_20, %scan3A_21 : i32
    %scan3A_23 = arith.constant 1 : i32
    scf.for %scan3A_31 = %scan3A_20 to %scan3A_22 step %scan3A_23  : i32 {
      %mul3A_32 = arith.constant 2 : i32
      %mul3A_33 = arith.muli %mul3A_32, %scan3A_31 : i32
      %add3A_34 = arith.constant 1 : i32
      %add3A_35 = arith.addi %mul3A_33, %add3A_34 : i32
      %lt3A = arith.constant 125 : i32
      %lt3A_36 = arith.cmpi slt, %add3A_35, %lt3A : i32
      %convert_element_type3A = arith.extui %lt3A_36 : i1 to i32
      %cond3A = arith.constant 0 : i32
      %cond3A_37 = arith.cmpi ne, %convert_element_type3A, %cond3A : i32
      scf.if %cond3A_37 {
        %add3A_120 = arith.constant 1 : i32
        %add3A_121 = arith.addi %mul3A_33, %add3A_120 : i32
        %mul3A_122 = arith.constant 80 : i32
        %mul3A_123 = arith.muli %add3A_121, %mul3A_122 : i32
        %dma_start3A_124 = tpu.memref_slice %arg8[%mul3A_123] : memref<10000xi32, #tpu.memory_space<vmem>> -> memref<80xi32, #tpu.memory_space<vmem>>
        %dma_start3A_125 = arith.constant 0 : i32
        %dma_start3A_126 = arith.constant 0 : i32
        %dma_start3A_127 = tpu.memref_slice %arg2[%dma_start3A_125, %dma_start3A_126] : memref<10000x64xi32, #tpu.memory_space<hbm>> -> memref<10000x64xi32, #tpu.memory_space<hbm>>
        tpu.enqueue_indirect_dma source(%dma_start3A_127 : memref<10000x64xi32, #tpu.memory_space<hbm>>) target(%arg14 : memref<80x64xi32, #tpu.memory_space<vmem>>) offsets(%dma_start3A_124 : memref<80xi32, #tpu.memory_space<vmem>>) semaphore(%arg22 : memref<!tpu.dma_semaphore, #tpu.memory_space<semaphore_mem>>)
        %dma_start3A_128 = tpu.memref_slice %arg9[%mul3A_123] : memref<10000xi32, #tpu.memory_space<vmem>> -> memref<80xi32, #tpu.memory_space<vmem>>
        %dma_start3A_129 = arith.constant 0 : i32
        %dma_start3A_130 = arith.constant 0 : i32
        %dma_start3A_131 = tpu.memref_slice %arg2[%dma_start3A_129, %dma_start3A_130] : memref<10000x64xi32, #tpu.memory_space<hbm>> -> memref<10000x64xi32, #tpu.memory_space<hbm>>
        tpu.enqueue_indirect_dma source(%dma_start3A_131 : memref<10000x64xi32, #tpu.memory_space<hbm>>) target(%arg15 : memref<80x64xi32, #tpu.memory_space<vmem>>) offsets(%dma_start3A_128 : memref<80xi32, #tpu.memory_space<vmem>>) semaphore(%arg23 : memref<!tpu.dma_semaphore, #tpu.memory_space<semaphore_mem>>)
        %dma_start3A_132 = tpu.memref_slice %arg10[%mul3A_123] : memref<10000xi32, #tpu.memory_space<vmem>> -> memref<80xi32, #tpu.memory_space<vmem>>
        %dma_start3A_133 = arith.constant 0 : i32
        %dma_start3A_134 = arith.constant 0 : i32
        %dma_start3A_135 = tpu.memref_slice %arg6[%dma_start3A_133, %dma_start3A_134] : memref<1000x64xi32, #tpu.memory_space<hbm>> -> memref<1000x64xi32, #tpu.memory_space<hbm>>
        tpu.enqueue_indirect_dma source(%dma_start3A_135 : memref<1000x64xi32, #tpu.memory_space<hbm>>) target(%arg16 : memref<80x64xi32, #tpu.memory_space<vmem>>) offsets(%dma_start3A_132 : memref<80xi32, #tpu.memory_space<vmem>>) semaphore(%arg24 : memref<!tpu.dma_semaphore, #tpu.memory_space<semaphore_mem>>)
      } else {
      }
      %mul3A_38 = arith.constant 80 : i32
      %mul3A_39 = arith.muli %mul3A_33, %mul3A_38 : i32
      %dma_wait3A = tpu.memref_slice %arg8[%mul3A_39] : memref<10000xi32, #tpu.memory_space<vmem>> -> memref<80xi32, #tpu.memory_space<vmem>>
      %dma_wait3A_40 = arith.constant 0 : i32
      %dma_wait3A_41 = arith.constant 0 : i32
      %dma_wait3A_42 = tpu.memref_slice %arg2[%dma_wait3A_40, %dma_wait3A_41] : memref<10000x64xi32, #tpu.memory_space<hbm>> -> memref<10000x64xi32, #tpu.memory_space<hbm>>
      tpu.wait_indirect_dma semaphore(%arg19 : memref<!tpu.dma_semaphore, #tpu.memory_space<semaphore_mem>>) src(%dma_wait3A_42 : memref<10000x64xi32, #tpu.memory_space<hbm>>) dst(%arg11 : memref<80x64xi32, #tpu.memory_space<vmem>>)
      %dma_wait3A_43 = tpu.memref_slice %arg9[%mul3A_39] : memref<10000xi32, #tpu.memory_space<vmem>> -> memref<80xi32, #tpu.memory_space<vmem>>
      %dma_wait3A_44 = arith.constant 0 : i32
      %dma_wait3A_45 = arith.constant 0 : i32
      %dma_wait3A_46 = tpu.memref_slice %arg2[%dma_wait3A_44, %dma_wait3A_45] : memref<10000x64xi32, #tpu.memory_space<hbm>> -> memref<10000x64xi32, #tpu.memory_space<hbm>>
      tpu.wait_indirect_dma semaphore(%arg20 : memref<!tpu.dma_semaphore, #tpu.memory_space<semaphore_mem>>) src(%dma_wait3A_46 : memref<10000x64xi32, #tpu.memory_space<hbm>>) dst(%arg12 : memref<80x64xi32, #tpu.memory_space<vmem>>)
      %dma_wait3A_47 = tpu.memref_slice %arg10[%mul3A_39] : memref<10000xi32, #tpu.memory_space<vmem>> -> memref<80xi32, #tpu.memory_space<vmem>>
      %dma_wait3A_48 = arith.constant 0 : i32
      %dma_wait3A_49 = arith.constant 0 : i32
      %dma_wait3A_50 = tpu.memref_slice %arg6[%dma_wait3A_48, %dma_wait3A_49] : memref<1000x64xi32, #tpu.memory_space<hbm>> -> memref<1000x64xi32, #tpu.memory_space<hbm>>
      tpu.wait_indirect_dma semaphore(%arg21 : memref<!tpu.dma_semaphore, #tpu.memory_space<semaphore_mem>>) src(%dma_wait3A_50 : memref<1000x64xi32, #tpu.memory_space<hbm>>) dst(%arg13 : memref<80x64xi32, #tpu.memory_space<vmem>>)
      %mul3A_51 = arith.constant 80 : i32
      %mul3A_52 = arith.muli %mul3A_33, %mul3A_51 : i32
      %get3A = arith.constant 0 : i32
      %get3A_53 = arith.index_cast %get3A : i32 to index
      %get3A_54 = arith.constant 0 : index
      %get3A_55 = tpu.vector_load %arg11[%get3A_53, %get3A_54] {strides = array<i32>} : memref<80x64xi32, #tpu.memory_space<vmem>>, vector<16xi32>,
      %get3A_56 = arith.constant 0 : i32
      %get3A_57 = arith.index_cast %get3A_56 : i32 to index
      %get3A_58 = arith.constant 0 : index
      %get3A_59 = tpu.vector_load %arg12[%get3A_57, %get3A_58] {strides = array<i32>} : memref<80x64xi32, #tpu.memory_space<vmem>>, vector<16xi32>,
      %get3A_60 = arith.constant 0 : i32
      %get3A_61 = arith.index_cast %get3A_60 : i32 to index
      %get3A_62 = arith.constant 0 : index
      %get3A_63 = tpu.vector_load %arg13[%get3A_61, %get3A_62] {strides = array<i32>} : memref<80x64xi32, #tpu.memory_space<vmem>>, vector<16xi32>,
      %get3A_64 = arith.constant 0 : i32
      %get3A_65 = arith.index_cast %get3A_64 : i32 to index
      %get3A_66 = arith.constant 16 : index
      %get3A_67 = tpu.vector_load %arg11[%get3A_65, %get3A_66] {strides = array<i32>} : memref<80x64xi32, #tpu.memory_space<vmem>>, vector<16xi32>,
      %get3A_68 = arith.constant 0 : i32
      %get3A_69 = arith.index_cast %get3A_68 : i32 to index
      %get3A_70 = arith.constant 16 : index
      %get3A_71 = tpu.vector_load %arg12[%get3A_69, %get3A_70] {strides = array<i32>} : memref<80x64xi32, #tpu.memory_space<vmem>>, vector<16xi32>,
      %get3A_72 = arith.constant 0 : i32
      %get3A_73 = arith.index_cast %get3A_72 : i32 to index
      %get3A_74 = arith.constant 16 : index
      %get3A_75 = tpu.vector_load %arg13[%get3A_73, %get3A_74] {strides = array<i32>} : memref<80x64xi32, #tpu.memory_space<vmem>>, vector<16xi32>,
      %get3A_76 = arith.constant 0 : i32
      %get3A_77 = arith.index_cast %get3A_76 : i32 to index
      %get3A_78 = arith.constant 32 : index
      %get3A_79 = tpu.vector_load %arg11[%get3A_77, %get3A_78] {strides = array<i32>} : memref<80x64xi32, #tpu.memory_space<vmem>>, vector<16xi32>,
      %get3A_80 = arith.constant 0 : i32
      %get3A_81 = arith.index_cast %get3A_80 : i32 to index
      %get3A_82 = arith.constant 32 : index
      %get3A_83 = tpu.vector_load %arg12[%get3A_81, %get3A_82] {strides = array<i32>} : memref<80x64xi32, #tpu.memory_space<vmem>>, vector<16xi32>,
      %get3A_84 = arith.constant 0 : i32
      %get3A_85 = arith.index_cast %get3A_84 : i32 to index
      %get3A_86 = arith.constant 32 : index
      %get3A_87 = tpu.vector_load %arg13[%get3A_85, %get3A_86] {strides = array<i32>} : memref<80x64xi32, #tpu.memory_space<vmem>>, vector<16xi32>,
      %get3A_88 = arith.constant 0 : i32
      %get3A_89 = arith.index_cast %get3A_88 : i32 to index
      %get3A_90 = arith.constant 48 : index
      %get3A_91 = tpu.vector_load %arg11[%get3A_89, %get3A_90] {strides = array<i32>} : memref<80x64xi32, #tpu.memory_space<vmem>>, vector<16xi32>,
      %get3A_92 = arith.constant 0 : i32
      %get3A_93 = arith.index_cast %get3A_92 : i32 to index
      %get3A_94 = arith.constant 48 : index
      %get3A_95 = tpu.vector_load %arg12[%get3A_93, %get3A_94] {strides = array<i32>} : memref<80x64xi32, #tpu.memory_space<vmem>>, vector<16xi32>,
      %get3A_96 = arith.constant 0 : i32
      %get3A_97 = arith.index_cast %get3A_96 : i32 to index
      %get3A_98 = arith.constant 48 : index
      %get3A_99 = tpu.vector_load %arg13[%get3A_97, %get3A_98] {strides = array<i32>} : memref<80x64xi32, #tpu.memory_space<vmem>>, vector<16xi32>,
      %scan3A_100 = arith.constant 0 : i32
      %scan3A_101 = arith.constant 5 : i32
      %scan3A_102 = arith.addi %scan3A_100, %scan3A_101 : i32
      %scan3A_103 = arith.constant 1 : i32
      %scan3A_104:12 = scf.for %scan3A_120 = %scan3A_100 to %scan3A_102 step %scan3A_103 iter_args(%scan3A_121 = %get3A_55, %scan3A_122 = %get3A_59, %scan3A_123 = %get3A_63, %scan3A_124 = %get3A_67, %scan3A_125 = %get3A_71, %scan3A_126 = %get3A_75, %scan3A_127 = %get3A_79, %scan3A_128 = %get3A_83, %scan3A_129 = %get3A_87, %scan3A_130 = %get3A_91, %scan3A_131 = %get3A_95, %scan3A_132 = %get3A_99) -> (vector<16xi32>, vector<16xi32>, vector<16xi32>, vector<16xi32>, vector<16xi32>, vector<16xi32>, vector<16xi32>, vector<16xi32>, vector<16xi32>, vector<16xi32>, vector<16xi32>, vector<16xi32>)  : i32 {
        %mul3A_133 = arith.constant 16 : i32
        %mul3A_134 = arith.muli %scan3A_120, %mul3A_133 : i32
        %add3A_135 = arith.constant 0 : i32
        %add3A_136 = arith.addi %mul3A_134, %add3A_135 : i32
        %add3A_137 = arith.constant 1 : i32
        %add3A_138 = arith.addi %add3A_136, %add3A_137 : i32
        %get3A_139 = arith.index_cast %add3A_138 : i32 to index
        %get3A_140 = arith.constant 0 : index
        %get3A_141 = tpu.vector_load %arg11[%get3A_139, %get3A_140] {strides = array<i32>} : memref<80x64xi32, #tpu.memory_space<vmem>>, vector<16xi32>,
        %get3A_142 = arith.index_cast %add3A_138 : i32 to index
        %get3A_143 = arith.constant 0 : index
        %get3A_144 = tpu.vector_load %arg12[%get3A_142, %get3A_143] {strides = array<i32>} : memref<80x64xi32, #tpu.memory_space<vmem>>, vector<16xi32>,
        %get3A_145 = arith.index_cast %add3A_138 : i32 to index
        %get3A_146 = arith.constant 0 : index
        %get3A_147 = tpu.vector_load %arg13[%get3A_145, %get3A_146] {strides = array<i32>} : memref<80x64xi32, #tpu.memory_space<vmem>>, vector<16xi32>,
        %get3A_148 = arith.index_cast %add3A_138 : i32 to index
        %get3A_149 = arith.constant 16 : index
        %get3A_150 = tpu.vector_load %arg11[%get3A_148, %get3A_149] {strides = array<i32>} : memref<80x64xi32, #tpu.memory_space<vmem>>, vector<16xi32>,
        %get3A_151 = arith.index_cast %add3A_138 : i32 to index
        %get3A_152 = arith.constant 16 : index
        %get3A_153 = tpu.vector_load %arg12[%get3A_151, %get3A_152] {strides = array<i32>} : memref<80x64xi32, #tpu.memory_space<vmem>>, vector<16xi32>,
        %get3A_154 = arith.index_cast %add3A_138 : i32 to index
        %get3A_155 = arith.constant 16 : index
        %get3A_156 = tpu.vector_load %arg13[%get3A_154, %get3A_155] {strides = array<i32>} : memref<80x64xi32, #tpu.memory_space<vmem>>, vector<16xi32>,
        %get3A_157 = arith.index_cast %add3A_138 : i32 to index
        %get3A_158 = arith.constant 32 : index
        %get3A_159 = tpu.vector_load %arg11[%get3A_157, %get3A_158] {strides = array<i32>} : memref<80x64xi32, #tpu.memory_space<vmem>>, vector<16xi32>,
        %get3A_160 = arith.index_cast %add3A_138 : i32 to index
        %get3A_161 = arith.constant 32 : index
        %get3A_162 = tpu.vector_load %arg12[%get3A_160, %get3A_161] {strides = array<i32>} : memref<80x64xi32, #tpu.memory_space<vmem>>, vector<16xi32>,
        %get3A_163 = arith.index_cast %add3A_138 : i32 to index
        %get3A_164 = arith.constant 32 : index
        %get3A_165 = tpu.vector_load %arg13[%get3A_163, %get3A_164] {strides = array<i32>} : memref<80x64xi32, #tpu.memory_space<vmem>>, vector<16xi32>,
        %get3A_166 = arith.index_cast %add3A_138 : i32 to index
        %get3A_167 = arith.constant 48 : index
        %get3A_168 = tpu.vector_load %arg11[%get3A_166, %get3A_167] {strides = array<i32>} : memref<80x64xi32, #tpu.memory_space<vmem>>, vector<16xi32>,
        %get3A_169 = arith.index_cast %add3A_138 : i32 to index
        %get3A_170 = arith.constant 48 : index
        %get3A_171 = tpu.vector_load %arg12[%get3A_169, %get3A_170] {strides = array<i32>} : memref<80x64xi32, #tpu.memory_space<vmem>>, vector<16xi32>,
        %get3A_172 = arith.index_cast %add3A_138 : i32 to index
        %get3A_173 = arith.constant 48 : index
        %get3A_174 = tpu.vector_load %arg13[%get3A_172, %get3A_173] {strides = array<i32>} : memref<80x64xi32, #tpu.memory_space<vmem>>, vector<16xi32>,
        %bitcast3A = vector.bitcast %scan3A_121 : vector<16xi32> to vector<32xbf16>
        %bitcast3A_175 = vector.bitcast %scan3A_122 : vector<16xi32> to vector<32xbf16>
        %mul3A_176 = arith.mulf %bitcast3A, %bitcast3A_175 : vector<32xbf16>
        %bitcast3A_177 = vector.bitcast %scan3A_123 : vector<16xi32> to vector<32xbf16>
        %mul3A_178 = arith.mulf %mul3A_176, %bitcast3A_177 : vector<32xbf16>
        %bitcast3A_179 = vector.bitcast %scan3A_124 : vector<16xi32> to vector<32xbf16>
        %bitcast3A_180 = vector.bitcast %scan3A_125 : vector<16xi32> to vector<32xbf16>
        %mul3A_181 = arith.mulf %bitcast3A_179, %bitcast3A_180 : vector<32xbf16>
        %bitcast3A_182 = vector.bitcast %scan3A_126 : vector<16xi32> to vector<32xbf16>
        %mul3A_183 = arith.mulf %mul3A_181, %bitcast3A_182 : vector<32xbf16>
        %bitcast3A_184 = vector.bitcast %scan3A_127 : vector<16xi32> to vector<32xbf16>
        %bitcast3A_185 = vector.bitcast %scan3A_128 : vector<16xi32> to vector<32xbf16>
        %mul3A_186 = arith.mulf %bitcast3A_184, %bitcast3A_185 : vector<32xbf16>
        %bitcast3A_187 = vector.bitcast %scan3A_129 : vector<16xi32> to vector<32xbf16>
        %mul3A_188 = arith.mulf %mul3A_186, %bitcast3A_187 : vector<32xbf16>
        %bitcast3A_189 = vector.bitcast %scan3A_130 : vector<16xi32> to vector<32xbf16>
        %bitcast3A_190 = vector.bitcast %scan3A_131 : vector<16xi32> to vector<32xbf16>
        %mul3A_191 = arith.mulf %bitcast3A_189, %bitcast3A_190 : vector<32xbf16>
        %bitcast3A_192 = vector.bitcast %scan3A_132 : vector<16xi32> to vector<32xbf16>
        %mul3A_193 = arith.mulf %mul3A_191, %bitcast3A_192 : vector<32xbf16>
        %add3A_194 = arith.addf %mul3A_178, %mul3A_183 : vector<32xbf16>
        %add3A_195 = arith.addf %mul3A_188, %mul3A_193 : vector<32xbf16>
        %add3A_196 = arith.addf %add3A_194, %add3A_195 : vector<32xbf16>
        %add3A_197 = arith.constant 0 : i32
        %add3A_198 = vector.broadcast %add3A_197 : i32 to vector<16xi32>
        %add3A_199 = arith.addi %mul3A_5, %add3A_198 : vector<16xi32>
        %bitcast3A_200 = vector.bitcast %add3A_196 : vector<32xbf16> to vector<16xi32>
        tpu.vector_store_idx %arg18[%add3A_199], %bitcast3A_200 : memref<272xi32, #tpu.memory_space<vmem>>[vector<16xi32>], vector<16xi32>,
        %mul3A_201 = arith.constant 16 : i32
        %mul3A_202 = arith.muli %scan3A_120, %mul3A_201 : i32
        %add3A_203 = arith.constant 1 : i32
        %add3A_204 = arith.addi %mul3A_202, %add3A_203 : i32
        %add3A_205 = arith.constant 1 : i32
        %add3A_206 = arith.addi %add3A_204, %add3A_205 : i32
        %get3A_207 = arith.index_cast %add3A_206 : i32 to index
        %get3A_208 = arith.constant 0 : index
        %get3A_209 = tpu.vector_load %arg11[%get3A_207, %get3A_208] {strides = array<i32>} : memref<80x64xi32, #tpu.memory_space<vmem>>, vector<16xi32>,
        %get3A_210 = arith.index_cast %add3A_206 : i32 to index
        %get3A_211 = arith.constant 0 : index
        %get3A_212 = tpu.vector_load %arg12[%get3A_210, %get3A_211] {strides = array<i32>} : memref<80x64xi32, #tpu.memory_space<vmem>>, vector<16xi32>,
        %get3A_213 = arith.index_cast %add3A_206 : i32 to index
        %get3A_214 = arith.constant 0 : index
        %get3A_215 = tpu.vector_load %arg13[%get3A_213, %get3A_214] {strides = array<i32>} : memref<80x64xi32, #tpu.memory_space<vmem>>, vector<16xi32>,
        %get3A_216 = arith.index_cast %add3A_206 : i32 to index
        %get3A_217 = arith.constant 16 : index
        %get3A_218 = tpu.vector_load %arg11[%get3A_216, %get3A_217] {strides = array<i32>} : memref<80x64xi32, #tpu.memory_space<vmem>>, vector<16xi32>,
        %get3A_219 = arith.index_cast %add3A_206 : i32 to index
        %get3A_220 = arith.constant 16 : index
        %get3A_221 = tpu.vector_load %arg12[%get3A_219, %get3A_220] {strides = array<i32>} : memref<80x64xi32, #tpu.memory_space<vmem>>, vector<16xi32>,
        %get3A_222 = arith.index_cast %add3A_206 : i32 to index
        %get3A_223 = arith.constant 16 : index
        %get3A_224 = tpu.vector_load %arg13[%get3A_222, %get3A_223] {strides = array<i32>} : memref<80x64xi32, #tpu.memory_space<vmem>>, vector<16xi32>,
        %get3A_225 = arith.index_cast %add3A_206 : i32 to index
        %get3A_226 = arith.constant 32 : index
        %get3A_227 = tpu.vector_load %arg11[%get3A_225, %get3A_226] {strides = array<i32>} : memref<80x64xi32, #tpu.memory_space<vmem>>, vector<16xi32>,
        %get3A_228 = arith.index_cast %add3A_206 : i32 to index
        %get3A_229 = arith.constant 32 : index
        %get3A_230 = tpu.vector_load %arg12[%get3A_228, %get3A_229] {strides = array<i32>} : memref<80x64xi32, #tpu.memory_space<vmem>>, vector<16xi32>,
        %get3A_231 = arith.index_cast %add3A_206 : i32 to index
        %get3A_232 = arith.constant 32 : index
        %get3A_233 = tpu.vector_load %arg13[%get3A_231, %get3A_232] {strides = array<i32>} : memref<80x64xi32, #tpu.memory_space<vmem>>, vector<16xi32>,
        %get3A_234 = arith.index_cast %add3A_206 : i32 to index
        %get3A_235 = arith.constant 48 : index
        %get3A_236 = tpu.vector_load %arg11[%get3A_234, %get3A_235] {strides = array<i32>} : memref<80x64xi32, #tpu.memory_space<vmem>>, vector<16xi32>,
        %get3A_237 = arith.index_cast %add3A_206 : i32 to index
        %get3A_238 = arith.constant 48 : index
        %get3A_239 = tpu.vector_load %arg12[%get3A_237, %get3A_238] {strides = array<i32>} : memref<80x64xi32, #tpu.memory_space<vmem>>, vector<16xi32>,
        %get3A_240 = arith.index_cast %add3A_206 : i32 to index
        %get3A_241 = arith.constant 48 : index
        %get3A_242 = tpu.vector_load %arg13[%get3A_240, %get3A_241] {strides = array<i32>} : memref<80x64xi32, #tpu.memory_space<vmem>>, vector<16xi32>,
        %bitcast3A_243 = vector.bitcast %get3A_141 : vector<16xi32> to vector<32xbf16>
        %bitcast3A_244 = vector.bitcast %get3A_144 : vector<16xi32> to vector<32xbf16>
        %mul3A_245 = arith.mulf %bitcast3A_243, %bitcast3A_244 : vector<32xbf16>
        %bitcast3A_246 = vector.bitcast %get3A_147 : vector<16xi32> to vector<32xbf16>
        %mul3A_247 = arith.mulf %mul3A_245, %bitcast3A_246 : vector<32xbf16>
        %bitcast3A_248 = vector.bitcast %get3A_150 : vector<16xi32> to vector<32xbf16>
        %bitcast3A_249 = vector.bitcast %get3A_153 : vector<16xi32> to vector<32xbf16>
        %mul3A_250 = arith.mulf %bitcast3A_248, %bitcast3A_249 : vector<32xbf16>
        %bitcast3A_251 = vector.bitcast %get3A_156 : vector<16xi32> to vector<32xbf16>
        %mul3A_252 = arith.mulf %mul3A_250, %bitcast3A_251 : vector<32xbf16>
        %bitcast3A_253 = vector.bitcast %get3A_159 : vector<16xi32> to vector<32xbf16>
        %bitcast3A_254 = vector.bitcast %get3A_162 : vector<16xi32> to vector<32xbf16>
        %mul3A_255 = arith.mulf %bitcast3A_253, %bitcast3A_254 : vector<32xbf16>
        %bitcast3A_256 = vector.bitcast %get3A_165 : vector<16xi32> to vector<32xbf16>
        %mul3A_257 = arith.mulf %mul3A_255, %bitcast3A_256 : vector<32xbf16>
        %bitcast3A_258 = vector.bitcast %get3A_168 : vector<16xi32> to vector<32xbf16>
        %bitcast3A_259 = vector.bitcast %get3A_171 : vector<16xi32> to vector<32xbf16>
        %mul3A_260 = arith.mulf %bitcast3A_258, %bitcast3A_259 : vector<32xbf16>
        %bitcast3A_261 = vector.bitcast %get3A_174 : vector<16xi32> to vector<32xbf16>
        %mul3A_262 = arith.mulf %mul3A_260, %bitcast3A_261 : vector<32xbf16>
        %add3A_263 = arith.addf %mul3A_247, %mul3A_252 : vector<32xbf16>
        %add3A_264 = arith.addf %mul3A_257, %mul3A_262 : vector<32xbf16>
        %add3A_265 = arith.addf %add3A_263, %add3A_264 : vector<32xbf16>
        %add3A_266 = arith.constant 1 : i32
        %add3A_267 = vector.broadcast %add3A_266 : i32 to vector<16xi32>
        %add3A_268 = arith.addi %mul3A_5, %add3A_267 : vector<16xi32>
        %bitcast3A_269 = vector.bitcast %add3A_265 : vector<32xbf16> to vector<16xi32>
        tpu.vector_store_idx %arg18[%add3A_268], %bitcast3A_269 : memref<272xi32, #tpu.memory_space<vmem>>[vector<16xi32>], vector<16xi32>,
        %mul3A_270 = arith.constant 16 : i32
        %mul3A_271 = arith.muli %scan3A_120, %mul3A_270 : i32
        %add3A_272 = arith.constant 2 : i32
        %add3A_273 = arith.addi %mul3A_271, %add3A_272 : i32
        %add3A_274 = arith.constant 1 : i32
        %add3A_275 = arith.addi %add3A_273, %add3A_274 : i32
        %get3A_276 = arith.index_cast %add3A_275 : i32 to index
        %get3A_277 = arith.constant 0 : index
        %get3A_278 = tpu.vector_load %arg11[%get3A_276, %get3A_277] {strides = array<i32>} : memref<80x64xi32, #tpu.memory_space<vmem>>, vector<16xi32>,
        %get3A_279 = arith.index_cast %add3A_275 : i32 to index
        %get3A_280 = arith.constant 0 : index
        %get3A_281 = tpu.vector_load %arg12[%get3A_279, %get3A_280] {strides = array<i32>} : memref<80x64xi32, #tpu.memory_space<vmem>>, vector<16xi32>,
        %get3A_282 = arith.index_cast %add3A_275 : i32 to index
        %get3A_283 = arith.constant 0 : index
        %get3A_284 = tpu.vector_load %arg13[%get3A_282, %get3A_283] {strides = array<i32>} : memref<80x64xi32, #tpu.memory_space<vmem>>, vector<16xi32>,
        %get3A_285 = arith.index_cast %add3A_275 : i32 to index
        %get3A_286 = arith.constant 16 : index
        %get3A_287 = tpu.vector_load %arg11[%get3A_285, %get3A_286] {strides = array<i32>} : memref<80x64xi32, #tpu.memory_space<vmem>>, vector<16xi32>,
        %get3A_288 = arith.index_cast %add3A_275 : i32 to index
        %get3A_289 = arith.constant 16 : index
        %get3A_290 = tpu.vector_load %arg12[%get3A_288, %get3A_289] {strides = array<i32>} : memref<80x64xi32, #tpu.memory_space<vmem>>, vector<16xi32>,
        %get3A_291 = arith.index_cast %add3A_275 : i32 to index
        %get3A_292 = arith.constant 16 : index
        %get3A_293 = tpu.vector_load %arg13[%get3A_291, %get3A_292] {strides = array<i32>} : memref<80x64xi32, #tpu.memory_space<vmem>>, vector<16xi32>,
        %get3A_294 = arith.index_cast %add3A_275 : i32 to index
        %get3A_295 = arith.constant 32 : index
        %get3A_296 = tpu.vector_load %arg11[%get3A_294, %get3A_295] {strides = array<i32>} : memref<80x64xi32, #tpu.memory_space<vmem>>, vector<16xi32>,
        %get3A_297 = arith.index_cast %add3A_275 : i32 to index
        %get3A_298 = arith.constant 32 : index
        %get3A_299 = tpu.vector_load %arg12[%get3A_297, %get3A_298] {strides = array<i32>} : memref<80x64xi32, #tpu.memory_space<vmem>>, vector<16xi32>,
        %get3A_300 = arith.index_cast %add3A_275 : i32 to index
        %get3A_301 = arith.constant 32 : index
        %get3A_302 = tpu.vector_load %arg13[%get3A_300, %get3A_301] {strides = array<i32>} : memref<80x64xi32, #tpu.memory_space<vmem>>, vector<16xi32>,
        %get3A_303 = arith.index_cast %add3A_275 : i32 to index
        %get3A_304 = arith.constant 48 : index
        %get3A_305 = tpu.vector_load %arg11[%get3A_303, %get3A_304] {strides = array<i32>} : memref<80x64xi32, #tpu.memory_space<vmem>>, vector<16xi32>,
        %get3A_306 = arith.index_cast %add3A_275 : i32 to index
        %get3A_307 = arith.constant 48 : index
        %get3A_308 = tpu.vector_load %arg12[%get3A_306, %get3A_307] {strides = array<i32>} : memref<80x64xi32, #tpu.memory_space<vmem>>, vector<16xi32>,
        %get3A_309 = arith.index_cast %add3A_275 : i32 to index
        %get3A_310 = arith.constant 48 : index
        %get3A_311 = tpu.vector_load %arg13[%get3A_309, %get3A_310] {strides = array<i32>} : memref<80x64xi32, #tpu.memory_space<vmem>>, vector<16xi32>,
        %bitcast3A_312 = vector.bitcast %get3A_209 : vector<16xi32> to vector<32xbf16>
        %bitcast3A_313 = vector.bitcast %get3A_212 : vector<16xi32> to vector<32xbf16>
        %mul3A_314 = arith.mulf %bitcast3A_312, %bitcast3A_313 : vector<32xbf16>
        %bitcast3A_315 = vector.bitcast %get3A_215 : vector<16xi32> to vector<32xbf16>
        %mul3A_316 = arith.mulf %mul3A_314, %bitcast3A_315 : vector<32xbf16>
        %bitcast3A_317 = vector.bitcast %get3A_218 : vector<16xi32> to vector<32xbf16>
        %bitcast3A_318 = vector.bitcast %get3A_221 : vector<16xi32> to vector<32xbf16>
        %mul3A_319 = arith.mulf %bitcast3A_317, %bitcast3A_318 : vector<32xbf16>
        %bitcast3A_320 = vector.bitcast %get3A_224 : vector<16xi32> to vector<32xbf16>
        %mul3A_321 = arith.mulf %mul3A_319, %bitcast3A_320 : vector<32xbf16>
        %bitcast3A_322 = vector.bitcast %get3A_227 : vector<16xi32> to vector<32xbf16>
        %bitcast3A_323 = vector.bitcast %get3A_230 : vector<16xi32> to vector<32xbf16>
        %mul3A_324 = arith.mulf %bitcast3A_322, %bitcast3A_323 : vector<32xbf16>
        %bitcast3A_325 = vector.bitcast %get3A_233 : vector<16xi32> to vector<32xbf16>
        %mul3A_326 = arith.mulf %mul3A_324, %bitcast3A_325 : vector<32xbf16>
        %bitcast3A_327 = vector.bitcast %get3A_236 : vector<16xi32> to vector<32xbf16>
        %bitcast3A_328 = vector.bitcast %get3A_239 : vector<16xi32> to vector<32xbf16>
        %mul3A_329 = arith.mulf %bitcast3A_327, %bitcast3A_328 : vector<32xbf16>
        %bitcast3A_330 = vector.bitcast %get3A_242 : vector<16xi32> to vector<32xbf16>
        %mul3A_331 = arith.mulf %mul3A_329, %bitcast3A_330 : vector<32xbf16>
        %add3A_332 = arith.addf %mul3A_316, %mul3A_321 : vector<32xbf16>
        %add3A_333 = arith.addf %mul3A_326, %mul3A_331 : vector<32xbf16>
        %add3A_334 = arith.addf %add3A_332, %add3A_333 : vector<32xbf16>
        %add3A_335 = arith.constant 2 : i32
        %add3A_336 = vector.broadcast %add3A_335 : i32 to vector<16xi32>
        %add3A_337 = arith.addi %mul3A_5, %add3A_336 : vector<16xi32>
        %bitcast3A_338 = vector.bitcast %add3A_334 : vector<32xbf16> to vector<16xi32>
        tpu.vector_store_idx %arg18[%add3A_337], %bitcast3A_338 : memref<272xi32, #tpu.memory_space<vmem>>[vector<16xi32>], vector<16xi32>,
        %mul3A_339 = arith.constant 16 : i32
        %mul3A_340 = arith.muli %scan3A_120, %mul3A_339 : i32
        %add3A_341 = arith.constant 3 : i32
        %add3A_342 = arith.addi %mul3A_340, %add3A_341 : i32
        %add3A_343 = arith.constant 1 : i32
        %add3A_344 = arith.addi %add3A_342, %add3A_343 : i32
        %get3A_345 = arith.index_cast %add3A_344 : i32 to index
        %get3A_346 = arith.constant 0 : index
        %get3A_347 = tpu.vector_load %arg11[%get3A_345, %get3A_346] {strides = array<i32>} : memref<80x64xi32, #tpu.memory_space<vmem>>, vector<16xi32>,
        %get3A_348 = arith.index_cast %add3A_344 : i32 to index
        %get3A_349 = arith.constant 0 : index
        %get3A_350 = tpu.vector_load %arg12[%get3A_348, %get3A_349] {strides = array<i32>} : memref<80x64xi32, #tpu.memory_space<vmem>>, vector<16xi32>,
        %get3A_351 = arith.index_cast %add3A_344 : i32 to index
        %get3A_352 = arith.constant 0 : index
        %get3A_353 = tpu.vector_load %arg13[%get3A_351, %get3A_352] {strides = array<i32>} : memref<80x64xi32, #tpu.memory_space<vmem>>, vector<16xi32>,
        %get3A_354 = arith.index_cast %add3A_344 : i32 to index
        %get3A_355 = arith.constant 16 : index
        %get3A_356 = tpu.vector_load %arg11[%get3A_354, %get3A_355] {strides = array<i32>} : memref<80x64xi32, #tpu.memory_space<vmem>>, vector<16xi32>,
        %get3A_357 = arith.index_cast %add3A_344 : i32 to index
        %get3A_358 = arith.constant 16 : index
        %get3A_359 = tpu.vector_load %arg12[%get3A_357, %get3A_358] {strides = array<i32>} : memref<80x64xi32, #tpu.memory_space<vmem>>, vector<16xi32>,
        %get3A_360 = arith.index_cast %add3A_344 : i32 to index
        %get3A_361 = arith.constant 16 : index
        %get3A_362 = tpu.vector_load %arg13[%get3A_360, %get3A_361] {strides = array<i32>} : memref<80x64xi32, #tpu.memory_space<vmem>>, vector<16xi32>,
        %get3A_363 = arith.index_cast %add3A_344 : i32 to index
        %get3A_364 = arith.constant 32 : index
        %get3A_365 = tpu.vector_load %arg11[%get3A_363, %get3A_364] {strides = array<i32>} : memref<80x64xi32, #tpu.memory_space<vmem>>, vector<16xi32>,
        %get3A_366 = arith.index_cast %add3A_344 : i32 to index
        %get3A_367 = arith.constant 32 : index
        %get3A_368 = tpu.vector_load %arg12[%get3A_366, %get3A_367] {strides = array<i32>} : memref<80x64xi32, #tpu.memory_space<vmem>>, vector<16xi32>,
        %get3A_369 = arith.index_cast %add3A_344 : i32 to index
        %get3A_370 = arith.constant 32 : index
        %get3A_371 = tpu.vector_load %arg13[%get3A_369, %get3A_370] {strides = array<i32>} : memref<80x64xi32, #tpu.memory_space<vmem>>, vector<16xi32>,
        %get3A_372 = arith.index_cast %add3A_344 : i32 to index
        %get3A_373 = arith.constant 48 : index
        %get3A_374 = tpu.vector_load %arg11[%get3A_372, %get3A_373] {strides = array<i32>} : memref<80x64xi32, #tpu.memory_space<vmem>>, vector<16xi32>,
        %get3A_375 = arith.index_cast %add3A_344 : i32 to index
        %get3A_376 = arith.constant 48 : index
        %get3A_377 = tpu.vector_load %arg12[%get3A_375, %get3A_376] {strides = array<i32>} : memref<80x64xi32, #tpu.memory_space<vmem>>, vector<16xi32>,
        %get3A_378 = arith.index_cast %add3A_344 : i32 to index
        %get3A_379 = arith.constant 48 : index
        %get3A_380 = tpu.vector_load %arg13[%get3A_378, %get3A_379] {strides = array<i32>} : memref<80x64xi32, #tpu.memory_space<vmem>>, vector<16xi32>,
        %bitcast3A_381 = vector.bitcast %get3A_278 : vector<16xi32> to vector<32xbf16>
        %bitcast3A_382 = vector.bitcast %get3A_281 : vector<16xi32> to vector<32xbf16>
        %mul3A_383 = arith.mulf %bitcast3A_381, %bitcast3A_382 : vector<32xbf16>
        %bitcast3A_384 = vector.bitcast %get3A_284 : vector<16xi32> to vector<32xbf16>
        %mul3A_385 = arith.mulf %mul3A_383, %bitcast3A_384 : vector<32xbf16>
        %bitcast3A_386 = vector.bitcast %get3A_287 : vector<16xi32> to vector<32xbf16>
        %bitcast3A_387 = vector.bitcast %get3A_290 : vector<16xi32> to vector<32xbf16>
        %mul3A_388 = arith.mulf %bitcast3A_386, %bitcast3A_387 : vector<32xbf16>
        %bitcast3A_389 = vector.bitcast %get3A_293 : vector<16xi32> to vector<32xbf16>
        %mul3A_390 = arith.mulf %mul3A_388, %bitcast3A_389 : vector<32xbf16>
        %bitcast3A_391 = vector.bitcast %get3A_296 : vector<16xi32> to vector<32xbf16>
        %bitcast3A_392 = vector.bitcast %get3A_299 : vector<16xi32> to vector<32xbf16>
        %mul3A_393 = arith.mulf %bitcast3A_391, %bitcast3A_392 : vector<32xbf16>
        %bitcast3A_394 = vector.bitcast %get3A_302 : vector<16xi32> to vector<32xbf16>
        %mul3A_395 = arith.mulf %mul3A_393, %bitcast3A_394 : vector<32xbf16>
        %bitcast3A_396 = vector.bitcast %get3A_305 : vector<16xi32> to vector<32xbf16>
        %bitcast3A_397 = vector.bitcast %get3A_308 : vector<16xi32> to vector<32xbf16>
        %mul3A_398 = arith.mulf %bitcast3A_396, %bitcast3A_397 : vector<32xbf16>
        %bitcast3A_399 = vector.bitcast %get3A_311 : vector<16xi32> to vector<32xbf16>
        %mul3A_400 = arith.mulf %mul3A_398, %bitcast3A_399 : vector<32xbf16>
        %add3A_401 = arith.addf %mul3A_385, %mul3A_390 : vector<32xbf16>
        %add3A_402 = arith.addf %mul3A_395, %mul3A_400 : vector<32xbf16>
        %add3A_403 = arith.addf %add3A_401, %add3A_402 : vector<32xbf16>
        %add3A_404 = arith.constant 3 : i32
        %add3A_405 = vector.broadcast %add3A_404 : i32 to vector<16xi32>
        %add3A_406 = arith.addi %mul3A_5, %add3A_405 : vector<16xi32>
        %bitcast3A_407 = vector.bitcast %add3A_403 : vector<32xbf16> to vector<16xi32>
        tpu.vector_store_idx %arg18[%add3A_406], %bitcast3A_407 : memref<272xi32, #tpu.memory_space<vmem>>[vector<16xi32>], vector<16xi32>,
        %mul3A_408 = arith.constant 16 : i32
        %mul3A_409 = arith.muli %scan3A_120, %mul3A_408 : i32
        %add3A_410 = arith.constant 4 : i32
        %add3A_411 = arith.addi %mul3A_409, %add3A_410 : i32
        %add3A_412 = arith.constant 1 : i32
        %add3A_413 = arith.addi %add3A_411, %add3A_412 : i32
        %get3A_414 = arith.index_cast %add3A_413 : i32 to index
        %get3A_415 = arith.constant 0 : index
        %get3A_416 = tpu.vector_load %arg11[%get3A_414, %get3A_415] {strides = array<i32>} : memref<80x64xi32, #tpu.memory_space<vmem>>, vector<16xi32>,
        %get3A_417 = arith.index_cast %add3A_413 : i32 to index
        %get3A_418 = arith.constant 0 : index
        %get3A_419 = tpu.vector_load %arg12[%get3A_417, %get3A_418] {strides = array<i32>} : memref<80x64xi32, #tpu.memory_space<vmem>>, vector<16xi32>,
        %get3A_420 = arith.index_cast %add3A_413 : i32 to index
        %get3A_421 = arith.constant 0 : index
        %get3A_422 = tpu.vector_load %arg13[%get3A_420, %get3A_421] {strides = array<i32>} : memref<80x64xi32, #tpu.memory_space<vmem>>, vector<16xi32>,
        %get3A_423 = arith.index_cast %add3A_413 : i32 to index
        %get3A_424 = arith.constant 16 : index
        %get3A_425 = tpu.vector_load %arg11[%get3A_423, %get3A_424] {strides = array<i32>} : memref<80x64xi32, #tpu.memory_space<vmem>>, vector<16xi32>,
        %get3A_426 = arith.index_cast %add3A_413 : i32 to index
        %get3A_427 = arith.constant 16 : index
        %get3A_428 = tpu.vector_load %arg12[%get3A_426, %get3A_427] {strides = array<i32>} : memref<80x64xi32, #tpu.memory_space<vmem>>, vector<16xi32>,
        %get3A_429 = arith.index_cast %add3A_413 : i32 to index
        %get3A_430 = arith.constant 16 : index
        %get3A_431 = tpu.vector_load %arg13[%get3A_429, %get3A_430] {strides = array<i32>} : memref<80x64xi32, #tpu.memory_space<vmem>>, vector<16xi32>,
        %get3A_432 = arith.index_cast %add3A_413 : i32 to index
        %get3A_433 = arith.constant 32 : index
        %get3A_434 = tpu.vector_load %arg11[%get3A_432, %get3A_433] {strides = array<i32>} : memref<80x64xi32, #tpu.memory_space<vmem>>, vector<16xi32>,
        %get3A_435 = arith.index_cast %add3A_413 : i32 to index
        %get3A_436 = arith.constant 32 : index
        %get3A_437 = tpu.vector_load %arg12[%get3A_435, %get3A_436] {strides = array<i32>} : memref<80x64xi32, #tpu.memory_space<vmem>>, vector<16xi32>,
        %get3A_438 = arith.index_cast %add3A_413 : i32 to index
        %get3A_439 = arith.constant 32 : index
        %get3A_440 = tpu.vector_load %arg13[%get3A_438, %get3A_439] {strides = array<i32>} : memref<80x64xi32, #tpu.memory_space<vmem>>, vector<16xi32>,
        %get3A_441 = arith.index_cast %add3A_413 : i32 to index
        %get3A_442 = arith.constant 48 : index
        %get3A_443 = tpu.vector_load %arg11[%get3A_441, %get3A_442] {strides = array<i32>} : memref<80x64xi32, #tpu.memory_space<vmem>>, vector<16xi32>,
        %get3A_444 = arith.index_cast %add3A_413 : i32 to index
        %get3A_445 = arith.constant 48 : index
        %get3A_446 = tpu.vector_load %arg12[%get3A_444, %get3A_445] {strides = array<i32>} : memref<80x64xi32, #tpu.memory_space<vmem>>, vector<16xi32>,
        %get3A_447 = arith.index_cast %add3A_413 : i32 to index
        %get3A_448 = arith.constant 48 : index
        %get3A_449 = tpu.vector_load %arg13[%get3A_447, %get3A_448] {strides = array<i32>} : memref<80x64xi32, #tpu.memory_space<vmem>>, vector<16xi32>,
        %bitcast3A_450 = vector.bitcast %get3A_347 : vector<16xi32> to vector<32xbf16>
        %bitcast3A_451 = vector.bitcast %get3A_350 : vector<16xi32> to vector<32xbf16>
        %mul3A_452 = arith.mulf %bitcast3A_450, %bitcast3A_451 : vector<32xbf16>
        %bitcast3A_453 = vector.bitcast %get3A_353 : vector<16xi32> to vector<32xbf16>
        %mul3A_454 = arith.mulf %mul3A_452, %bitcast3A_453 : vector<32xbf16>
        %bitcast3A_455 = vector.bitcast %get3A_356 : vector<16xi32> to vector<32xbf16>
        %bitcast3A_456 = vector.bitcast %get3A_359 : vector<16xi32> to vector<32xbf16>
        %mul3A_457 = arith.mulf %bitcast3A_455, %bitcast3A_456 : vector<32xbf16>
        %bitcast3A_458 = vector.bitcast %get3A_362 : vector<16xi32> to vector<32xbf16>
        %mul3A_459 = arith.mulf %mul3A_457, %bitcast3A_458 : vector<32xbf16>
        %bitcast3A_460 = vector.bitcast %get3A_365 : vector<16xi32> to vector<32xbf16>
        %bitcast3A_461 = vector.bitcast %get3A_368 : vector<16xi32> to vector<32xbf16>
        %mul3A_462 = arith.mulf %bitcast3A_460, %bitcast3A_461 : vector<32xbf16>
        %bitcast3A_463 = vector.bitcast %get3A_371 : vector<16xi32> to vector<32xbf16>
        %mul3A_464 = arith.mulf %mul3A_462, %bitcast3A_463 : vector<32xbf16>
        %bitcast3A_465 = vector.bitcast %get3A_374 : vector<16xi32> to vector<32xbf16>
        %bitcast3A_466 = vector.bitcast %get3A_377 : vector<16xi32> to vector<32xbf16>
        %mul3A_467 = arith.mulf %bitcast3A_465, %bitcast3A_466 : vector<32xbf16>
        %bitcast3A_468 = vector.bitcast %get3A_380 : vector<16xi32> to vector<32xbf16>
        %mul3A_469 = arith.mulf %mul3A_467, %bitcast3A_468 : vector<32xbf16>
        %add3A_470 = arith.addf %mul3A_454, %mul3A_459 : vector<32xbf16>
        %add3A_471 = arith.addf %mul3A_464, %mul3A_469 : vector<32xbf16>
        %add3A_472 = arith.addf %add3A_470, %add3A_471 : vector<32xbf16>
        %add3A_473 = arith.constant 4 : i32
        %add3A_474 = vector.broadcast %add3A_473 : i32 to vector<16xi32>
        %add3A_475 = arith.addi %mul3A_5, %add3A_474 : vector<16xi32>
        %bitcast3A_476 = vector.bitcast %add3A_472 : vector<32xbf16> to vector<16xi32>
        tpu.vector_store_idx %arg18[%add3A_475], %bitcast3A_476 : memref<272xi32, #tpu.memory_space<vmem>>[vector<16xi32>], vector<16xi32>,
        %mul3A_477 = arith.constant 16 : i32
        %mul3A_478 = arith.muli %scan3A_120, %mul3A_477 : i32
        %add3A_479 = arith.constant 5 : i32
        %add3A_480 = arith.addi %mul3A_478, %add3A_479 : i32
        %add3A_481 = arith.constant 1 : i32
        %add3A_482 = arith.addi %add3A_480, %add3A_481 : i32
        %get3A_483 = arith.index_cast %add3A_482 : i32 to index
        %get3A_484 = arith.constant 0 : index
        %get3A_485 = tpu.vector_load %arg11[%get3A_483, %get3A_484] {strides = array<i32>} : memref<80x64xi32, #tpu.memory_space<vmem>>, vector<16xi32>,
        %get3A_486 = arith.index_cast %add3A_482 : i32 to index
        %get3A_487 = arith.constant 0 : index
        %get3A_488 = tpu.vector_load %arg12[%get3A_486, %get3A_487] {strides = array<i32>} : memref<80x64xi32, #tpu.memory_space<vmem>>, vector<16xi32>,
        %get3A_489 = arith.index_cast %add3A_482 : i32 to index
        %get3A_490 = arith.constant 0 : index
        %get3A_491 = tpu.vector_load %arg13[%get3A_489, %get3A_490] {strides = array<i32>} : memref<80x64xi32, #tpu.memory_space<vmem>>, vector<16xi32>,
        %get3A_492 = arith.index_cast %add3A_482 : i32 to index
        %get3A_493 = arith.constant 16 : index
        %get3A_494 = tpu.vector_load %arg11[%get3A_492, %get3A_493] {strides = array<i32>} : memref<80x64xi32, #tpu.memory_space<vmem>>, vector<16xi32>,
        %get3A_495 = arith.index_cast %add3A_482 : i32 to index
        %get3A_496 = arith.constant 16 : index
        %get3A_497 = tpu.vector_load %arg12[%get3A_495, %get3A_496] {strides = array<i32>} : memref<80x64xi32, #tpu.memory_space<vmem>>, vector<16xi32>,
        %get3A_498 = arith.index_cast %add3A_482 : i32 to index
        %get3A_499 = arith.constant 16 : index
        %get3A_500 = tpu.vector_load %arg13[%get3A_498, %get3A_499] {strides = array<i32>} : memref<80x64xi32, #tpu.memory_space<vmem>>, vector<16xi32>,
        %get3A_501 = arith.index_cast %add3A_482 : i32 to index
        %get3A_502 = arith.constant 32 : index
        %get3A_503 = tpu.vector_load %arg11[%get3A_501, %get3A_502] {strides = array<i32>} : memref<80x64xi32, #tpu.memory_space<vmem>>, vector<16xi32>,
        %get3A_504 = arith.index_cast %add3A_482 : i32 to index
        %get3A_505 = arith.constant 32 : index
        %get3A_506 = tpu.vector_load %arg12[%get3A_504, %get3A_505] {strides = array<i32>} : memref<80x64xi32, #tpu.memory_space<vmem>>, vector<16xi32>,
        %get3A_507 = arith.index_cast %add3A_482 : i32 to index
        %get3A_508 = arith.constant 32 : index
        %get3A_509 = tpu.vector_load %arg13[%get3A_507, %get3A_508] {strides = array<i32>} : memref<80x64xi32, #tpu.memory_space<vmem>>, vector<16xi32>,
        %get3A_510 = arith.index_cast %add3A_482 : i32 to index
        %get3A_511 = arith.constant 48 : index
        %get3A_512 = tpu.vector_load %arg11[%get3A_510, %get3A_511] {strides = array<i32>} : memref<80x64xi32, #tpu.memory_space<vmem>>, vector<16xi32>,
        %get3A_513 = arith.index_cast %add3A_482 : i32 to index
        %get3A_514 = arith.constant 48 : index
        %get3A_515 = tpu.vector_load %arg12[%get3A_513, %get3A_514] {strides = array<i32>} : memref<80x64xi32, #tpu.memory_space<vmem>>, vector<16xi32>,
        %get3A_516 = arith.index_cast %add3A_482 : i32 to index
        %get3A_517 = arith.constant 48 : index
        %get3A_518 = tpu.vector_load %arg13[%get3A_516, %get3A_517] {strides = array<i32>} : memref<80x64xi32, #tpu.memory_space<vmem>>, vector<16xi32>,
        %bitcast3A_519 = vector.bitcast %get3A_416 : vector<16xi32> to vector<32xbf16>
        %bitcast3A_520 = vector.bitcast %get3A_419 : vector<16xi32> to vector<32xbf16>
        %mul3A_521 = arith.mulf %bitcast3A_519, %bitcast3A_520 : vector<32xbf16>
        %bitcast3A_522 = vector.bitcast %get3A_422 : vector<16xi32> to vector<32xbf16>
        %mul3A_523 = arith.mulf %mul3A_521, %bitcast3A_522 : vector<32xbf16>
        %bitcast3A_524 = vector.bitcast %get3A_425 : vector<16xi32> to vector<32xbf16>
        %bitcast3A_525 = vector.bitcast %get3A_428 : vector<16xi32> to vector<32xbf16>
        %mul3A_526 = arith.mulf %bitcast3A_524, %bitcast3A_525 : vector<32xbf16>
        %bitcast3A_527 = vector.bitcast %get3A_431 : vector<16xi32> to vector<32xbf16>
        %mul3A_528 = arith.mulf %mul3A_526, %bitcast3A_527 : vector<32xbf16>
        %bitcast3A_529 = vector.bitcast %get3A_434 : vector<16xi32> to vector<32xbf16>
        %bitcast3A_530 = vector.bitcast %get3A_437 : vector<16xi32> to vector<32xbf16>
        %mul3A_531 = arith.mulf %bitcast3A_529, %bitcast3A_530 : vector<32xbf16>
        %bitcast3A_532 = vector.bitcast %get3A_440 : vector<16xi32> to vector<32xbf16>
        %mul3A_533 = arith.mulf %mul3A_531, %bitcast3A_532 : vector<32xbf16>
        %bitcast3A_534 = vector.bitcast %get3A_443 : vector<16xi32> to vector<32xbf16>
        %bitcast3A_535 = vector.bitcast %get3A_446 : vector<16xi32> to vector<32xbf16>
        %mul3A_536 = arith.mulf %bitcast3A_534, %bitcast3A_535 : vector<32xbf16>
        %bitcast3A_537 = vector.bitcast %get3A_449 : vector<16xi32> to vector<32xbf16>
        %mul3A_538 = arith.mulf %mul3A_536, %bitcast3A_537 : vector<32xbf16>
        %add3A_539 = arith.addf %mul3A_523, %mul3A_528 : vector<32xbf16>
        %add3A_540 = arith.addf %mul3A_533, %mul3A_538 : vector<32xbf16>
        %add3A_541 = arith.addf %add3A_539, %add3A_540 : vector<32xbf16>
        %add3A_542 = arith.constant 5 : i32
        %add3A_543 = vector.broadcast %add3A_542 : i32 to vector<16xi32>
        %add3A_544 = arith.addi %mul3A_5, %add3A_543 : vector<16xi32>
        %bitcast3A_545 = vector.bitcast %add3A_541 : vector<32xbf16> to vector<16xi32>
        tpu.vector_store_idx %arg18[%add3A_544], %bitcast3A_545 : memref<272xi32, #tpu.memory_space<vmem>>[vector<16xi32>], vector<16xi32>,
        %mul3A_546 = arith.constant 16 : i32
        %mul3A_547 = arith.muli %scan3A_120, %mul3A_546 : i32
        %add3A_548 = arith.constant 6 : i32
        %add3A_549 = arith.addi %mul3A_547, %add3A_548 : i32
        %add3A_550 = arith.constant 1 : i32
        %add3A_551 = arith.addi %add3A_549, %add3A_550 : i32
        %get3A_552 = arith.index_cast %add3A_551 : i32 to index
        %get3A_553 = arith.constant 0 : index
        %get3A_554 = tpu.vector_load %arg11[%get3A_552, %get3A_553] {strides = array<i32>} : memref<80x64xi32, #tpu.memory_space<vmem>>, vector<16xi32>,
        %get3A_555 = arith.index_cast %add3A_551 : i32 to index
        %get3A_556 = arith.constant 0 : index
        %get3A_557 = tpu.vector_load %arg12[%get3A_555, %get3A_556] {strides = array<i32>} : memref<80x64xi32, #tpu.memory_space<vmem>>, vector<16xi32>,
        %get3A_558 = arith.index_cast %add3A_551 : i32 to index
        %get3A_559 = arith.constant 0 : index
        %get3A_560 = tpu.vector_load %arg13[%get3A_558, %get3A_559] {strides = array<i32>} : memref<80x64xi32, #tpu.memory_space<vmem>>, vector<16xi32>,
        %get3A_561 = arith.index_cast %add3A_551 : i32 to index
        %get3A_562 = arith.constant 16 : index
        %get3A_563 = tpu.vector_load %arg11[%get3A_561, %get3A_562] {strides = array<i32>} : memref<80x64xi32, #tpu.memory_space<vmem>>, vector<16xi32>,
        %get3A_564 = arith.index_cast %add3A_551 : i32 to index
        %get3A_565 = arith.constant 16 : index
        %get3A_566 = tpu.vector_load %arg12[%get3A_564, %get3A_565] {strides = array<i32>} : memref<80x64xi32, #tpu.memory_space<vmem>>, vector<16xi32>,
        %get3A_567 = arith.index_cast %add3A_551 : i32 to index
        %get3A_568 = arith.constant 16 : index
        %get3A_569 = tpu.vector_load %arg13[%get3A_567, %get3A_568] {strides = array<i32>} : memref<80x64xi32, #tpu.memory_space<vmem>>, vector<16xi32>,
        %get3A_570 = arith.index_cast %add3A_551 : i32 to index
        %get3A_571 = arith.constant 32 : index
        %get3A_572 = tpu.vector_load %arg11[%get3A_570, %get3A_571] {strides = array<i32>} : memref<80x64xi32, #tpu.memory_space<vmem>>, vector<16xi32>,
        %get3A_573 = arith.index_cast %add3A_551 : i32 to index
        %get3A_574 = arith.constant 32 : index
        %get3A_575 = tpu.vector_load %arg12[%get3A_573, %get3A_574] {strides = array<i32>} : memref<80x64xi32, #tpu.memory_space<vmem>>, vector<16xi32>,
        %get3A_576 = arith.index_cast %add3A_551 : i32 to index
        %get3A_577 = arith.constant 32 : index
        %get3A_578 = tpu.vector_load %arg13[%get3A_576, %get3A_577] {strides = array<i32>} : memref<80x64xi32, #tpu.memory_space<vmem>>, vector<16xi32>,
        %get3A_579 = arith.index_cast %add3A_551 : i32 to index
        %get3A_580 = arith.constant 48 : index
        %get3A_581 = tpu.vector_load %arg11[%get3A_579, %get3A_580] {strides = array<i32>} : memref<80x64xi32, #tpu.memory_space<vmem>>, vector<16xi32>,
        %get3A_582 = arith.index_cast %add3A_551 : i32 to index
        %get3A_583 = arith.constant 48 : index
        %get3A_584 = tpu.vector_load %arg12[%get3A_582, %get3A_583] {strides = array<i32>} : memref<80x64xi32, #tpu.memory_space<vmem>>, vector<16xi32>,
        %get3A_585 = arith.index_cast %add3A_551 : i32 to index
        %get3A_586 = arith.constant 48 : index
        %get3A_587 = tpu.vector_load %arg13[%get3A_585, %get3A_586] {strides = array<i32>} : memref<80x64xi32, #tpu.memory_space<vmem>>, vector<16xi32>,
        %bitcast3A_588 = vector.bitcast %get3A_485 : vector<16xi32> to vector<32xbf16>
        %bitcast3A_589 = vector.bitcast %get3A_488 : vector<16xi32> to vector<32xbf16>
        %mul3A_590 = arith.mulf %bitcast3A_588, %bitcast3A_589 : vector<32xbf16>
        %bitcast3A_591 = vector.bitcast %get3A_491 : vector<16xi32> to vector<32xbf16>
        %mul3A_592 = arith.mulf %mul3A_590, %bitcast3A_591 : vector<32xbf16>
        %bitcast3A_593 = vector.bitcast %get3A_494 : vector<16xi32> to vector<32xbf16>
        %bitcast3A_594 = vector.bitcast %get3A_497 : vector<16xi32> to vector<32xbf16>
        %mul3A_595 = arith.mulf %bitcast3A_593, %bitcast3A_594 : vector<32xbf16>
        %bitcast3A_596 = vector.bitcast %get3A_500 : vector<16xi32> to vector<32xbf16>
        %mul3A_597 = arith.mulf %mul3A_595, %bitcast3A_596 : vector<32xbf16>
        %bitcast3A_598 = vector.bitcast %get3A_503 : vector<16xi32> to vector<32xbf16>
        %bitcast3A_599 = vector.bitcast %get3A_506 : vector<16xi32> to vector<32xbf16>
        %mul3A_600 = arith.mulf %bitcast3A_598, %bitcast3A_599 : vector<32xbf16>
        %bitcast3A_601 = vector.bitcast %get3A_509 : vector<16xi32> to vector<32xbf16>
        %mul3A_602 = arith.mulf %mul3A_600, %bitcast3A_601 : vector<32xbf16>
        %bitcast3A_603 = vector.bitcast %get3A_512 : vector<16xi32> to vector<32xbf16>
        %bitcast3A_604 = vector.bitcast %get3A_515 : vector<16xi32> to vector<32xbf16>
        %mul3A_605 = arith.mulf %bitcast3A_603, %bitcast3A_604 : vector<32xbf16>
        %bitcast3A_606 = vector.bitcast %get3A_518 : vector<16xi32> to vector<32xbf16>
        %mul3A_607 = arith.mulf %mul3A_605, %bitcast3A_606 : vector<32xbf16>
        %add3A_608 = arith.addf %mul3A_592, %mul3A_597 : vector<32xbf16>
        %add3A_609 = arith.addf %mul3A_602, %mul3A_607 : vector<32xbf16>
        %add3A_610 = arith.addf %add3A_608, %add3A_609 : vector<32xbf16>
        %add3A_611 = arith.constant 6 : i32
        %add3A_612 = vector.broadcast %add3A_611 : i32 to vector<16xi32>
        %add3A_613 = arith.addi %mul3A_5, %add3A_612 : vector<16xi32>
        %bitcast3A_614 = vector.bitcast %add3A_610 : vector<32xbf16> to vector<16xi32>
        tpu.vector_store_idx %arg18[%add3A_613], %bitcast3A_614 : memref<272xi32, #tpu.memory_space<vmem>>[vector<16xi32>], vector<16xi32>,
        %mul3A_615 = arith.constant 16 : i32
        %mul3A_616 = arith.muli %scan3A_120, %mul3A_615 : i32
        %add3A_617 = arith.constant 7 : i32
        %add3A_618 = arith.addi %mul3A_616, %add3A_617 : i32
        %add3A_619 = arith.constant 1 : i32
        %add3A_620 = arith.addi %add3A_618, %add3A_619 : i32
        %get3A_621 = arith.index_cast %add3A_620 : i32 to index
        %get3A_622 = arith.constant 0 : index
        %get3A_623 = tpu.vector_load %arg11[%get3A_621, %get3A_622] {strides = array<i32>} : memref<80x64xi32, #tpu.memory_space<vmem>>, vector<16xi32>,
        %get3A_624 = arith.index_cast %add3A_620 : i32 to index
        %get3A_625 = arith.constant 0 : index
        %get3A_626 = tpu.vector_load %arg12[%get3A_624, %get3A_625] {strides = array<i32>} : memref<80x64xi32, #tpu.memory_space<vmem>>, vector<16xi32>,
        %get3A_627 = arith.index_cast %add3A_620 : i32 to index
        %get3A_628 = arith.constant 0 : index
        %get3A_629 = tpu.vector_load %arg13[%get3A_627, %get3A_628] {strides = array<i32>} : memref<80x64xi32, #tpu.memory_space<vmem>>, vector<16xi32>,
        %get3A_630 = arith.index_cast %add3A_620 : i32 to index
        %get3A_631 = arith.constant 16 : index
        %get3A_632 = tpu.vector_load %arg11[%get3A_630, %get3A_631] {strides = array<i32>} : memref<80x64xi32, #tpu.memory_space<vmem>>, vector<16xi32>,
        %get3A_633 = arith.index_cast %add3A_620 : i32 to index
        %get3A_634 = arith.constant 16 : index
        %get3A_635 = tpu.vector_load %arg12[%get3A_633, %get3A_634] {strides = array<i32>} : memref<80x64xi32, #tpu.memory_space<vmem>>, vector<16xi32>,
        %get3A_636 = arith.index_cast %add3A_620 : i32 to index
        %get3A_637 = arith.constant 16 : index
        %get3A_638 = tpu.vector_load %arg13[%get3A_636, %get3A_637] {strides = array<i32>} : memref<80x64xi32, #tpu.memory_space<vmem>>, vector<16xi32>,
        %get3A_639 = arith.index_cast %add3A_620 : i32 to index
        %get3A_640 = arith.constant 32 : index
        %get3A_641 = tpu.vector_load %arg11[%get3A_639, %get3A_640] {strides = array<i32>} : memref<80x64xi32, #tpu.memory_space<vmem>>, vector<16xi32>,
        %get3A_642 = arith.index_cast %add3A_620 : i32 to index
        %get3A_643 = arith.constant 32 : index
        %get3A_644 = tpu.vector_load %arg12[%get3A_642, %get3A_643] {strides = array<i32>} : memref<80x64xi32, #tpu.memory_space<vmem>>, vector<16xi32>,
        %get3A_645 = arith.index_cast %add3A_620 : i32 to index
        %get3A_646 = arith.constant 32 : index
        %get3A_647 = tpu.vector_load %arg13[%get3A_645, %get3A_646] {strides = array<i32>} : memref<80x64xi32, #tpu.memory_space<vmem>>, vector<16xi32>,
        %get3A_648 = arith.index_cast %add3A_620 : i32 to index
        %get3A_649 = arith.constant 48 : index
        %get3A_650 = tpu.vector_load %arg11[%get3A_648, %get3A_649] {strides = array<i32>} : memref<80x64xi32, #tpu.memory_space<vmem>>, vector<16xi32>,
        %get3A_651 = arith.index_cast %add3A_620 : i32 to index
        %get3A_652 = arith.constant 48 : index
        %get3A_653 = tpu.vector_load %arg12[%get3A_651, %get3A_652] {strides = array<i32>} : memref<80x64xi32, #tpu.memory_space<vmem>>, vector<16xi32>,
        %get3A_654 = arith.index_cast %add3A_620 : i32 to index
        %get3A_655 = arith.constant 48 : index
        %get3A_656 = tpu.vector_load %arg13[%get3A_654, %get3A_655] {strides = array<i32>} : memref<80x64xi32, #tpu.memory_space<vmem>>, vector<16xi32>,
        %bitcast3A_657 = vector.bitcast %get3A_554 : vector<16xi32> to vector<32xbf16>
        %bitcast3A_658 = vector.bitcast %get3A_557 : vector<16xi32> to vector<32xbf16>
        %mul3A_659 = arith.mulf %bitcast3A_657, %bitcast3A_658 : vector<32xbf16>
        %bitcast3A_660 = vector.bitcast %get3A_560 : vector<16xi32> to vector<32xbf16>
        %mul3A_661 = arith.mulf %mul3A_659, %bitcast3A_660 : vector<32xbf16>
        %bitcast3A_662 = vector.bitcast %get3A_563 : vector<16xi32> to vector<32xbf16>
        %bitcast3A_663 = vector.bitcast %get3A_566 : vector<16xi32> to vector<32xbf16>
        %mul3A_664 = arith.mulf %bitcast3A_662, %bitcast3A_663 : vector<32xbf16>
        %bitcast3A_665 = vector.bitcast %get3A_569 : vector<16xi32> to vector<32xbf16>
        %mul3A_666 = arith.mulf %mul3A_664, %bitcast3A_665 : vector<32xbf16>
        %bitcast3A_667 = vector.bitcast %get3A_572 : vector<16xi32> to vector<32xbf16>
        %bitcast3A_668 = vector.bitcast %get3A_575 : vector<16xi32> to vector<32xbf16>
        %mul3A_669 = arith.mulf %bitcast3A_667, %bitcast3A_668 : vector<32xbf16>
        %bitcast3A_670 = vector.bitcast %get3A_578 : vector<16xi32> to vector<32xbf16>
        %mul3A_671 = arith.mulf %mul3A_669, %bitcast3A_670 : vector<32xbf16>
        %bitcast3A_672 = vector.bitcast %get3A_581 : vector<16xi32> to vector<32xbf16>
        %bitcast3A_673 = vector.bitcast %get3A_584 : vector<16xi32> to vector<32xbf16>
        %mul3A_674 = arith.mulf %bitcast3A_672, %bitcast3A_673 : vector<32xbf16>
        %bitcast3A_675 = vector.bitcast %get3A_587 : vector<16xi32> to vector<32xbf16>
        %mul3A_676 = arith.mulf %mul3A_674, %bitcast3A_675 : vector<32xbf16>
        %add3A_677 = arith.addf %mul3A_661, %mul3A_666 : vector<32xbf16>
        %add3A_678 = arith.addf %mul3A_671, %mul3A_676 : vector<32xbf16>
        %add3A_679 = arith.addf %add3A_677, %add3A_678 : vector<32xbf16>
        %add3A_680 = arith.constant 7 : i32
        %add3A_681 = vector.broadcast %add3A_680 : i32 to vector<16xi32>
        %add3A_682 = arith.addi %mul3A_5, %add3A_681 : vector<16xi32>
        %bitcast3A_683 = vector.bitcast %add3A_679 : vector<32xbf16> to vector<16xi32>
        tpu.vector_store_idx %arg18[%add3A_682], %bitcast3A_683 : memref<272xi32, #tpu.memory_space<vmem>>[vector<16xi32>], vector<16xi32>,
        %mul3A_684 = arith.constant 16 : i32
        %mul3A_685 = arith.muli %scan3A_120, %mul3A_684 : i32
        %add3A_686 = arith.constant 8 : i32
        %add3A_687 = arith.addi %mul3A_685, %add3A_686 : i32
        %add3A_688 = arith.constant 1 : i32
        %add3A_689 = arith.addi %add3A_687, %add3A_688 : i32
        %get3A_690 = arith.index_cast %add3A_689 : i32 to index
        %get3A_691 = arith.constant 0 : index
        %get3A_692 = tpu.vector_load %arg11[%get3A_690, %get3A_691] {strides = array<i32>} : memref<80x64xi32, #tpu.memory_space<vmem>>, vector<16xi32>,
        %get3A_693 = arith.index_cast %add3A_689 : i32 to index
        %get3A_694 = arith.constant 0 : index
        %get3A_695 = tpu.vector_load %arg12[%get3A_693, %get3A_694] {strides = array<i32>} : memref<80x64xi32, #tpu.memory_space<vmem>>, vector<16xi32>,
        %get3A_696 = arith.index_cast %add3A_689 : i32 to index
        %get3A_697 = arith.constant 0 : index
        %get3A_698 = tpu.vector_load %arg13[%get3A_696, %get3A_697] {strides = array<i32>} : memref<80x64xi32, #tpu.memory_space<vmem>>, vector<16xi32>,
        %get3A_699 = arith.index_cast %add3A_689 : i32 to index
        %get3A_700 = arith.constant 16 : index
        %get3A_701 = tpu.vector_load %arg11[%get3A_699, %get3A_700] {strides = array<i32>} : memref<80x64xi32, #tpu.memory_space<vmem>>, vector<16xi32>,
        %get3A_702 = arith.index_cast %add3A_689 : i32 to index
        %get3A_703 = arith.constant 16 : index
        %get3A_704 = tpu.vector_load %arg12[%get3A_702, %get3A_703] {strides = array<i32>} : memref<80x64xi32, #tpu.memory_space<vmem>>, vector<16xi32>,
        %get3A_705 = arith.index_cast %add3A_689 : i32 to index
        %get3A_706 = arith.constant 16 : index
        %get3A_707 = tpu.vector_load %arg13[%get3A_705, %get3A_706] {strides = array<i32>} : memref<80x64xi32, #tpu.memory_space<vmem>>, vector<16xi32>,
        %get3A_708 = arith.index_cast %add3A_689 : i32 to index
        %get3A_709 = arith.constant 32 : index
        %get3A_710 = tpu.vector_load %arg11[%get3A_708, %get3A_709] {strides = array<i32>} : memref<80x64xi32, #tpu.memory_space<vmem>>, vector<16xi32>,
        %get3A_711 = arith.index_cast %add3A_689 : i32 to index
        %get3A_712 = arith.constant 32 : index
        %get3A_713 = tpu.vector_load %arg12[%get3A_711, %get3A_712] {strides = array<i32>} : memref<80x64xi32, #tpu.memory_space<vmem>>, vector<16xi32>,
        %get3A_714 = arith.index_cast %add3A_689 : i32 to index
        %get3A_715 = arith.constant 32 : index
        %get3A_716 = tpu.vector_load %arg13[%get3A_714, %get3A_715] {strides = array<i32>} : memref<80x64xi32, #tpu.memory_space<vmem>>, vector<16xi32>,
        %get3A_717 = arith.index_cast %add3A_689 : i32 to index
        %get3A_718 = arith.constant 48 : index
        %get3A_719 = tpu.vector_load %arg11[%get3A_717, %get3A_718] {strides = array<i32>} : memref<80x64xi32, #tpu.memory_space<vmem>>, vector<16xi32>,
        %get3A_720 = arith.index_cast %add3A_689 : i32 to index
        %get3A_721 = arith.constant 48 : index
        %get3A_722 = tpu.vector_load %arg12[%get3A_720, %get3A_721] {strides = array<i32>} : memref<80x64xi32, #tpu.memory_space<vmem>>, vector<16xi32>,
        %get3A_723 = arith.index_cast %add3A_689 : i32 to index
        %get3A_724 = arith.constant 48 : index
        %get3A_725 = tpu.vector_load %arg13[%get3A_723, %get3A_724] {strides = array<i32>} : memref<80x64xi32, #tpu.memory_space<vmem>>, vector<16xi32>,
        %bitcast3A_726 = vector.bitcast %get3A_623 : vector<16xi32> to vector<32xbf16>
        %bitcast3A_727 = vector.bitcast %get3A_626 : vector<16xi32> to vector<32xbf16>
        %mul3A_728 = arith.mulf %bitcast3A_726, %bitcast3A_727 : vector<32xbf16>
        %bitcast3A_729 = vector.bitcast %get3A_629 : vector<16xi32> to vector<32xbf16>
        %mul3A_730 = arith.mulf %mul3A_728, %bitcast3A_729 : vector<32xbf16>
        %bitcast3A_731 = vector.bitcast %get3A_632 : vector<16xi32> to vector<32xbf16>
        %bitcast3A_732 = vector.bitcast %get3A_635 : vector<16xi32> to vector<32xbf16>
        %mul3A_733 = arith.mulf %bitcast3A_731, %bitcast3A_732 : vector<32xbf16>
        %bitcast3A_734 = vector.bitcast %get3A_638 : vector<16xi32> to vector<32xbf16>
        %mul3A_735 = arith.mulf %mul3A_733, %bitcast3A_734 : vector<32xbf16>
        %bitcast3A_736 = vector.bitcast %get3A_641 : vector<16xi32> to vector<32xbf16>
        %bitcast3A_737 = vector.bitcast %get3A_644 : vector<16xi32> to vector<32xbf16>
        %mul3A_738 = arith.mulf %bitcast3A_736, %bitcast3A_737 : vector<32xbf16>
        %bitcast3A_739 = vector.bitcast %get3A_647 : vector<16xi32> to vector<32xbf16>
        %mul3A_740 = arith.mulf %mul3A_738, %bitcast3A_739 : vector<32xbf16>
        %bitcast3A_741 = vector.bitcast %get3A_650 : vector<16xi32> to vector<32xbf16>
        %bitcast3A_742 = vector.bitcast %get3A_653 : vector<16xi32> to vector<32xbf16>
        %mul3A_743 = arith.mulf %bitcast3A_741, %bitcast3A_742 : vector<32xbf16>
        %bitcast3A_744 = vector.bitcast %get3A_656 : vector<16xi32> to vector<32xbf16>
        %mul3A_745 = arith.mulf %mul3A_743, %bitcast3A_744 : vector<32xbf16>
        %add3A_746 = arith.addf %mul3A_730, %mul3A_735 : vector<32xbf16>
        %add3A_747 = arith.addf %mul3A_740, %mul3A_745 : vector<32xbf16>
        %add3A_748 = arith.addf %add3A_746, %add3A_747 : vector<32xbf16>
        %add3A_749 = arith.constant 8 : i32
        %add3A_750 = vector.broadcast %add3A_749 : i32 to vector<16xi32>
        %add3A_751 = arith.addi %mul3A_5, %add3A_750 : vector<16xi32>
        %bitcast3A_752 = vector.bitcast %add3A_748 : vector<32xbf16> to vector<16xi32>
        tpu.vector_store_idx %arg18[%add3A_751], %bitcast3A_752 : memref<272xi32, #tpu.memory_space<vmem>>[vector<16xi32>], vector<16xi32>,
        %mul3A_753 = arith.constant 16 : i32
        %mul3A_754 = arith.muli %scan3A_120, %mul3A_753 : i32
        %add3A_755 = arith.constant 9 : i32
        %add3A_756 = arith.addi %mul3A_754, %add3A_755 : i32
        %add3A_757 = arith.constant 1 : i32
        %add3A_758 = arith.addi %add3A_756, %add3A_757 : i32
        %get3A_759 = arith.index_cast %add3A_758 : i32 to index
        %get3A_760 = arith.constant 0 : index
        %get3A_761 = tpu.vector_load %arg11[%get3A_759, %get3A_760] {strides = array<i32>} : memref<80x64xi32, #tpu.memory_space<vmem>>, vector<16xi32>,
        %get3A_762 = arith.index_cast %add3A_758 : i32 to index
        %get3A_763 = arith.constant 0 : index
        %get3A_764 = tpu.vector_load %arg12[%get3A_762, %get3A_763] {strides = array<i32>} : memref<80x64xi32, #tpu.memory_space<vmem>>, vector<16xi32>,
        %get3A_765 = arith.index_cast %add3A_758 : i32 to index
        %get3A_766 = arith.constant 0 : index
        %get3A_767 = tpu.vector_load %arg13[%get3A_765, %get3A_766] {strides = array<i32>} : memref<80x64xi32, #tpu.memory_space<vmem>>, vector<16xi32>,
        %get3A_768 = arith.index_cast %add3A_758 : i32 to index
        %get3A_769 = arith.constant 16 : index
        %get3A_770 = tpu.vector_load %arg11[%get3A_768, %get3A_769] {strides = array<i32>} : memref<80x64xi32, #tpu.memory_space<vmem>>, vector<16xi32>,
        %get3A_771 = arith.index_cast %add3A_758 : i32 to index
        %get3A_772 = arith.constant 16 : index
        %get3A_773 = tpu.vector_load %arg12[%get3A_771, %get3A_772] {strides = array<i32>} : memref<80x64xi32, #tpu.memory_space<vmem>>, vector<16xi32>,
        %get3A_774 = arith.index_cast %add3A_758 : i32 to index
        %get3A_775 = arith.constant 16 : index
        %get3A_776 = tpu.vector_load %arg13[%get3A_774, %get3A_775] {strides = array<i32>} : memref<80x64xi32, #tpu.memory_space<vmem>>, vector<16xi32>,
        %get3A_777 = arith.index_cast %add3A_758 : i32 to index
        %get3A_778 = arith.constant 32 : index
        %get3A_779 = tpu.vector_load %arg11[%get3A_777, %get3A_778] {strides = array<i32>} : memref<80x64xi32, #tpu.memory_space<vmem>>, vector<16xi32>,
        %get3A_780 = arith.index_cast %add3A_758 : i32 to index
        %get3A_781 = arith.constant 32 : index
        %get3A_782 = tpu.vector_load %arg12[%get3A_780, %get3A_781] {strides = array<i32>} : memref<80x64xi32, #tpu.memory_space<vmem>>, vector<16xi32>,
        %get3A_783 = arith.index_cast %add3A_758 : i32 to index
        %get3A_784 = arith.constant 32 : index
        %get3A_785 = tpu.vector_load %arg13[%get3A_783, %get3A_784] {strides = array<i32>} : memref<80x64xi32, #tpu.memory_space<vmem>>, vector<16xi32>,
        %get3A_786 = arith.index_cast %add3A_758 : i32 to index
        %get3A_787 = arith.constant 48 : index
        %get3A_788 = tpu.vector_load %arg11[%get3A_786, %get3A_787] {strides = array<i32>} : memref<80x64xi32, #tpu.memory_space<vmem>>, vector<16xi32>,
        %get3A_789 = arith.index_cast %add3A_758 : i32 to index
        %get3A_790 = arith.constant 48 : index
        %get3A_791 = tpu.vector_load %arg12[%get3A_789, %get3A_790] {strides = array<i32>} : memref<80x64xi32, #tpu.memory_space<vmem>>, vector<16xi32>,
        %get3A_792 = arith.index_cast %add3A_758 : i32 to index
        %get3A_793 = arith.constant 48 : index
        %get3A_794 = tpu.vector_load %arg13[%get3A_792, %get3A_793] {strides = array<i32>} : memref<80x64xi32, #tpu.memory_space<vmem>>, vector<16xi32>,
        %bitcast3A_795 = vector.bitcast %get3A_692 : vector<16xi32> to vector<32xbf16>
        %bitcast3A_796 = vector.bitcast %get3A_695 : vector<16xi32> to vector<32xbf16>
        %mul3A_797 = arith.mulf %bitcast3A_795, %bitcast3A_796 : vector<32xbf16>
        %bitcast3A_798 = vector.bitcast %get3A_698 : vector<16xi32> to vector<32xbf16>
        %mul3A_799 = arith.mulf %mul3A_797, %bitcast3A_798 : vector<32xbf16>
        %bitcast3A_800 = vector.bitcast %get3A_701 : vector<16xi32> to vector<32xbf16>
        %bitcast3A_801 = vector.bitcast %get3A_704 : vector<16xi32> to vector<32xbf16>
        %mul3A_802 = arith.mulf %bitcast3A_800, %bitcast3A_801 : vector<32xbf16>
        %bitcast3A_803 = vector.bitcast %get3A_707 : vector<16xi32> to vector<32xbf16>
        %mul3A_804 = arith.mulf %mul3A_802, %bitcast3A_803 : vector<32xbf16>
        %bitcast3A_805 = vector.bitcast %get3A_710 : vector<16xi32> to vector<32xbf16>
        %bitcast3A_806 = vector.bitcast %get3A_713 : vector<16xi32> to vector<32xbf16>
        %mul3A_807 = arith.mulf %bitcast3A_805, %bitcast3A_806 : vector<32xbf16>
        %bitcast3A_808 = vector.bitcast %get3A_716 : vector<16xi32> to vector<32xbf16>
        %mul3A_809 = arith.mulf %mul3A_807, %bitcast3A_808 : vector<32xbf16>
        %bitcast3A_810 = vector.bitcast %get3A_719 : vector<16xi32> to vector<32xbf16>
        %bitcast3A_811 = vector.bitcast %get3A_722 : vector<16xi32> to vector<32xbf16>
        %mul3A_812 = arith.mulf %bitcast3A_810, %bitcast3A_811 : vector<32xbf16>
        %bitcast3A_813 = vector.bitcast %get3A_725 : vector<16xi32> to vector<32xbf16>
        %mul3A_814 = arith.mulf %mul3A_812, %bitcast3A_813 : vector<32xbf16>
        %add3A_815 = arith.addf %mul3A_799, %mul3A_804 : vector<32xbf16>
        %add3A_816 = arith.addf %mul3A_809, %mul3A_814 : vector<32xbf16>
        %add3A_817 = arith.addf %add3A_815, %add3A_816 : vector<32xbf16>
        %add3A_818 = arith.constant 9 : i32
        %add3A_819 = vector.broadcast %add3A_818 : i32 to vector<16xi32>
        %add3A_820 = arith.addi %mul3A_5, %add3A_819 : vector<16xi32>
        %bitcast3A_821 = vector.bitcast %add3A_817 : vector<32xbf16> to vector<16xi32>
        tpu.vector_store_idx %arg18[%add3A_820], %bitcast3A_821 : memref<272xi32, #tpu.memory_space<vmem>>[vector<16xi32>], vector<16xi32>,
        %mul3A_822 = arith.constant 16 : i32
        %mul3A_823 = arith.muli %scan3A_120, %mul3A_822 : i32
        %add3A_824 = arith.constant 10 : i32
        %add3A_825 = arith.addi %mul3A_823, %add3A_824 : i32
        %add3A_826 = arith.constant 1 : i32
        %add3A_827 = arith.addi %add3A_825, %add3A_826 : i32
        %get3A_828 = arith.index_cast %add3A_827 : i32 to index
        %get3A_829 = arith.constant 0 : index
        %get3A_830 = tpu.vector_load %arg11[%get3A_828, %get3A_829] {strides = array<i32>} : memref<80x64xi32, #tpu.memory_space<vmem>>, vector<16xi32>,
        %get3A_831 = arith.index_cast %add3A_827 : i32 to index
        %get3A_832 = arith.constant 0 : index
        %get3A_833 = tpu.vector_load %arg12[%get3A_831, %get3A_832] {strides = array<i32>} : memref<80x64xi32, #tpu.memory_space<vmem>>, vector<16xi32>,
        %get3A_834 = arith.index_cast %add3A_827 : i32 to index
        %get3A_835 = arith.constant 0 : index
        %get3A_836 = tpu.vector_load %arg13[%get3A_834, %get3A_835] {strides = array<i32>} : memref<80x64xi32, #tpu.memory_space<vmem>>, vector<16xi32>,
        %get3A_837 = arith.index_cast %add3A_827 : i32 to index
        %get3A_838 = arith.constant 16 : index
        %get3A_839 = tpu.vector_load %arg11[%get3A_837, %get3A_838] {strides = array<i32>} : memref<80x64xi32, #tpu.memory_space<vmem>>, vector<16xi32>,
        %get3A_840 = arith.index_cast %add3A_827 : i32 to index
        %get3A_841 = arith.constant 16 : index
        %get3A_842 = tpu.vector_load %arg12[%get3A_840, %get3A_841] {strides = array<i32>} : memref<80x64xi32, #tpu.memory_space<vmem>>, vector<16xi32>,
        %get3A_843 = arith.index_cast %add3A_827 : i32 to index
        %get3A_844 = arith.constant 16 : index
        %get3A_845 = tpu.vector_load %arg13[%get3A_843, %get3A_844] {strides = array<i32>} : memref<80x64xi32, #tpu.memory_space<vmem>>, vector<16xi32>,
        %get3A_846 = arith.index_cast %add3A_827 : i32 to index
        %get3A_847 = arith.constant 32 : index
        %get3A_848 = tpu.vector_load %arg11[%get3A_846, %get3A_847] {strides = array<i32>} : memref<80x64xi32, #tpu.memory_space<vmem>>, vector<16xi32>,
        %get3A_849 = arith.index_cast %add3A_827 : i32 to index
        %get3A_850 = arith.constant 32 : index
        %get3A_851 = tpu.vector_load %arg12[%get3A_849, %get3A_850] {strides = array<i32>} : memref<80x64xi32, #tpu.memory_space<vmem>>, vector<16xi32>,
        %get3A_852 = arith.index_cast %add3A_827 : i32 to index
        %get3A_853 = arith.constant 32 : index
        %get3A_854 = tpu.vector_load %arg13[%get3A_852, %get3A_853] {strides = array<i32>} : memref<80x64xi32, #tpu.memory_space<vmem>>, vector<16xi32>,
        %get3A_855 = arith.index_cast %add3A_827 : i32 to index
        %get3A_856 = arith.constant 48 : index
        %get3A_857 = tpu.vector_load %arg11[%get3A_855, %get3A_856] {strides = array<i32>} : memref<80x64xi32, #tpu.memory_space<vmem>>, vector<16xi32>,
        %get3A_858 = arith.index_cast %add3A_827 : i32 to index
        %get3A_859 = arith.constant 48 : index
        %get3A_860 = tpu.vector_load %arg12[%get3A_858, %get3A_859] {strides = array<i32>} : memref<80x64xi32, #tpu.memory_space<vmem>>, vector<16xi32>,
        %get3A_861 = arith.index_cast %add3A_827 : i32 to index
        %get3A_862 = arith.constant 48 : index
        %get3A_863 = tpu.vector_load %arg13[%get3A_861, %get3A_862] {strides = array<i32>} : memref<80x64xi32, #tpu.memory_space<vmem>>, vector<16xi32>,
        %bitcast3A_864 = vector.bitcast %get3A_761 : vector<16xi32> to vector<32xbf16>
        %bitcast3A_865 = vector.bitcast %get3A_764 : vector<16xi32> to vector<32xbf16>
        %mul3A_866 = arith.mulf %bitcast3A_864, %bitcast3A_865 : vector<32xbf16>
        %bitcast3A_867 = vector.bitcast %get3A_767 : vector<16xi32> to vector<32xbf16>
        %mul3A_868 = arith.mulf %mul3A_866, %bitcast3A_867 : vector<32xbf16>
        %bitcast3A_869 = vector.bitcast %get3A_770 : vector<16xi32> to vector<32xbf16>
        %bitcast3A_870 = vector.bitcast %get3A_773 : vector<16xi32> to vector<32xbf16>
        %mul3A_871 = arith.mulf %bitcast3A_869, %bitcast3A_870 : vector<32xbf16>
        %bitcast3A_872 = vector.bitcast %get3A_776 : vector<16xi32> to vector<32xbf16>
        %mul3A_873 = arith.mulf %mul3A_871, %bitcast3A_872 : vector<32xbf16>
        %bitcast3A_874 = vector.bitcast %get3A_779 : vector<16xi32> to vector<32xbf16>
        %bitcast3A_875 = vector.bitcast %get3A_782 : vector<16xi32> to vector<32xbf16>
        %mul3A_876 = arith.mulf %bitcast3A_874, %bitcast3A_875 : vector<32xbf16>
        %bitcast3A_877 = vector.bitcast %get3A_785 : vector<16xi32> to vector<32xbf16>
        %mul3A_878 = arith.mulf %mul3A_876, %bitcast3A_877 : vector<32xbf16>
        %bitcast3A_879 = vector.bitcast %get3A_788 : vector<16xi32> to vector<32xbf16>
        %bitcast3A_880 = vector.bitcast %get3A_791 : vector<16xi32> to vector<32xbf16>
        %mul3A_881 = arith.mulf %bitcast3A_879, %bitcast3A_880 : vector<32xbf16>
        %bitcast3A_882 = vector.bitcast %get3A_794 : vector<16xi32> to vector<32xbf16>
        %mul3A_883 = arith.mulf %mul3A_881, %bitcast3A_882 : vector<32xbf16>
        %add3A_884 = arith.addf %mul3A_868, %mul3A_873 : vector<32xbf16>
        %add3A_885 = arith.addf %mul3A_878, %mul3A_883 : vector<32xbf16>
        %add3A_886 = arith.addf %add3A_884, %add3A_885 : vector<32xbf16>
        %add3A_887 = arith.constant 10 : i32
        %add3A_888 = vector.broadcast %add3A_887 : i32 to vector<16xi32>
        %add3A_889 = arith.addi %mul3A_5, %add3A_888 : vector<16xi32>
        %bitcast3A_890 = vector.bitcast %add3A_886 : vector<32xbf16> to vector<16xi32>
        tpu.vector_store_idx %arg18[%add3A_889], %bitcast3A_890 : memref<272xi32, #tpu.memory_space<vmem>>[vector<16xi32>], vector<16xi32>,
        %mul3A_891 = arith.constant 16 : i32
        %mul3A_892 = arith.muli %scan3A_120, %mul3A_891 : i32
        %add3A_893 = arith.constant 11 : i32
        %add3A_894 = arith.addi %mul3A_892, %add3A_893 : i32
        %add3A_895 = arith.constant 1 : i32
        %add3A_896 = arith.addi %add3A_894, %add3A_895 : i32
        %get3A_897 = arith.index_cast %add3A_896 : i32 to index
        %get3A_898 = arith.constant 0 : index
        %get3A_899 = tpu.vector_load %arg11[%get3A_897, %get3A_898] {strides = array<i32>} : memref<80x64xi32, #tpu.memory_space<vmem>>, vector<16xi32>,
        %get3A_900 = arith.index_cast %add3A_896 : i32 to index
        %get3A_901 = arith.constant 0 : index
        %get3A_902 = tpu.vector_load %arg12[%get3A_900, %get3A_901] {strides = array<i32>} : memref<80x64xi32, #tpu.memory_space<vmem>>, vector<16xi32>,
        %get3A_903 = arith.index_cast %add3A_896 : i32 to index
        %get3A_904 = arith.constant 0 : index
        %get3A_905 = tpu.vector_load %arg13[%get3A_903, %get3A_904] {strides = array<i32>} : memref<80x64xi32, #tpu.memory_space<vmem>>, vector<16xi32>,
        %get3A_906 = arith.index_cast %add3A_896 : i32 to index
        %get3A_907 = arith.constant 16 : index
        %get3A_908 = tpu.vector_load %arg11[%get3A_906, %get3A_907] {strides = array<i32>} : memref<80x64xi32, #tpu.memory_space<vmem>>, vector<16xi32>,
        %get3A_909 = arith.index_cast %add3A_896 : i32 to index
        %get3A_910 = arith.constant 16 : index
        %get3A_911 = tpu.vector_load %arg12[%get3A_909, %get3A_910] {strides = array<i32>} : memref<80x64xi32, #tpu.memory_space<vmem>>, vector<16xi32>,
        %get3A_912 = arith.index_cast %add3A_896 : i32 to index
        %get3A_913 = arith.constant 16 : index
        %get3A_914 = tpu.vector_load %arg13[%get3A_912, %get3A_913] {strides = array<i32>} : memref<80x64xi32, #tpu.memory_space<vmem>>, vector<16xi32>,
        %get3A_915 = arith.index_cast %add3A_896 : i32 to index
        %get3A_916 = arith.constant 32 : index
        %get3A_917 = tpu.vector_load %arg11[%get3A_915, %get3A_916] {strides = array<i32>} : memref<80x64xi32, #tpu.memory_space<vmem>>, vector<16xi32>,
        %get3A_918 = arith.index_cast %add3A_896 : i32 to index
        %get3A_919 = arith.constant 32 : index
        %get3A_920 = tpu.vector_load %arg12[%get3A_918, %get3A_919] {strides = array<i32>} : memref<80x64xi32, #tpu.memory_space<vmem>>, vector<16xi32>,
        %get3A_921 = arith.index_cast %add3A_896 : i32 to index
        %get3A_922 = arith.constant 32 : index
        %get3A_923 = tpu.vector_load %arg13[%get3A_921, %get3A_922] {strides = array<i32>} : memref<80x64xi32, #tpu.memory_space<vmem>>, vector<16xi32>,
        %get3A_924 = arith.index_cast %add3A_896 : i32 to index
        %get3A_925 = arith.constant 48 : index
        %get3A_926 = tpu.vector_load %arg11[%get3A_924, %get3A_925] {strides = array<i32>} : memref<80x64xi32, #tpu.memory_space<vmem>>, vector<16xi32>,
        %get3A_927 = arith.index_cast %add3A_896 : i32 to index
        %get3A_928 = arith.constant 48 : index
        %get3A_929 = tpu.vector_load %arg12[%get3A_927, %get3A_928] {strides = array<i32>} : memref<80x64xi32, #tpu.memory_space<vmem>>, vector<16xi32>,
        %get3A_930 = arith.index_cast %add3A_896 : i32 to index
        %get3A_931 = arith.constant 48 : index
        %get3A_932 = tpu.vector_load %arg13[%get3A_930, %get3A_931] {strides = array<i32>} : memref<80x64xi32, #tpu.memory_space<vmem>>, vector<16xi32>,
        %bitcast3A_933 = vector.bitcast %get3A_830 : vector<16xi32> to vector<32xbf16>
        %bitcast3A_934 = vector.bitcast %get3A_833 : vector<16xi32> to vector<32xbf16>
        %mul3A_935 = arith.mulf %bitcast3A_933, %bitcast3A_934 : vector<32xbf16>
        %bitcast3A_936 = vector.bitcast %get3A_836 : vector<16xi32> to vector<32xbf16>
        %mul3A_937 = arith.mulf %mul3A_935, %bitcast3A_936 : vector<32xbf16>
        %bitcast3A_938 = vector.bitcast %get3A_839 : vector<16xi32> to vector<32xbf16>
        %bitcast3A_939 = vector.bitcast %get3A_842 : vector<16xi32> to vector<32xbf16>
        %mul3A_940 = arith.mulf %bitcast3A_938, %bitcast3A_939 : vector<32xbf16>
        %bitcast3A_941 = vector.bitcast %get3A_845 : vector<16xi32> to vector<32xbf16>
        %mul3A_942 = arith.mulf %mul3A_940, %bitcast3A_941 : vector<32xbf16>
        %bitcast3A_943 = vector.bitcast %get3A_848 : vector<16xi32> to vector<32xbf16>
        %bitcast3A_944 = vector.bitcast %get3A_851 : vector<16xi32> to vector<32xbf16>
        %mul3A_945 = arith.mulf %bitcast3A_943, %bitcast3A_944 : vector<32xbf16>
        %bitcast3A_946 = vector.bitcast %get3A_854 : vector<16xi32> to vector<32xbf16>
        %mul3A_947 = arith.mulf %mul3A_945, %bitcast3A_946 : vector<32xbf16>
        %bitcast3A_948 = vector.bitcast %get3A_857 : vector<16xi32> to vector<32xbf16>
        %bitcast3A_949 = vector.bitcast %get3A_860 : vector<16xi32> to vector<32xbf16>
        %mul3A_950 = arith.mulf %bitcast3A_948, %bitcast3A_949 : vector<32xbf16>
        %bitcast3A_951 = vector.bitcast %get3A_863 : vector<16xi32> to vector<32xbf16>
        %mul3A_952 = arith.mulf %mul3A_950, %bitcast3A_951 : vector<32xbf16>
        %add3A_953 = arith.addf %mul3A_937, %mul3A_942 : vector<32xbf16>
        %add3A_954 = arith.addf %mul3A_947, %mul3A_952 : vector<32xbf16>
        %add3A_955 = arith.addf %add3A_953, %add3A_954 : vector<32xbf16>
        %add3A_956 = arith.constant 11 : i32
        %add3A_957 = vector.broadcast %add3A_956 : i32 to vector<16xi32>
        %add3A_958 = arith.addi %mul3A_5, %add3A_957 : vector<16xi32>
        %bitcast3A_959 = vector.bitcast %add3A_955 : vector<32xbf16> to vector<16xi32>
        tpu.vector_store_idx %arg18[%add3A_958], %bitcast3A_959 : memref<272xi32, #tpu.memory_space<vmem>>[vector<16xi32>], vector<16xi32>,
        %mul3A_960 = arith.constant 16 : i32
        %mul3A_961 = arith.muli %scan3A_120, %mul3A_960 : i32
        %add3A_962 = arith.constant 12 : i32
        %add3A_963 = arith.addi %mul3A_961, %add3A_962 : i32
        %add3A_964 = arith.constant 1 : i32
        %add3A_965 = arith.addi %add3A_963, %add3A_964 : i32
        %get3A_966 = arith.index_cast %add3A_965 : i32 to index
        %get3A_967 = arith.constant 0 : index
        %get3A_968 = tpu.vector_load %arg11[%get3A_966, %get3A_967] {strides = array<i32>} : memref<80x64xi32, #tpu.memory_space<vmem>>, vector<16xi32>,
        %get3A_969 = arith.index_cast %add3A_965 : i32 to index
        %get3A_970 = arith.constant 0 : index
        %get3A_971 = tpu.vector_load %arg12[%get3A_969, %get3A_970] {strides = array<i32>} : memref<80x64xi32, #tpu.memory_space<vmem>>, vector<16xi32>,
        %get3A_972 = arith.index_cast %add3A_965 : i32 to index
        %get3A_973 = arith.constant 0 : index
        %get3A_974 = tpu.vector_load %arg13[%get3A_972, %get3A_973] {strides = array<i32>} : memref<80x64xi32, #tpu.memory_space<vmem>>, vector<16xi32>,
        %get3A_975 = arith.index_cast %add3A_965 : i32 to index
        %get3A_976 = arith.constant 16 : index
        %get3A_977 = tpu.vector_load %arg11[%get3A_975, %get3A_976] {strides = array<i32>} : memref<80x64xi32, #tpu.memory_space<vmem>>, vector<16xi32>,
        %get3A_978 = arith.index_cast %add3A_965 : i32 to index
        %get3A_979 = arith.constant 16 : index
        %get3A_980 = tpu.vector_load %arg12[%get3A_978, %get3A_979] {strides = array<i32>} : memref<80x64xi32, #tpu.memory_space<vmem>>, vector<16xi32>,
        %get3A_981 = arith.index_cast %add3A_965 : i32 to index
        %get3A_982 = arith.constant 16 : index
        %get3A_983 = tpu.vector_load %arg13[%get3A_981, %get3A_982] {strides = array<i32>} : memref<80x64xi32, #tpu.memory_space<vmem>>, vector<16xi32>,
        %get3A_984 = arith.index_cast %add3A_965 : i32 to index
        %get3A_985 = arith.constant 32 : index
        %get3A_986 = tpu.vector_load %arg11[%get3A_984, %get3A_985] {strides = array<i32>} : memref<80x64xi32, #tpu.memory_space<vmem>>, vector<16xi32>,
        %get3A_987 = arith.index_cast %add3A_965 : i32 to index
        %get3A_988 = arith.constant 32 : index
        %get3A_989 = tpu.vector_load %arg12[%get3A_987, %get3A_988] {strides = array<i32>} : memref<80x64xi32, #tpu.memory_space<vmem>>, vector<16xi32>,
        %get3A_990 = arith.index_cast %add3A_965 : i32 to index
        %get3A_991 = arith.constant 32 : index
        %get3A_992 = tpu.vector_load %arg13[%get3A_990, %get3A_991] {strides = array<i32>} : memref<80x64xi32, #tpu.memory_space<vmem>>, vector<16xi32>,
        %get3A_993 = arith.index_cast %add3A_965 : i32 to index
        %get3A_994 = arith.constant 48 : index
        %get3A_995 = tpu.vector_load %arg11[%get3A_993, %get3A_994] {strides = array<i32>} : memref<80x64xi32, #tpu.memory_space<vmem>>, vector<16xi32>,
        %get3A_996 = arith.index_cast %add3A_965 : i32 to index
        %get3A_997 = arith.constant 48 : index
        %get3A_998 = tpu.vector_load %arg12[%get3A_996, %get3A_997] {strides = array<i32>} : memref<80x64xi32, #tpu.memory_space<vmem>>, vector<16xi32>,
        %get3A_999 = arith.index_cast %add3A_965 : i32 to index
        %get3A_1000 = arith.constant 48 : index
        %get3A_1001 = tpu.vector_load %arg13[%get3A_999, %get3A_1000] {strides = array<i32>} : memref<80x64xi32, #tpu.memory_space<vmem>>, vector<16xi32>,
        %bitcast3A_1002 = vector.bitcast %get3A_899 : vector<16xi32> to vector<32xbf16>
        %bitcast3A_1003 = vector.bitcast %get3A_902 : vector<16xi32> to vector<32xbf16>
        %mul3A_1004 = arith.mulf %bitcast3A_1002, %bitcast3A_1003 : vector<32xbf16>
        %bitcast3A_1005 = vector.bitcast %get3A_905 : vector<16xi32> to vector<32xbf16>
        %mul3A_1006 = arith.mulf %mul3A_1004, %bitcast3A_1005 : vector<32xbf16>
        %bitcast3A_1007 = vector.bitcast %get3A_908 : vector<16xi32> to vector<32xbf16>
        %bitcast3A_1008 = vector.bitcast %get3A_911 : vector<16xi32> to vector<32xbf16>
        %mul3A_1009 = arith.mulf %bitcast3A_1007, %bitcast3A_1008 : vector<32xbf16>
        %bitcast3A_1010 = vector.bitcast %get3A_914 : vector<16xi32> to vector<32xbf16>
        %mul3A_1011 = arith.mulf %mul3A_1009, %bitcast3A_1010 : vector<32xbf16>
        %bitcast3A_1012 = vector.bitcast %get3A_917 : vector<16xi32> to vector<32xbf16>
        %bitcast3A_1013 = vector.bitcast %get3A_920 : vector<16xi32> to vector<32xbf16>
        %mul3A_1014 = arith.mulf %bitcast3A_1012, %bitcast3A_1013 : vector<32xbf16>
        %bitcast3A_1015 = vector.bitcast %get3A_923 : vector<16xi32> to vector<32xbf16>
        %mul3A_1016 = arith.mulf %mul3A_1014, %bitcast3A_1015 : vector<32xbf16>
        %bitcast3A_1017 = vector.bitcast %get3A_926 : vector<16xi32> to vector<32xbf16>
        %bitcast3A_1018 = vector.bitcast %get3A_929 : vector<16xi32> to vector<32xbf16>
        %mul3A_1019 = arith.mulf %bitcast3A_1017, %bitcast3A_1018 : vector<32xbf16>
        %bitcast3A_1020 = vector.bitcast %get3A_932 : vector<16xi32> to vector<32xbf16>
        %mul3A_1021 = arith.mulf %mul3A_1019, %bitcast3A_1020 : vector<32xbf16>
        %add3A_1022 = arith.addf %mul3A_1006, %mul3A_1011 : vector<32xbf16>
        %add3A_1023 = arith.addf %mul3A_1016, %mul3A_1021 : vector<32xbf16>
        %add3A_1024 = arith.addf %add3A_1022, %add3A_1023 : vector<32xbf16>
        %add3A_1025 = arith.constant 12 : i32
        %add3A_1026 = vector.broadcast %add3A_1025 : i32 to vector<16xi32>
        %add3A_1027 = arith.addi %mul3A_5, %add3A_1026 : vector<16xi32>
        %bitcast3A_1028 = vector.bitcast %add3A_1024 : vector<32xbf16> to vector<16xi32>
        tpu.vector_store_idx %arg18[%add3A_1027], %bitcast3A_1028 : memref<272xi32, #tpu.memory_space<vmem>>[vector<16xi32>], vector<16xi32>,
        %mul3A_1029 = arith.constant 16 : i32
        %mul3A_1030 = arith.muli %scan3A_120, %mul3A_1029 : i32
        %add3A_1031 = arith.constant 13 : i32
        %add3A_1032 = arith.addi %mul3A_1030, %add3A_1031 : i32
        %add3A_1033 = arith.constant 1 : i32
        %add3A_1034 = arith.addi %add3A_1032, %add3A_1033 : i32
        %get3A_1035 = arith.index_cast %add3A_1034 : i32 to index
        %get3A_1036 = arith.constant 0 : index
        %get3A_1037 = tpu.vector_load %arg11[%get3A_1035, %get3A_1036] {strides = array<i32>} : memref<80x64xi32, #tpu.memory_space<vmem>>, vector<16xi32>,
        %get3A_1038 = arith.index_cast %add3A_1034 : i32 to index
        %get3A_1039 = arith.constant 0 : index
        %get3A_1040 = tpu.vector_load %arg12[%get3A_1038, %get3A_1039] {strides = array<i32>} : memref<80x64xi32, #tpu.memory_space<vmem>>, vector<16xi32>,
        %get3A_1041 = arith.index_cast %add3A_1034 : i32 to index
        %get3A_1042 = arith.constant 0 : index
        %get3A_1043 = tpu.vector_load %arg13[%get3A_1041, %get3A_1042] {strides = array<i32>} : memref<80x64xi32, #tpu.memory_space<vmem>>, vector<16xi32>,
        %get3A_1044 = arith.index_cast %add3A_1034 : i32 to index
        %get3A_1045 = arith.constant 16 : index
        %get3A_1046 = tpu.vector_load %arg11[%get3A_1044, %get3A_1045] {strides = array<i32>} : memref<80x64xi32, #tpu.memory_space<vmem>>, vector<16xi32>,
        %get3A_1047 = arith.index_cast %add3A_1034 : i32 to index
        %get3A_1048 = arith.constant 16 : index
        %get3A_1049 = tpu.vector_load %arg12[%get3A_1047, %get3A_1048] {strides = array<i32>} : memref<80x64xi32, #tpu.memory_space<vmem>>, vector<16xi32>,
        %get3A_1050 = arith.index_cast %add3A_1034 : i32 to index
        %get3A_1051 = arith.constant 16 : index
        %get3A_1052 = tpu.vector_load %arg13[%get3A_1050, %get3A_1051] {strides = array<i32>} : memref<80x64xi32, #tpu.memory_space<vmem>>, vector<16xi32>,
        %get3A_1053 = arith.index_cast %add3A_1034 : i32 to index
        %get3A_1054 = arith.constant 32 : index
        %get3A_1055 = tpu.vector_load %arg11[%get3A_1053, %get3A_1054] {strides = array<i32>} : memref<80x64xi32, #tpu.memory_space<vmem>>, vector<16xi32>,
        %get3A_1056 = arith.index_cast %add3A_1034 : i32 to index
        %get3A_1057 = arith.constant 32 : index
        %get3A_1058 = tpu.vector_load %arg12[%get3A_1056, %get3A_1057] {strides = array<i32>} : memref<80x64xi32, #tpu.memory_space<vmem>>, vector<16xi32>,
        %get3A_1059 = arith.index_cast %add3A_1034 : i32 to index
        %get3A_1060 = arith.constant 32 : index
        %get3A_1061 = tpu.vector_load %arg13[%get3A_1059, %get3A_1060] {strides = array<i32>} : memref<80x64xi32, #tpu.memory_space<vmem>>, vector<16xi32>,
        %get3A_1062 = arith.index_cast %add3A_1034 : i32 to index
        %get3A_1063 = arith.constant 48 : index
        %get3A_1064 = tpu.vector_load %arg11[%get3A_1062, %get3A_1063] {strides = array<i32>} : memref<80x64xi32, #tpu.memory_space<vmem>>, vector<16xi32>,
        %get3A_1065 = arith.index_cast %add3A_1034 : i32 to index
        %get3A_1066 = arith.constant 48 : index
        %get3A_1067 = tpu.vector_load %arg12[%get3A_1065, %get3A_1066] {strides = array<i32>} : memref<80x64xi32, #tpu.memory_space<vmem>>, vector<16xi32>,
        %get3A_1068 = arith.index_cast %add3A_1034 : i32 to index
        %get3A_1069 = arith.constant 48 : index
        %get3A_1070 = tpu.vector_load %arg13[%get3A_1068, %get3A_1069] {strides = array<i32>} : memref<80x64xi32, #tpu.memory_space<vmem>>, vector<16xi32>,
        %bitcast3A_1071 = vector.bitcast %get3A_968 : vector<16xi32> to vector<32xbf16>
        %bitcast3A_1072 = vector.bitcast %get3A_971 : vector<16xi32> to vector<32xbf16>
        %mul3A_1073 = arith.mulf %bitcast3A_1071, %bitcast3A_1072 : vector<32xbf16>
        %bitcast3A_1074 = vector.bitcast %get3A_974 : vector<16xi32> to vector<32xbf16>
        %mul3A_1075 = arith.mulf %mul3A_1073, %bitcast3A_1074 : vector<32xbf16>
        %bitcast3A_1076 = vector.bitcast %get3A_977 : vector<16xi32> to vector<32xbf16>
        %bitcast3A_1077 = vector.bitcast %get3A_980 : vector<16xi32> to vector<32xbf16>
        %mul3A_1078 = arith.mulf %bitcast3A_1076, %bitcast3A_1077 : vector<32xbf16>
        %bitcast3A_1079 = vector.bitcast %get3A_983 : vector<16xi32> to vector<32xbf16>
        %mul3A_1080 = arith.mulf %mul3A_1078, %bitcast3A_1079 : vector<32xbf16>
        %bitcast3A_1081 = vector.bitcast %get3A_986 : vector<16xi32> to vector<32xbf16>
        %bitcast3A_1082 = vector.bitcast %get3A_989 : vector<16xi32> to vector<32xbf16>
        %mul3A_1083 = arith.mulf %bitcast3A_1081, %bitcast3A_1082 : vector<32xbf16>
        %bitcast3A_1084 = vector.bitcast %get3A_992 : vector<16xi32> to vector<32xbf16>
        %mul3A_1085 = arith.mulf %mul3A_1083, %bitcast3A_1084 : vector<32xbf16>
        %bitcast3A_1086 = vector.bitcast %get3A_995 : vector<16xi32> to vector<32xbf16>
        %bitcast3A_1087 = vector.bitcast %get3A_998 : vector<16xi32> to vector<32xbf16>
        %mul3A_1088 = arith.mulf %bitcast3A_1086, %bitcast3A_1087 : vector<32xbf16>
        %bitcast3A_1089 = vector.bitcast %get3A_1001 : vector<16xi32> to vector<32xbf16>
        %mul3A_1090 = arith.mulf %mul3A_1088, %bitcast3A_1089 : vector<32xbf16>
        %add3A_1091 = arith.addf %mul3A_1075, %mul3A_1080 : vector<32xbf16>
        %add3A_1092 = arith.addf %mul3A_1085, %mul3A_1090 : vector<32xbf16>
        %add3A_1093 = arith.addf %add3A_1091, %add3A_1092 : vector<32xbf16>
        %add3A_1094 = arith.constant 13 : i32
        %add3A_1095 = vector.broadcast %add3A_1094 : i32 to vector<16xi32>
        %add3A_1096 = arith.addi %mul3A_5, %add3A_1095 : vector<16xi32>
        %bitcast3A_1097 = vector.bitcast %add3A_1093 : vector<32xbf16> to vector<16xi32>
        tpu.vector_store_idx %arg18[%add3A_1096], %bitcast3A_1097 : memref<272xi32, #tpu.memory_space<vmem>>[vector<16xi32>], vector<16xi32>,
        %mul3A_1098 = arith.constant 16 : i32
        %mul3A_1099 = arith.muli %scan3A_120, %mul3A_1098 : i32
        %add3A_1100 = arith.constant 14 : i32
        %add3A_1101 = arith.addi %mul3A_1099, %add3A_1100 : i32
        %add3A_1102 = arith.constant 1 : i32
        %add3A_1103 = arith.addi %add3A_1101, %add3A_1102 : i32
        %get3A_1104 = arith.index_cast %add3A_1103 : i32 to index
        %get3A_1105 = arith.constant 0 : index
        %get3A_1106 = tpu.vector_load %arg11[%get3A_1104, %get3A_1105] {strides = array<i32>} : memref<80x64xi32, #tpu.memory_space<vmem>>, vector<16xi32>,
        %get3A_1107 = arith.index_cast %add3A_1103 : i32 to index
        %get3A_1108 = arith.constant 0 : index
        %get3A_1109 = tpu.vector_load %arg12[%get3A_1107, %get3A_1108] {strides = array<i32>} : memref<80x64xi32, #tpu.memory_space<vmem>>, vector<16xi32>,
        %get3A_1110 = arith.index_cast %add3A_1103 : i32 to index
        %get3A_1111 = arith.constant 0 : index
        %get3A_1112 = tpu.vector_load %arg13[%get3A_1110, %get3A_1111] {strides = array<i32>} : memref<80x64xi32, #tpu.memory_space<vmem>>, vector<16xi32>,
        %get3A_1113 = arith.index_cast %add3A_1103 : i32 to index
        %get3A_1114 = arith.constant 16 : index
        %get3A_1115 = tpu.vector_load %arg11[%get3A_1113, %get3A_1114] {strides = array<i32>} : memref<80x64xi32, #tpu.memory_space<vmem>>, vector<16xi32>,
        %get3A_1116 = arith.index_cast %add3A_1103 : i32 to index
        %get3A_1117 = arith.constant 16 : index
        %get3A_1118 = tpu.vector_load %arg12[%get3A_1116, %get3A_1117] {strides = array<i32>} : memref<80x64xi32, #tpu.memory_space<vmem>>, vector<16xi32>,
        %get3A_1119 = arith.index_cast %add3A_1103 : i32 to index
        %get3A_1120 = arith.constant 16 : index
        %get3A_1121 = tpu.vector_load %arg13[%get3A_1119, %get3A_1120] {strides = array<i32>} : memref<80x64xi32, #tpu.memory_space<vmem>>, vector<16xi32>,
        %get3A_1122 = arith.index_cast %add3A_1103 : i32 to index
        %get3A_1123 = arith.constant 32 : index
        %get3A_1124 = tpu.vector_load %arg11[%get3A_1122, %get3A_1123] {strides = array<i32>} : memref<80x64xi32, #tpu.memory_space<vmem>>, vector<16xi32>,
        %get3A_1125 = arith.index_cast %add3A_1103 : i32 to index
        %get3A_1126 = arith.constant 32 : index
        %get3A_1127 = tpu.vector_load %arg12[%get3A_1125, %get3A_1126] {strides = array<i32>} : memref<80x64xi32, #tpu.memory_space<vmem>>, vector<16xi32>,
        %get3A_1128 = arith.index_cast %add3A_1103 : i32 to index
        %get3A_1129 = arith.constant 32 : index
        %get3A_1130 = tpu.vector_load %arg13[%get3A_1128, %get3A_1129] {strides = array<i32>} : memref<80x64xi32, #tpu.memory_space<vmem>>, vector<16xi32>,
        %get3A_1131 = arith.index_cast %add3A_1103 : i32 to index
        %get3A_1132 = arith.constant 48 : index
        %get3A_1133 = tpu.vector_load %arg11[%get3A_1131, %get3A_1132] {strides = array<i32>} : memref<80x64xi32, #tpu.memory_space<vmem>>, vector<16xi32>,
        %get3A_1134 = arith.index_cast %add3A_1103 : i32 to index
        %get3A_1135 = arith.constant 48 : index
        %get3A_1136 = tpu.vector_load %arg12[%get3A_1134, %get3A_1135] {strides = array<i32>} : memref<80x64xi32, #tpu.memory_space<vmem>>, vector<16xi32>,
        %get3A_1137 = arith.index_cast %add3A_1103 : i32 to index
        %get3A_1138 = arith.constant 48 : index
        %get3A_1139 = tpu.vector_load %arg13[%get3A_1137, %get3A_1138] {strides = array<i32>} : memref<80x64xi32, #tpu.memory_space<vmem>>, vector<16xi32>,
        %bitcast3A_1140 = vector.bitcast %get3A_1037 : vector<16xi32> to vector<32xbf16>
        %bitcast3A_1141 = vector.bitcast %get3A_1040 : vector<16xi32> to vector<32xbf16>
        %mul3A_1142 = arith.mulf %bitcast3A_1140, %bitcast3A_1141 : vector<32xbf16>
        %bitcast3A_1143 = vector.bitcast %get3A_1043 : vector<16xi32> to vector<32xbf16>
        %mul3A_1144 = arith.mulf %mul3A_1142, %bitcast3A_1143 : vector<32xbf16>
        %bitcast3A_1145 = vector.bitcast %get3A_1046 : vector<16xi32> to vector<32xbf16>
        %bitcast3A_1146 = vector.bitcast %get3A_1049 : vector<16xi32> to vector<32xbf16>
        %mul3A_1147 = arith.mulf %bitcast3A_1145, %bitcast3A_1146 : vector<32xbf16>
        %bitcast3A_1148 = vector.bitcast %get3A_1052 : vector<16xi32> to vector<32xbf16>
        %mul3A_1149 = arith.mulf %mul3A_1147, %bitcast3A_1148 : vector<32xbf16>
        %bitcast3A_1150 = vector.bitcast %get3A_1055 : vector<16xi32> to vector<32xbf16>
        %bitcast3A_1151 = vector.bitcast %get3A_1058 : vector<16xi32> to vector<32xbf16>
        %mul3A_1152 = arith.mulf %bitcast3A_1150, %bitcast3A_1151 : vector<32xbf16>
        %bitcast3A_1153 = vector.bitcast %get3A_1061 : vector<16xi32> to vector<32xbf16>
        %mul3A_1154 = arith.mulf %mul3A_1152, %bitcast3A_1153 : vector<32xbf16>
        %bitcast3A_1155 = vector.bitcast %get3A_1064 : vector<16xi32> to vector<32xbf16>
        %bitcast3A_1156 = vector.bitcast %get3A_1067 : vector<16xi32> to vector<32xbf16>
        %mul3A_1157 = arith.mulf %bitcast3A_1155, %bitcast3A_1156 : vector<32xbf16>
        %bitcast3A_1158 = vector.bitcast %get3A_1070 : vector<16xi32> to vector<32xbf16>
        %mul3A_1159 = arith.mulf %mul3A_1157, %bitcast3A_1158 : vector<32xbf16>
        %add3A_1160 = arith.addf %mul3A_1144, %mul3A_1149 : vector<32xbf16>
        %add3A_1161 = arith.addf %mul3A_1154, %mul3A_1159 : vector<32xbf16>
        %add3A_1162 = arith.addf %add3A_1160, %add3A_1161 : vector<32xbf16>
        %add3A_1163 = arith.constant 14 : i32
        %add3A_1164 = vector.broadcast %add3A_1163 : i32 to vector<16xi32>
        %add3A_1165 = arith.addi %mul3A_5, %add3A_1164 : vector<16xi32>
        %bitcast3A_1166 = vector.bitcast %add3A_1162 : vector<32xbf16> to vector<16xi32>
        tpu.vector_store_idx %arg18[%add3A_1165], %bitcast3A_1166 : memref<272xi32, #tpu.memory_space<vmem>>[vector<16xi32>], vector<16xi32>,
        %bitcast3A_1167 = vector.bitcast %get3A_1106 : vector<16xi32> to vector<32xbf16>
        %bitcast3A_1168 = vector.bitcast %get3A_1109 : vector<16xi32> to vector<32xbf16>
        %mul3A_1169 = arith.mulf %bitcast3A_1167, %bitcast3A_1168 : vector<32xbf16>
        %bitcast3A_1170 = vector.bitcast %get3A_1112 : vector<16xi32> to vector<32xbf16>
        %mul3A_1171 = arith.mulf %mul3A_1169, %bitcast3A_1170 : vector<32xbf16>
        %bitcast3A_1172 = vector.bitcast %get3A_1115 : vector<16xi32> to vector<32xbf16>
        %bitcast3A_1173 = vector.bitcast %get3A_1118 : vector<16xi32> to vector<32xbf16>
        %mul3A_1174 = arith.mulf %bitcast3A_1172, %bitcast3A_1173 : vector<32xbf16>
        %bitcast3A_1175 = vector.bitcast %get3A_1121 : vector<16xi32> to vector<32xbf16>
        %mul3A_1176 = arith.mulf %mul3A_1174, %bitcast3A_1175 : vector<32xbf16>
        %bitcast3A_1177 = vector.bitcast %get3A_1124 : vector<16xi32> to vector<32xbf16>
        %bitcast3A_1178 = vector.bitcast %get3A_1127 : vector<16xi32> to vector<32xbf16>
        %mul3A_1179 = arith.mulf %bitcast3A_1177, %bitcast3A_1178 : vector<32xbf16>
        %bitcast3A_1180 = vector.bitcast %get3A_1130 : vector<16xi32> to vector<32xbf16>
        %mul3A_1181 = arith.mulf %mul3A_1179, %bitcast3A_1180 : vector<32xbf16>
        %bitcast3A_1182 = vector.bitcast %get3A_1133 : vector<16xi32> to vector<32xbf16>
        %bitcast3A_1183 = vector.bitcast %get3A_1136 : vector<16xi32> to vector<32xbf16>
        %mul3A_1184 = arith.mulf %bitcast3A_1182, %bitcast3A_1183 : vector<32xbf16>
        %bitcast3A_1185 = vector.bitcast %get3A_1139 : vector<16xi32> to vector<32xbf16>
        %mul3A_1186 = arith.mulf %mul3A_1184, %bitcast3A_1185 : vector<32xbf16>
        %add3A_1187 = arith.addf %mul3A_1171, %mul3A_1176 : vector<32xbf16>
        %add3A_1188 = arith.addf %mul3A_1181, %mul3A_1186 : vector<32xbf16>
        %add3A_1189 = arith.addf %add3A_1187, %add3A_1188 : vector<32xbf16>
        %add3A_1190 = arith.constant 15 : i32
        %add3A_1191 = vector.broadcast %add3A_1190 : i32 to vector<16xi32>
        %add3A_1192 = arith.addi %mul3A_5, %add3A_1191 : vector<16xi32>
        %bitcast3A_1193 = vector.bitcast %add3A_1189 : vector<32xbf16> to vector<16xi32>
        tpu.vector_store_idx %arg18[%add3A_1192], %bitcast3A_1193 : memref<272xi32, #tpu.memory_space<vmem>>[vector<16xi32>], vector<16xi32>,
        %add3A_1194 = arith.constant 1 : i32
        %add3A_1195 = arith.addi %scan3A_120, %add3A_1194 : i32
        %mul3A_1196 = arith.constant 16 : i32
        %mul3A_1197 = arith.muli %add3A_1195, %mul3A_1196 : i32
        %jit3A = arith.constant 80 : i32
        %eq3A = arith.constant 0 : i32
        %eq3A_1198 = arith.cmpi eq, %jit3A, %eq3A : i32
        %jit3A_1199 = arith.constant 1 : i32
        %select_n3A = arith.select %eq3A_1198, %jit3A_1199, %jit3A : i32
        %rem3A = arith.remsi %mul3A_1197, %select_n3A : i32
        %ne3A = arith.constant 0 : i32
        %ne3A_1200 = arith.cmpi ne, %rem3A, %ne3A : i32
        %lt3A_1201 = arith.constant 0 : i32
        %lt3A_1202 = arith.cmpi slt, %rem3A, %lt3A_1201 : i32
        %lt3A_1203 = arith.constant 0 : i32
        %lt3A_1204 = arith.cmpi slt, %select_n3A, %lt3A_1203 : i32
        %ne3A_1205 = arith.xori %lt3A_1202, %lt3A_1204 : i1
        %and3A = arith.andi %ne3A_1205, %ne3A_1200 : i1
        %add3A_1206 = arith.addi %rem3A, %select_n3A : i32
        %select_n3A_1207 = arith.select %and3A, %add3A_1206, %rem3A : i32
        %get3A_1208 = arith.index_cast %select_n3A_1207 : i32 to index
        %get3A_1209 = arith.constant 0 : index
        %get3A_1210 = tpu.vector_load %arg11[%get3A_1208, %get3A_1209] {strides = array<i32>} : memref<80x64xi32, #tpu.memory_space<vmem>>, vector<16xi32>,
        %get3A_1211 = arith.index_cast %select_n3A_1207 : i32 to index
        %get3A_1212 = arith.constant 0 : index
        %get3A_1213 = tpu.vector_load %arg12[%get3A_1211, %get3A_1212] {strides = array<i32>} : memref<80x64xi32, #tpu.memory_space<vmem>>, vector<16xi32>,
        %get3A_1214 = arith.index_cast %select_n3A_1207 : i32 to index
        %get3A_1215 = arith.constant 0 : index
        %get3A_1216 = tpu.vector_load %arg13[%get3A_1214, %get3A_1215] {strides = array<i32>} : memref<80x64xi32, #tpu.memory_space<vmem>>, vector<16xi32>,
        %get3A_1217 = arith.index_cast %select_n3A_1207 : i32 to index
        %get3A_1218 = arith.constant 16 : index
        %get3A_1219 = tpu.vector_load %arg11[%get3A_1217, %get3A_1218] {strides = array<i32>} : memref<80x64xi32, #tpu.memory_space<vmem>>, vector<16xi32>,
        %get3A_1220 = arith.index_cast %select_n3A_1207 : i32 to index
        %get3A_1221 = arith.constant 16 : index
        %get3A_1222 = tpu.vector_load %arg12[%get3A_1220, %get3A_1221] {strides = array<i32>} : memref<80x64xi32, #tpu.memory_space<vmem>>, vector<16xi32>,
        %get3A_1223 = arith.index_cast %select_n3A_1207 : i32 to index
        %get3A_1224 = arith.constant 16 : index
        %get3A_1225 = tpu.vector_load %arg13[%get3A_1223, %get3A_1224] {strides = array<i32>} : memref<80x64xi32, #tpu.memory_space<vmem>>, vector<16xi32>,
        %get3A_1226 = arith.index_cast %select_n3A_1207 : i32 to index
        %get3A_1227 = arith.constant 32 : index
        %get3A_1228 = tpu.vector_load %arg11[%get3A_1226, %get3A_1227] {strides = array<i32>} : memref<80x64xi32, #tpu.memory_space<vmem>>, vector<16xi32>,
        %get3A_1229 = arith.index_cast %select_n3A_1207 : i32 to index
        %get3A_1230 = arith.constant 32 : index
        %get3A_1231 = tpu.vector_load %arg12[%get3A_1229, %get3A_1230] {strides = array<i32>} : memref<80x64xi32, #tpu.memory_space<vmem>>, vector<16xi32>,
        %get3A_1232 = arith.index_cast %select_n3A_1207 : i32 to index
        %get3A_1233 = arith.constant 32 : index
        %get3A_1234 = tpu.vector_load %arg13[%get3A_1232, %get3A_1233] {strides = array<i32>} : memref<80x64xi32, #tpu.memory_space<vmem>>, vector<16xi32>,
        %get3A_1235 = arith.index_cast %select_n3A_1207 : i32 to index
        %get3A_1236 = arith.constant 48 : index
        %get3A_1237 = tpu.vector_load %arg11[%get3A_1235, %get3A_1236] {strides = array<i32>} : memref<80x64xi32, #tpu.memory_space<vmem>>, vector<16xi32>,
        %get3A_1238 = arith.index_cast %select_n3A_1207 : i32 to index
        %get3A_1239 = arith.constant 48 : index
        %get3A_1240 = tpu.vector_load %arg12[%get3A_1238, %get3A_1239] {strides = array<i32>} : memref<80x64xi32, #tpu.memory_space<vmem>>, vector<16xi32>,
        %get3A_1241 = arith.index_cast %select_n3A_1207 : i32 to index
        %get3A_1242 = arith.constant 48 : index
        %get3A_1243 = tpu.vector_load %arg13[%get3A_1241, %get3A_1242] {strides = array<i32>} : memref<80x64xi32, #tpu.memory_space<vmem>>, vector<16xi32>,
        %get3A_1244 = arith.constant 0 : index
        %get3A_1245 = tpu.vector_load %arg18[%get3A_1244] {strides = array<i32>} : memref<272xi32, #tpu.memory_space<vmem>>, vector<16xi32>,
        %bitcast3A_1246 = vector.bitcast %get3A_1245 : vector<16xi32> to vector<32xbf16>
        %get3A_1247 = arith.constant 17 : index
        %get3A_1248 = tpu.vector_load %arg18[%get3A_1247] {strides = array<i32>} : memref<272xi32, #tpu.memory_space<vmem>>, vector<16xi32>,
        %bitcast3A_1249 = vector.bitcast %get3A_1248 : vector<16xi32> to vector<32xbf16>
        %get3A_1250 = arith.constant 34 : index
        %get3A_1251 = tpu.vector_load %arg18[%get3A_1250] {strides = array<i32>} : memref<272xi32, #tpu.memory_space<vmem>>, vector<16xi32>,
        %bitcast3A_1252 = vector.bitcast %get3A_1251 : vector<16xi32> to vector<32xbf16>
        %get3A_1253 = arith.constant 51 : index
        %get3A_1254 = tpu.vector_load %arg18[%get3A_1253] {strides = array<i32>} : memref<272xi32, #tpu.memory_space<vmem>>, vector<16xi32>,
        %bitcast3A_1255 = vector.bitcast %get3A_1254 : vector<16xi32> to vector<32xbf16>
        %get3A_1256 = arith.constant 68 : index
        %get3A_1257 = tpu.vector_load %arg18[%get3A_1256] {strides = array<i32>} : memref<272xi32, #tpu.memory_space<vmem>>, vector<16xi32>,
        %bitcast3A_1258 = vector.bitcast %get3A_1257 : vector<16xi32> to vector<32xbf16>
        %get3A_1259 = arith.constant 85 : index
        %get3A_1260 = tpu.vector_load %arg18[%get3A_1259] {strides = array<i32>} : memref<272xi32, #tpu.memory_space<vmem>>, vector<16xi32>,
        %bitcast3A_1261 = vector.bitcast %get3A_1260 : vector<16xi32> to vector<32xbf16>
        %get3A_1262 = arith.constant 102 : index
        %get3A_1263 = tpu.vector_load %arg18[%get3A_1262] {strides = array<i32>} : memref<272xi32, #tpu.memory_space<vmem>>, vector<16xi32>,
        %bitcast3A_1264 = vector.bitcast %get3A_1263 : vector<16xi32> to vector<32xbf16>
        %get3A_1265 = arith.constant 119 : index
        %get3A_1266 = tpu.vector_load %arg18[%get3A_1265] {strides = array<i32>} : memref<272xi32, #tpu.memory_space<vmem>>, vector<16xi32>,
        %bitcast3A_1267 = vector.bitcast %get3A_1266 : vector<16xi32> to vector<32xbf16>
        %get3A_1268 = arith.constant 136 : index
        %get3A_1269 = tpu.vector_load %arg18[%get3A_1268] {strides = array<i32>} : memref<272xi32, #tpu.memory_space<vmem>>, vector<16xi32>,
        %bitcast3A_1270 = vector.bitcast %get3A_1269 : vector<16xi32> to vector<32xbf16>
        %get3A_1271 = arith.constant 153 : index
        %get3A_1272 = tpu.vector_load %arg18[%get3A_1271] {strides = array<i32>} : memref<272xi32, #tpu.memory_space<vmem>>, vector<16xi32>,
        %bitcast3A_1273 = vector.bitcast %get3A_1272 : vector<16xi32> to vector<32xbf16>
        %get3A_1274 = arith.constant 170 : index
        %get3A_1275 = tpu.vector_load %arg18[%get3A_1274] {strides = array<i32>} : memref<272xi32, #tpu.memory_space<vmem>>, vector<16xi32>,
        %bitcast3A_1276 = vector.bitcast %get3A_1275 : vector<16xi32> to vector<32xbf16>
        %get3A_1277 = arith.constant 187 : index
        %get3A_1278 = tpu.vector_load %arg18[%get3A_1277] {strides = array<i32>} : memref<272xi32, #tpu.memory_space<vmem>>, vector<16xi32>,
        %bitcast3A_1279 = vector.bitcast %get3A_1278 : vector<16xi32> to vector<32xbf16>
        %get3A_1280 = arith.constant 204 : index
        %get3A_1281 = tpu.vector_load %arg18[%get3A_1280] {strides = array<i32>} : memref<272xi32, #tpu.memory_space<vmem>>, vector<16xi32>,
        %bitcast3A_1282 = vector.bitcast %get3A_1281 : vector<16xi32> to vector<32xbf16>
        %get3A_1283 = arith.constant 221 : index
        %get3A_1284 = tpu.vector_load %arg18[%get3A_1283] {strides = array<i32>} : memref<272xi32, #tpu.memory_space<vmem>>, vector<16xi32>,
        %bitcast3A_1285 = vector.bitcast %get3A_1284 : vector<16xi32> to vector<32xbf16>
        %get3A_1286 = arith.constant 238 : index
        %get3A_1287 = tpu.vector_load %arg18[%get3A_1286] {strides = array<i32>} : memref<272xi32, #tpu.memory_space<vmem>>, vector<16xi32>,
        %bitcast3A_1288 = vector.bitcast %get3A_1287 : vector<16xi32> to vector<32xbf16>
        %get3A_1289 = arith.constant 255 : index
        %get3A_1290 = tpu.vector_load %arg18[%get3A_1289] {strides = array<i32>} : memref<272xi32, #tpu.memory_space<vmem>>, vector<16xi32>,
        %bitcast3A_1291 = vector.bitcast %get3A_1290 : vector<16xi32> to vector<32xbf16>
        %add3A_1292 = arith.addf %bitcast3A_1246, %bitcast3A_1249 : vector<32xbf16>
        %add3A_1293 = arith.addf %bitcast3A_1252, %bitcast3A_1255 : vector<32xbf16>
        %add3A_1294 = arith.addf %bitcast3A_1258, %bitcast3A_1261 : vector<32xbf16>
        %add3A_1295 = arith.addf %bitcast3A_1264, %bitcast3A_1267 : vector<32xbf16>
        %add3A_1296 = arith.addf %bitcast3A_1270, %bitcast3A_1273 : vector<32xbf16>
        %add3A_1297 = arith.addf %bitcast3A_1276, %bitcast3A_1279 : vector<32xbf16>
        %add3A_1298 = arith.addf %bitcast3A_1282, %bitcast3A_1285 : vector<32xbf16>
        %add3A_1299 = arith.addf %bitcast3A_1288, %bitcast3A_1291 : vector<32xbf16>
        %add3A_1300 = arith.addf %add3A_1292, %add3A_1293 : vector<32xbf16>
        %add3A_1301 = arith.addf %add3A_1294, %add3A_1295 : vector<32xbf16>
        %add3A_1302 = arith.addf %add3A_1296, %add3A_1297 : vector<32xbf16>
        %add3A_1303 = arith.addf %add3A_1298, %add3A_1299 : vector<32xbf16>
        %add3A_1304 = arith.addf %add3A_1300, %add3A_1301 : vector<32xbf16>
        %add3A_1305 = arith.addf %add3A_1302, %add3A_1303 : vector<32xbf16>
        %add3A_1306 = arith.addf %add3A_1304, %add3A_1305 : vector<32xbf16>
        %unpack3A = tpu.unpack_subelements %add3A_1306, 0 {pack_format = #tpu.pack_format<interleaved>} : vector<32xbf16> -> vector<16xf32>
        %unpack3A_1307 = tpu.unpack_subelements %add3A_1306, 1 {pack_format = #tpu.pack_format<interleaved>} : vector<32xbf16> -> vector<16xf32>
        %add3A_1308 = arith.addf %unpack3A, %unpack3A_1307 : vector<16xf32>
        %mul3A_1309 = arith.constant 16 : i32
        %mul3A_1310 = arith.muli %scan3A_120, %mul3A_1309 : i32
        %add3A_1311 = arith.addi %mul3A_52, %mul3A_1310 : i32
        %swap3A = arith.index_cast %add3A_1311 : i32 to index
        %swap3A_1312 = tpu.vector_load %arg17[%swap3A] {strides = array<i32>} : memref<10000xf32, #tpu.memory_space<vmem>>, vector<16xf32>,
        tpu.vector_store %arg17[%swap3A], %add3A_1308 {strides = array<i32>} : memref<10000xf32, #tpu.memory_space<vmem>>, vector<16xf32>,
        scf.yield %get3A_1210, %get3A_1213, %get3A_1216, %get3A_1219, %get3A_1222, %get3A_1225, %get3A_1228, %get3A_1231, %get3A_1234, %get3A_1237, %get3A_1240, %get3A_1243 : vector<16xi32>, vector<16xi32>, vector<16xi32>, vector<16xi32>, vector<16xi32>, vector<16xi32>, vector<16xi32>, vector<16xi32>, vector<16xi32>, vector<16xi32>, vector<16xi32>, vector<16xi32>
      }
      %scan3A_105 = arith.constant 5 : i32
      %add3A_106 = arith.constant 2 : i32
      %add3A_107 = arith.addi %mul3A_33, %add3A_106 : i32
      %lt3A_108 = arith.constant 125 : i32
      %lt3A_109 = arith.cmpi slt, %add3A_107, %lt3A_108 : i32
      %convert_element_type3A_110 = arith.extui %lt3A_109 : i1 to i32
      %cond3A_111 = arith.constant 0 : i32
      %cond3A_112 = arith.cmpi ne, %convert_element_type3A_110, %cond3A_111 : i32
      scf.if %cond3A_112 {
        %add3A_120 = arith.constant 2 : i32
        %add3A_121 = arith.addi %mul3A_33, %add3A_120 : i32
        %mul3A_122 = arith.constant 80 : i32
        %mul3A_123 = arith.muli %add3A_121, %mul3A_122 : i32
        %dma_start3A_124 = tpu.memref_slice %arg8[%mul3A_123] : memref<10000xi32, #tpu.memory_space<vmem>> -> memref<80xi32, #tpu.memory_space<vmem>>
        %dma_start3A_125 = arith.constant 0 : i32
        %dma_start3A_126 = arith.constant 0 : i32
        %dma_start3A_127 = tpu.memref_slice %arg2[%dma_start3A_125, %dma_start3A_126] : memref<10000x64xi32, #tpu.memory_space<hbm>> -> memref<10000x64xi32, #tpu.memory_space<hbm>>
        tpu.enqueue_indirect_dma source(%dma_start3A_127 : memref<10000x64xi32, #tpu.memory_space<hbm>>) target(%arg11 : memref<80x64xi32, #tpu.memory_space<vmem>>) offsets(%dma_start3A_124 : memref<80xi32, #tpu.memory_space<vmem>>) semaphore(%arg19 : memref<!tpu.dma_semaphore, #tpu.memory_space<semaphore_mem>>)
        %dma_start3A_128 = tpu.memref_slice %arg9[%mul3A_123] : memref<10000xi32, #tpu.memory_space<vmem>> -> memref<80xi32, #tpu.memory_space<vmem>>
        %dma_start3A_129 = arith.constant 0 : i32
        %dma_start3A_130 = arith.constant 0 : i32
        %dma_start3A_131 = tpu.memref_slice %arg2[%dma_start3A_129, %dma_start3A_130] : memref<10000x64xi32, #tpu.memory_space<hbm>> -> memref<10000x64xi32, #tpu.memory_space<hbm>>
        tpu.enqueue_indirect_dma source(%dma_start3A_131 : memref<10000x64xi32, #tpu.memory_space<hbm>>) target(%arg12 : memref<80x64xi32, #tpu.memory_space<vmem>>) offsets(%dma_start3A_128 : memref<80xi32, #tpu.memory_space<vmem>>) semaphore(%arg20 : memref<!tpu.dma_semaphore, #tpu.memory_space<semaphore_mem>>)
        %dma_start3A_132 = tpu.memref_slice %arg10[%mul3A_123] : memref<10000xi32, #tpu.memory_space<vmem>> -> memref<80xi32, #tpu.memory_space<vmem>>
        %dma_start3A_133 = arith.constant 0 : i32
        %dma_start3A_134 = arith.constant 0 : i32
        %dma_start3A_135 = tpu.memref_slice %arg6[%dma_start3A_133, %dma_start3A_134] : memref<1000x64xi32, #tpu.memory_space<hbm>> -> memref<1000x64xi32, #tpu.memory_space<hbm>>
        tpu.enqueue_indirect_dma source(%dma_start3A_135 : memref<1000x64xi32, #tpu.memory_space<hbm>>) target(%arg13 : memref<80x64xi32, #tpu.memory_space<vmem>>) offsets(%dma_start3A_132 : memref<80xi32, #tpu.memory_space<vmem>>) semaphore(%arg21 : memref<!tpu.dma_semaphore, #tpu.memory_space<semaphore_mem>>)
      } else {
      }
      %add3A_113 = arith.constant 1 : i32
      %add3A_114 = arith.addi %mul3A_33, %add3A_113 : i32
      %lt3A_115 = arith.constant 125 : i32
      %lt3A_116 = arith.cmpi slt, %add3A_114, %lt3A_115 : i32
      %convert_element_type3A_117 = arith.extui %lt3A_116 : i1 to i32
      %cond3A_118 = arith.constant 0 : i32
      %cond3A_119 = arith.cmpi ne, %convert_element_type3A_117, %cond3A_118 : i32
      scf.if %cond3A_119 {
        %add3A_120 = arith.constant 1 : i32
        %add3A_121 = arith.addi %mul3A_33, %add3A_120 : i32
        %mul3A_122 = arith.constant 80 : i32
        %mul3A_123 = arith.muli %add3A_121, %mul3A_122 : i32
        %dma_wait3A_124 = tpu.memref_slice %arg8[%mul3A_123] : memref<10000xi32, #tpu.memory_space<vmem>> -> memref<80xi32, #tpu.memory_space<vmem>>
        %dma_wait3A_125 = arith.constant 0 : i32
        %dma_wait3A_126 = arith.constant 0 : i32
        %dma_wait3A_127 = tpu.memref_slice %arg2[%dma_wait3A_125, %dma_wait3A_126] : memref<10000x64xi32, #tpu.memory_space<hbm>> -> memref<10000x64xi32, #tpu.memory_space<hbm>>
        tpu.wait_indirect_dma semaphore(%arg22 : memref<!tpu.dma_semaphore, #tpu.memory_space<semaphore_mem>>) src(%dma_wait3A_127 : memref<10000x64xi32, #tpu.memory_space<hbm>>) dst(%arg14 : memref<80x64xi32, #tpu.memory_space<vmem>>)
        %dma_wait3A_128 = tpu.memref_slice %arg9[%mul3A_123] : memref<10000xi32, #tpu.memory_space<vmem>> -> memref<80xi32, #tpu.memory_space<vmem>>
        %dma_wait3A_129 = arith.constant 0 : i32
        %dma_wait3A_130 = arith.constant 0 : i32
        %dma_wait3A_131 = tpu.memref_slice %arg2[%dma_wait3A_129, %dma_wait3A_130] : memref<10000x64xi32, #tpu.memory_space<hbm>> -> memref<10000x64xi32, #tpu.memory_space<hbm>>
        tpu.wait_indirect_dma semaphore(%arg23 : memref<!tpu.dma_semaphore, #tpu.memory_space<semaphore_mem>>) src(%dma_wait3A_131 : memref<10000x64xi32, #tpu.memory_space<hbm>>) dst(%arg15 : memref<80x64xi32, #tpu.memory_space<vmem>>)
        %dma_wait3A_132 = tpu.memref_slice %arg10[%mul3A_123] : memref<10000xi32, #tpu.memory_space<vmem>> -> memref<80xi32, #tpu.memory_space<vmem>>
        %dma_wait3A_133 = arith.constant 0 : i32
        %dma_wait3A_134 = arith.constant 0 : i32
        %dma_wait3A_135 = tpu.memref_slice %arg6[%dma_wait3A_133, %dma_wait3A_134] : memref<1000x64xi32, #tpu.memory_space<hbm>> -> memref<1000x64xi32, #tpu.memory_space<hbm>>
        tpu.wait_indirect_dma semaphore(%arg24 : memref<!tpu.dma_semaphore, #tpu.memory_space<semaphore_mem>>) src(%dma_wait3A_135 : memref<1000x64xi32, #tpu.memory_space<hbm>>) dst(%arg16 : memref<80x64xi32, #tpu.memory_space<vmem>>)
        %add3A_136 = arith.constant 1 : i32
        %add3A_137 = arith.addi %mul3A_33, %add3A_136 : i32
        %mul3A_138 = arith.constant 80 : i32
        %mul3A_139 = arith.muli %add3A_137, %mul3A_138 : i32
        %get3A_140 = arith.constant 0 : i32
        %get3A_141 = arith.index_cast %get3A_140 : i32 to index
        %get3A_142 = arith.constant 0 : index
        %get3A_143 = tpu.vector_load %arg14[%get3A_141, %get3A_142] {strides = array<i32>} : memref<80x64xi32, #tpu.memory_space<vmem>>, vector<16xi32>,
        %get3A_144 = arith.constant 0 : i32
        %get3A_145 = arith.index_cast %get3A_144 : i32 to index
        %get3A_146 = arith.constant 0 : index
        %get3A_147 = tpu.vector_load %arg15[%get3A_145, %get3A_146] {strides = array<i32>} : memref<80x64xi32, #tpu.memory_space<vmem>>, vector<16xi32>,
        %get3A_148 = arith.constant 0 : i32
        %get3A_149 = arith.index_cast %get3A_148 : i32 to index
        %get3A_150 = arith.constant 0 : index
        %get3A_151 = tpu.vector_load %arg16[%get3A_149, %get3A_150] {strides = array<i32>} : memref<80x64xi32, #tpu.memory_space<vmem>>, vector<16xi32>,
        %get3A_152 = arith.constant 0 : i32
        %get3A_153 = arith.index_cast %get3A_152 : i32 to index
        %get3A_154 = arith.constant 16 : index
        %get3A_155 = tpu.vector_load %arg14[%get3A_153, %get3A_154] {strides = array<i32>} : memref<80x64xi32, #tpu.memory_space<vmem>>, vector<16xi32>,
        %get3A_156 = arith.constant 0 : i32
        %get3A_157 = arith.index_cast %get3A_156 : i32 to index
        %get3A_158 = arith.constant 16 : index
        %get3A_159 = tpu.vector_load %arg15[%get3A_157, %get3A_158] {strides = array<i32>} : memref<80x64xi32, #tpu.memory_space<vmem>>, vector<16xi32>,
        %get3A_160 = arith.constant 0 : i32
        %get3A_161 = arith.index_cast %get3A_160 : i32 to index
        %get3A_162 = arith.constant 16 : index
        %get3A_163 = tpu.vector_load %arg16[%get3A_161, %get3A_162] {strides = array<i32>} : memref<80x64xi32, #tpu.memory_space<vmem>>, vector<16xi32>,
        %get3A_164 = arith.constant 0 : i32
        %get3A_165 = arith.index_cast %get3A_164 : i32 to index
        %get3A_166 = arith.constant 32 : index
        %get3A_167 = tpu.vector_load %arg14[%get3A_165, %get3A_166] {strides = array<i32>} : memref<80x64xi32, #tpu.memory_space<vmem>>, vector<16xi32>,
        %get3A_168 = arith.constant 0 : i32
        %get3A_169 = arith.index_cast %get3A_168 : i32 to index
        %get3A_170 = arith.constant 32 : index
        %get3A_171 = tpu.vector_load %arg15[%get3A_169, %get3A_170] {strides = array<i32>} : memref<80x64xi32, #tpu.memory_space<vmem>>, vector<16xi32>,
        %get3A_172 = arith.constant 0 : i32
        %get3A_173 = arith.index_cast %get3A_172 : i32 to index
        %get3A_174 = arith.constant 32 : index
        %get3A_175 = tpu.vector_load %arg16[%get3A_173, %get3A_174] {strides = array<i32>} : memref<80x64xi32, #tpu.memory_space<vmem>>, vector<16xi32>,
        %get3A_176 = arith.constant 0 : i32
        %get3A_177 = arith.index_cast %get3A_176 : i32 to index
        %get3A_178 = arith.constant 48 : index
        %get3A_179 = tpu.vector_load %arg14[%get3A_177, %get3A_178] {strides = array<i32>} : memref<80x64xi32, #tpu.memory_space<vmem>>, vector<16xi32>,
        %get3A_180 = arith.constant 0 : i32
        %get3A_181 = arith.index_cast %get3A_180 : i32 to index
        %get3A_182 = arith.constant 48 : index
        %get3A_183 = tpu.vector_load %arg15[%get3A_181, %get3A_182] {strides = array<i32>} : memref<80x64xi32, #tpu.memory_space<vmem>>, vector<16xi32>,
        %get3A_184 = arith.constant 0 : i32
        %get3A_185 = arith.index_cast %get3A_184 : i32 to index
        %get3A_186 = arith.constant 48 : index
        %get3A_187 = tpu.vector_load %arg16[%get3A_185, %get3A_186] {strides = array<i32>} : memref<80x64xi32, #tpu.memory_space<vmem>>, vector<16xi32>,
        %scan3A_188 = arith.constant 0 : i32
        %scan3A_189 = arith.constant 5 : i32
        %scan3A_190 = arith.addi %scan3A_188, %scan3A_189 : i32
        %scan3A_191 = arith.constant 1 : i32
        %scan3A_192:12 = scf.for %scan3A_194 = %scan3A_188 to %scan3A_190 step %scan3A_191 iter_args(%scan3A_195 = %get3A_143, %scan3A_196 = %get3A_147, %scan3A_197 = %get3A_151, %scan3A_198 = %get3A_155, %scan3A_199 = %get3A_159, %scan3A_200 = %get3A_163, %scan3A_201 = %get3A_167, %scan3A_202 = %get3A_171, %scan3A_203 = %get3A_175, %scan3A_204 = %get3A_179, %scan3A_205 = %get3A_183, %scan3A_206 = %get3A_187) -> (vector<16xi32>, vector<16xi32>, vector<16xi32>, vector<16xi32>, vector<16xi32>, vector<16xi32>, vector<16xi32>, vector<16xi32>, vector<16xi32>, vector<16xi32>, vector<16xi32>, vector<16xi32>)  : i32 {
          %mul3A_207 = arith.constant 16 : i32
          %mul3A_208 = arith.muli %scan3A_194, %mul3A_207 : i32
          %add3A_209 = arith.constant 0 : i32
          %add3A_210 = arith.addi %mul3A_208, %add3A_209 : i32
          %add3A_211 = arith.constant 1 : i32
          %add3A_212 = arith.addi %add3A_210, %add3A_211 : i32
          %get3A_213 = arith.index_cast %add3A_212 : i32 to index
          %get3A_214 = arith.constant 0 : index
          %get3A_215 = tpu.vector_load %arg14[%get3A_213, %get3A_214] {strides = array<i32>} : memref<80x64xi32, #tpu.memory_space<vmem>>, vector<16xi32>,
          %get3A_216 = arith.index_cast %add3A_212 : i32 to index
          %get3A_217 = arith.constant 0 : index
          %get3A_218 = tpu.vector_load %arg15[%get3A_216, %get3A_217] {strides = array<i32>} : memref<80x64xi32, #tpu.memory_space<vmem>>, vector<16xi32>,
          %get3A_219 = arith.index_cast %add3A_212 : i32 to index
          %get3A_220 = arith.constant 0 : index
          %get3A_221 = tpu.vector_load %arg16[%get3A_219, %get3A_220] {strides = array<i32>} : memref<80x64xi32, #tpu.memory_space<vmem>>, vector<16xi32>,
          %get3A_222 = arith.index_cast %add3A_212 : i32 to index
          %get3A_223 = arith.constant 16 : index
          %get3A_224 = tpu.vector_load %arg14[%get3A_222, %get3A_223] {strides = array<i32>} : memref<80x64xi32, #tpu.memory_space<vmem>>, vector<16xi32>,
          %get3A_225 = arith.index_cast %add3A_212 : i32 to index
          %get3A_226 = arith.constant 16 : index
          %get3A_227 = tpu.vector_load %arg15[%get3A_225, %get3A_226] {strides = array<i32>} : memref<80x64xi32, #tpu.memory_space<vmem>>, vector<16xi32>,
          %get3A_228 = arith.index_cast %add3A_212 : i32 to index
          %get3A_229 = arith.constant 16 : index
          %get3A_230 = tpu.vector_load %arg16[%get3A_228, %get3A_229] {strides = array<i32>} : memref<80x64xi32, #tpu.memory_space<vmem>>, vector<16xi32>,
          %get3A_231 = arith.index_cast %add3A_212 : i32 to index
          %get3A_232 = arith.constant 32 : index
          %get3A_233 = tpu.vector_load %arg14[%get3A_231, %get3A_232] {strides = array<i32>} : memref<80x64xi32, #tpu.memory_space<vmem>>, vector<16xi32>,
          %get3A_234 = arith.index_cast %add3A_212 : i32 to index
          %get3A_235 = arith.constant 32 : index
          %get3A_236 = tpu.vector_load %arg15[%get3A_234, %get3A_235] {strides = array<i32>} : memref<80x64xi32, #tpu.memory_space<vmem>>, vector<16xi32>,
          %get3A_237 = arith.index_cast %add3A_212 : i32 to index
          %get3A_238 = arith.constant 32 : index
          %get3A_239 = tpu.vector_load %arg16[%get3A_237, %get3A_238] {strides = array<i32>} : memref<80x64xi32, #tpu.memory_space<vmem>>, vector<16xi32>,
          %get3A_240 = arith.index_cast %add3A_212 : i32 to index
          %get3A_241 = arith.constant 48 : index
          %get3A_242 = tpu.vector_load %arg14[%get3A_240, %get3A_241] {strides = array<i32>} : memref<80x64xi32, #tpu.memory_space<vmem>>, vector<16xi32>,
          %get3A_243 = arith.index_cast %add3A_212 : i32 to index
          %get3A_244 = arith.constant 48 : index
          %get3A_245 = tpu.vector_load %arg15[%get3A_243, %get3A_244] {strides = array<i32>} : memref<80x64xi32, #tpu.memory_space<vmem>>, vector<16xi32>,
          %get3A_246 = arith.index_cast %add3A_212 : i32 to index
          %get3A_247 = arith.constant 48 : index
          %get3A_248 = tpu.vector_load %arg16[%get3A_246, %get3A_247] {strides = array<i32>} : memref<80x64xi32, #tpu.memory_space<vmem>>, vector<16xi32>,
          %bitcast3A = vector.bitcast %scan3A_195 : vector<16xi32> to vector<32xbf16>
          %bitcast3A_249 = vector.bitcast %scan3A_196 : vector<16xi32> to vector<32xbf16>
          %mul3A_250 = arith.mulf %bitcast3A, %bitcast3A_249 : vector<32xbf16>
          %bitcast3A_251 = vector.bitcast %scan3A_197 : vector<16xi32> to vector<32xbf16>
          %mul3A_252 = arith.mulf %mul3A_250, %bitcast3A_251 : vector<32xbf16>
          %bitcast3A_253 = vector.bitcast %scan3A_198 : vector<16xi32> to vector<32xbf16>
          %bitcast3A_254 = vector.bitcast %scan3A_199 : vector<16xi32> to vector<32xbf16>
          %mul3A_255 = arith.mulf %bitcast3A_253, %bitcast3A_254 : vector<32xbf16>
          %bitcast3A_256 = vector.bitcast %scan3A_200 : vector<16xi32> to vector<32xbf16>
          %mul3A_257 = arith.mulf %mul3A_255, %bitcast3A_256 : vector<32xbf16>
          %bitcast3A_258 = vector.bitcast %scan3A_201 : vector<16xi32> to vector<32xbf16>
          %bitcast3A_259 = vector.bitcast %scan3A_202 : vector<16xi32> to vector<32xbf16>
          %mul3A_260 = arith.mulf %bitcast3A_258, %bitcast3A_259 : vector<32xbf16>
          %bitcast3A_261 = vector.bitcast %scan3A_203 : vector<16xi32> to vector<32xbf16>
          %mul3A_262 = arith.mulf %mul3A_260, %bitcast3A_261 : vector<32xbf16>
          %bitcast3A_263 = vector.bitcast %scan3A_204 : vector<16xi32> to vector<32xbf16>
          %bitcast3A_264 = vector.bitcast %scan3A_205 : vector<16xi32> to vector<32xbf16>
          %mul3A_265 = arith.mulf %bitcast3A_263, %bitcast3A_264 : vector<32xbf16>
          %bitcast3A_266 = vector.bitcast %scan3A_206 : vector<16xi32> to vector<32xbf16>
          %mul3A_267 = arith.mulf %mul3A_265, %bitcast3A_266 : vector<32xbf16>
          %add3A_268 = arith.addf %mul3A_252, %mul3A_257 : vector<32xbf16>
          %add3A_269 = arith.addf %mul3A_262, %mul3A_267 : vector<32xbf16>
          %add3A_270 = arith.addf %add3A_268, %add3A_269 : vector<32xbf16>
          %add3A_271 = arith.constant 0 : i32
          %add3A_272 = vector.broadcast %add3A_271 : i32 to vector<16xi32>
          %add3A_273 = arith.addi %mul3A_5, %add3A_272 : vector<16xi32>
          %bitcast3A_274 = vector.bitcast %add3A_270 : vector<32xbf16> to vector<16xi32>
          tpu.vector_store_idx %arg18[%add3A_273], %bitcast3A_274 : memref<272xi32, #tpu.memory_space<vmem>>[vector<16xi32>], vector<16xi32>,
          %mul3A_275 = arith.constant 16 : i32
          %mul3A_276 = arith.muli %scan3A_194, %mul3A_275 : i32
          %add3A_277 = arith.constant 1 : i32
          %add3A_278 = arith.addi %mul3A_276, %add3A_277 : i32
          %add3A_279 = arith.constant 1 : i32
          %add3A_280 = arith.addi %add3A_278, %add3A_279 : i32
          %get3A_281 = arith.index_cast %add3A_280 : i32 to index
          %get3A_282 = arith.constant 0 : index
          %get3A_283 = tpu.vector_load %arg14[%get3A_281, %get3A_282] {strides = array<i32>} : memref<80x64xi32, #tpu.memory_space<vmem>>, vector<16xi32>,
          %get3A_284 = arith.index_cast %add3A_280 : i32 to index
          %get3A_285 = arith.constant 0 : index
          %get3A_286 = tpu.vector_load %arg15[%get3A_284, %get3A_285] {strides = array<i32>} : memref<80x64xi32, #tpu.memory_space<vmem>>, vector<16xi32>,
          %get3A_287 = arith.index_cast %add3A_280 : i32 to index
          %get3A_288 = arith.constant 0 : index
          %get3A_289 = tpu.vector_load %arg16[%get3A_287, %get3A_288] {strides = array<i32>} : memref<80x64xi32, #tpu.memory_space<vmem>>, vector<16xi32>,
          %get3A_290 = arith.index_cast %add3A_280 : i32 to index
          %get3A_291 = arith.constant 16 : index
          %get3A_292 = tpu.vector_load %arg14[%get3A_290, %get3A_291] {strides = array<i32>} : memref<80x64xi32, #tpu.memory_space<vmem>>, vector<16xi32>,
          %get3A_293 = arith.index_cast %add3A_280 : i32 to index
          %get3A_294 = arith.constant 16 : index
          %get3A_295 = tpu.vector_load %arg15[%get3A_293, %get3A_294] {strides = array<i32>} : memref<80x64xi32, #tpu.memory_space<vmem>>, vector<16xi32>,
          %get3A_296 = arith.index_cast %add3A_280 : i32 to index
          %get3A_297 = arith.constant 16 : index
          %get3A_298 = tpu.vector_load %arg16[%get3A_296, %get3A_297] {strides = array<i32>} : memref<80x64xi32, #tpu.memory_space<vmem>>, vector<16xi32>,
          %get3A_299 = arith.index_cast %add3A_280 : i32 to index
          %get3A_300 = arith.constant 32 : index
          %get3A_301 = tpu.vector_load %arg14[%get3A_299, %get3A_300] {strides = array<i32>} : memref<80x64xi32, #tpu.memory_space<vmem>>, vector<16xi32>,
          %get3A_302 = arith.index_cast %add3A_280 : i32 to index
          %get3A_303 = arith.constant 32 : index
          %get3A_304 = tpu.vector_load %arg15[%get3A_302, %get3A_303] {strides = array<i32>} : memref<80x64xi32, #tpu.memory_space<vmem>>, vector<16xi32>,
          %get3A_305 = arith.index_cast %add3A_280 : i32 to index
          %get3A_306 = arith.constant 32 : index
          %get3A_307 = tpu.vector_load %arg16[%get3A_305, %get3A_306] {strides = array<i32>} : memref<80x64xi32, #tpu.memory_space<vmem>>, vector<16xi32>,
          %get3A_308 = arith.index_cast %add3A_280 : i32 to index
          %get3A_309 = arith.constant 48 : index
          %get3A_310 = tpu.vector_load %arg14[%get3A_308, %get3A_309] {strides = array<i32>} : memref<80x64xi32, #tpu.memory_space<vmem>>, vector<16xi32>,
          %get3A_311 = arith.index_cast %add3A_280 : i32 to index
          %get3A_312 = arith.constant 48 : index
          %get3A_313 = tpu.vector_load %arg15[%get3A_311, %get3A_312] {strides = array<i32>} : memref<80x64xi32, #tpu.memory_space<vmem>>, vector<16xi32>,
          %get3A_314 = arith.index_cast %add3A_280 : i32 to index
          %get3A_315 = arith.constant 48 : index
          %get3A_316 = tpu.vector_load %arg16[%get3A_314, %get3A_315] {strides = array<i32>} : memref<80x64xi32, #tpu.memory_space<vmem>>, vector<16xi32>,
          %bitcast3A_317 = vector.bitcast %get3A_215 : vector<16xi32> to vector<32xbf16>
          %bitcast3A_318 = vector.bitcast %get3A_218 : vector<16xi32> to vector<32xbf16>
          %mul3A_319 = arith.mulf %bitcast3A_317, %bitcast3A_318 : vector<32xbf16>
          %bitcast3A_320 = vector.bitcast %get3A_221 : vector<16xi32> to vector<32xbf16>
          %mul3A_321 = arith.mulf %mul3A_319, %bitcast3A_320 : vector<32xbf16>
          %bitcast3A_322 = vector.bitcast %get3A_224 : vector<16xi32> to vector<32xbf16>
          %bitcast3A_323 = vector.bitcast %get3A_227 : vector<16xi32> to vector<32xbf16>
          %mul3A_324 = arith.mulf %bitcast3A_322, %bitcast3A_323 : vector<32xbf16>
          %bitcast3A_325 = vector.bitcast %get3A_230 : vector<16xi32> to vector<32xbf16>
          %mul3A_326 = arith.mulf %mul3A_324, %bitcast3A_325 : vector<32xbf16>
          %bitcast3A_327 = vector.bitcast %get3A_233 : vector<16xi32> to vector<32xbf16>
          %bitcast3A_328 = vector.bitcast %get3A_236 : vector<16xi32> to vector<32xbf16>
          %mul3A_329 = arith.mulf %bitcast3A_327, %bitcast3A_328 : vector<32xbf16>
          %bitcast3A_330 = vector.bitcast %get3A_239 : vector<16xi32> to vector<32xbf16>
          %mul3A_331 = arith.mulf %mul3A_329, %bitcast3A_330 : vector<32xbf16>
          %bitcast3A_332 = vector.bitcast %get3A_242 : vector<16xi32> to vector<32xbf16>
          %bitcast3A_333 = vector.bitcast %get3A_245 : vector<16xi32> to vector<32xbf16>
          %mul3A_334 = arith.mulf %bitcast3A_332, %bitcast3A_333 : vector<32xbf16>
          %bitcast3A_335 = vector.bitcast %get3A_248 : vector<16xi32> to vector<32xbf16>
          %mul3A_336 = arith.mulf %mul3A_334, %bitcast3A_335 : vector<32xbf16>
          %add3A_337 = arith.addf %mul3A_321, %mul3A_326 : vector<32xbf16>
          %add3A_338 = arith.addf %mul3A_331, %mul3A_336 : vector<32xbf16>
          %add3A_339 = arith.addf %add3A_337, %add3A_338 : vector<32xbf16>
          %add3A_340 = arith.constant 1 : i32
          %add3A_341 = vector.broadcast %add3A_340 : i32 to vector<16xi32>
          %add3A_342 = arith.addi %mul3A_5, %add3A_341 : vector<16xi32>
          %bitcast3A_343 = vector.bitcast %add3A_339 : vector<32xbf16> to vector<16xi32>
          tpu.vector_store_idx %arg18[%add3A_342], %bitcast3A_343 : memref<272xi32, #tpu.memory_space<vmem>>[vector<16xi32>], vector<16xi32>,
          %mul3A_344 = arith.constant 16 : i32
          %mul3A_345 = arith.muli %scan3A_194, %mul3A_344 : i32
          %add3A_346 = arith.constant 2 : i32
          %add3A_347 = arith.addi %mul3A_345, %add3A_346 : i32
          %add3A_348 = arith.constant 1 : i32
          %add3A_349 = arith.addi %add3A_347, %add3A_348 : i32
          %get3A_350 = arith.index_cast %add3A_349 : i32 to index
          %get3A_351 = arith.constant 0 : index
          %get3A_352 = tpu.vector_load %arg14[%get3A_350, %get3A_351] {strides = array<i32>} : memref<80x64xi32, #tpu.memory_space<vmem>>, vector<16xi32>,
          %get3A_353 = arith.index_cast %add3A_349 : i32 to index
          %get3A_354 = arith.constant 0 : index
          %get3A_355 = tpu.vector_load %arg15[%get3A_353, %get3A_354] {strides = array<i32>} : memref<80x64xi32, #tpu.memory_space<vmem>>, vector<16xi32>,
          %get3A_356 = arith.index_cast %add3A_349 : i32 to index
          %get3A_357 = arith.constant 0 : index
          %get3A_358 = tpu.vector_load %arg16[%get3A_356, %get3A_357] {strides = array<i32>} : memref<80x64xi32, #tpu.memory_space<vmem>>, vector<16xi32>,
          %get3A_359 = arith.index_cast %add3A_349 : i32 to index
          %get3A_360 = arith.constant 16 : index
          %get3A_361 = tpu.vector_load %arg14[%get3A_359, %get3A_360] {strides = array<i32>} : memref<80x64xi32, #tpu.memory_space<vmem>>, vector<16xi32>,
          %get3A_362 = arith.index_cast %add3A_349 : i32 to index
          %get3A_363 = arith.constant 16 : index
          %get3A_364 = tpu.vector_load %arg15[%get3A_362, %get3A_363] {strides = array<i32>} : memref<80x64xi32, #tpu.memory_space<vmem>>, vector<16xi32>,
          %get3A_365 = arith.index_cast %add3A_349 : i32 to index
          %get3A_366 = arith.constant 16 : index
          %get3A_367 = tpu.vector_load %arg16[%get3A_365, %get3A_366] {strides = array<i32>} : memref<80x64xi32, #tpu.memory_space<vmem>>, vector<16xi32>,
          %get3A_368 = arith.index_cast %add3A_349 : i32 to index
          %get3A_369 = arith.constant 32 : index
          %get3A_370 = tpu.vector_load %arg14[%get3A_368, %get3A_369] {strides = array<i32>} : memref<80x64xi32, #tpu.memory_space<vmem>>, vector<16xi32>,
          %get3A_371 = arith.index_cast %add3A_349 : i32 to index
          %get3A_372 = arith.constant 32 : index
          %get3A_373 = tpu.vector_load %arg15[%get3A_371, %get3A_372] {strides = array<i32>} : memref<80x64xi32, #tpu.memory_space<vmem>>, vector<16xi32>,
          %get3A_374 = arith.index_cast %add3A_349 : i32 to index
          %get3A_375 = arith.constant 32 : index
          %get3A_376 = tpu.vector_load %arg16[%get3A_374, %get3A_375] {strides = array<i32>} : memref<80x64xi32, #tpu.memory_space<vmem>>, vector<16xi32>,
          %get3A_377 = arith.index_cast %add3A_349 : i32 to index
          %get3A_378 = arith.constant 48 : index
          %get3A_379 = tpu.vector_load %arg14[%get3A_377, %get3A_378] {strides = array<i32>} : memref<80x64xi32, #tpu.memory_space<vmem>>, vector<16xi32>,
          %get3A_380 = arith.index_cast %add3A_349 : i32 to index
          %get3A_381 = arith.constant 48 : index
          %get3A_382 = tpu.vector_load %arg15[%get3A_380, %get3A_381] {strides = array<i32>} : memref<80x64xi32, #tpu.memory_space<vmem>>, vector<16xi32>,
          %get3A_383 = arith.index_cast %add3A_349 : i32 to index
          %get3A_384 = arith.constant 48 : index
          %get3A_385 = tpu.vector_load %arg16[%get3A_383, %get3A_384] {strides = array<i32>} : memref<80x64xi32, #tpu.memory_space<vmem>>, vector<16xi32>,
          %bitcast3A_386 = vector.bitcast %get3A_283 : vector<16xi32> to vector<32xbf16>
          %bitcast3A_387 = vector.bitcast %get3A_286 : vector<16xi32> to vector<32xbf16>
          %mul3A_388 = arith.mulf %bitcast3A_386, %bitcast3A_387 : vector<32xbf16>
          %bitcast3A_389 = vector.bitcast %get3A_289 : vector<16xi32> to vector<32xbf16>
          %mul3A_390 = arith.mulf %mul3A_388, %bitcast3A_389 : vector<32xbf16>
          %bitcast3A_391 = vector.bitcast %get3A_292 : vector<16xi32> to vector<32xbf16>
          %bitcast3A_392 = vector.bitcast %get3A_295 : vector<16xi32> to vector<32xbf16>
          %mul3A_393 = arith.mulf %bitcast3A_391, %bitcast3A_392 : vector<32xbf16>
          %bitcast3A_394 = vector.bitcast %get3A_298 : vector<16xi32> to vector<32xbf16>
          %mul3A_395 = arith.mulf %mul3A_393, %bitcast3A_394 : vector<32xbf16>
          %bitcast3A_396 = vector.bitcast %get3A_301 : vector<16xi32> to vector<32xbf16>
          %bitcast3A_397 = vector.bitcast %get3A_304 : vector<16xi32> to vector<32xbf16>
          %mul3A_398 = arith.mulf %bitcast3A_396, %bitcast3A_397 : vector<32xbf16>
          %bitcast3A_399 = vector.bitcast %get3A_307 : vector<16xi32> to vector<32xbf16>
          %mul3A_400 = arith.mulf %mul3A_398, %bitcast3A_399 : vector<32xbf16>
          %bitcast3A_401 = vector.bitcast %get3A_310 : vector<16xi32> to vector<32xbf16>
          %bitcast3A_402 = vector.bitcast %get3A_313 : vector<16xi32> to vector<32xbf16>
          %mul3A_403 = arith.mulf %bitcast3A_401, %bitcast3A_402 : vector<32xbf16>
          %bitcast3A_404 = vector.bitcast %get3A_316 : vector<16xi32> to vector<32xbf16>
          %mul3A_405 = arith.mulf %mul3A_403, %bitcast3A_404 : vector<32xbf16>
          %add3A_406 = arith.addf %mul3A_390, %mul3A_395 : vector<32xbf16>
          %add3A_407 = arith.addf %mul3A_400, %mul3A_405 : vector<32xbf16>
          %add3A_408 = arith.addf %add3A_406, %add3A_407 : vector<32xbf16>
          %add3A_409 = arith.constant 2 : i32
          %add3A_410 = vector.broadcast %add3A_409 : i32 to vector<16xi32>
          %add3A_411 = arith.addi %mul3A_5, %add3A_410 : vector<16xi32>
          %bitcast3A_412 = vector.bitcast %add3A_408 : vector<32xbf16> to vector<16xi32>
          tpu.vector_store_idx %arg18[%add3A_411], %bitcast3A_412 : memref<272xi32, #tpu.memory_space<vmem>>[vector<16xi32>], vector<16xi32>,
          %mul3A_413 = arith.constant 16 : i32
          %mul3A_414 = arith.muli %scan3A_194, %mul3A_413 : i32
          %add3A_415 = arith.constant 3 : i32
          %add3A_416 = arith.addi %mul3A_414, %add3A_415 : i32
          %add3A_417 = arith.constant 1 : i32
          %add3A_418 = arith.addi %add3A_416, %add3A_417 : i32
          %get3A_419 = arith.index_cast %add3A_418 : i32 to index
          %get3A_420 = arith.constant 0 : index
          %get3A_421 = tpu.vector_load %arg14[%get3A_419, %get3A_420] {strides = array<i32>} : memref<80x64xi32, #tpu.memory_space<vmem>>, vector<16xi32>,
          %get3A_422 = arith.index_cast %add3A_418 : i32 to index
          %get3A_423 = arith.constant 0 : index
          %get3A_424 = tpu.vector_load %arg15[%get3A_422, %get3A_423] {strides = array<i32>} : memref<80x64xi32, #tpu.memory_space<vmem>>, vector<16xi32>,
          %get3A_425 = arith.index_cast %add3A_418 : i32 to index
          %get3A_426 = arith.constant 0 : index
          %get3A_427 = tpu.vector_load %arg16[%get3A_425, %get3A_426] {strides = array<i32>} : memref<80x64xi32, #tpu.memory_space<vmem>>, vector<16xi32>,
          %get3A_428 = arith.index_cast %add3A_418 : i32 to index
          %get3A_429 = arith.constant 16 : index
          %get3A_430 = tpu.vector_load %arg14[%get3A_428, %get3A_429] {strides = array<i32>} : memref<80x64xi32, #tpu.memory_space<vmem>>, vector<16xi32>,
          %get3A_431 = arith.index_cast %add3A_418 : i32 to index
          %get3A_432 = arith.constant 16 : index
          %get3A_433 = tpu.vector_load %arg15[%get3A_431, %get3A_432] {strides = array<i32>} : memref<80x64xi32, #tpu.memory_space<vmem>>, vector<16xi32>,
          %get3A_434 = arith.index_cast %add3A_418 : i32 to index
          %get3A_435 = arith.constant 16 : index
          %get3A_436 = tpu.vector_load %arg16[%get3A_434, %get3A_435] {strides = array<i32>} : memref<80x64xi32, #tpu.memory_space<vmem>>, vector<16xi32>,
          %get3A_437 = arith.index_cast %add3A_418 : i32 to index
          %get3A_438 = arith.constant 32 : index
          %get3A_439 = tpu.vector_load %arg14[%get3A_437, %get3A_438] {strides = array<i32>} : memref<80x64xi32, #tpu.memory_space<vmem>>, vector<16xi32>,
          %get3A_440 = arith.index_cast %add3A_418 : i32 to index
          %get3A_441 = arith.constant 32 : index
          %get3A_442 = tpu.vector_load %arg15[%get3A_440, %get3A_441] {strides = array<i32>} : memref<80x64xi32, #tpu.memory_space<vmem>>, vector<16xi32>,
          %get3A_443 = arith.index_cast %add3A_418 : i32 to index
          %get3A_444 = arith.constant 32 : index
          %get3A_445 = tpu.vector_load %arg16[%get3A_443, %get3A_444] {strides = array<i32>} : memref<80x64xi32, #tpu.memory_space<vmem>>, vector<16xi32>,
          %get3A_446 = arith.index_cast %add3A_418 : i32 to index
          %get3A_447 = arith.constant 48 : index
          %get3A_448 = tpu.vector_load %arg14[%get3A_446, %get3A_447] {strides = array<i32>} : memref<80x64xi32, #tpu.memory_space<vmem>>, vector<16xi32>,
          %get3A_449 = arith.index_cast %add3A_418 : i32 to index
          %get3A_450 = arith.constant 48 : index
          %get3A_451 = tpu.vector_load %arg15[%get3A_449, %get3A_450] {strides = array<i32>} : memref<80x64xi32, #tpu.memory_space<vmem>>, vector<16xi32>,
          %get3A_452 = arith.index_cast %add3A_418 : i32 to index
          %get3A_453 = arith.constant 48 : index
          %get3A_454 = tpu.vector_load %arg16[%get3A_452, %get3A_453] {strides = array<i32>} : memref<80x64xi32, #tpu.memory_space<vmem>>, vector<16xi32>,
          %bitcast3A_455 = vector.bitcast %get3A_352 : vector<16xi32> to vector<32xbf16>
          %bitcast3A_456 = vector.bitcast %get3A_355 : vector<16xi32> to vector<32xbf16>
          %mul3A_457 = arith.mulf %bitcast3A_455, %bitcast3A_456 : vector<32xbf16>
          %bitcast3A_458 = vector.bitcast %get3A_358 : vector<16xi32> to vector<32xbf16>
          %mul3A_459 = arith.mulf %mul3A_457, %bitcast3A_458 : vector<32xbf16>
          %bitcast3A_460 = vector.bitcast %get3A_361 : vector<16xi32> to vector<32xbf16>
          %bitcast3A_461 = vector.bitcast %get3A_364 : vector<16xi32> to vector<32xbf16>
          %mul3A_462 = arith.mulf %bitcast3A_460, %bitcast3A_461 : vector<32xbf16>
          %bitcast3A_463 = vector.bitcast %get3A_367 : vector<16xi32> to vector<32xbf16>
          %mul3A_464 = arith.mulf %mul3A_462, %bitcast3A_463 : vector<32xbf16>
          %bitcast3A_465 = vector.bitcast %get3A_370 : vector<16xi32> to vector<32xbf16>
          %bitcast3A_466 = vector.bitcast %get3A_373 : vector<16xi32> to vector<32xbf16>
          %mul3A_467 = arith.mulf %bitcast3A_465, %bitcast3A_466 : vector<32xbf16>
          %bitcast3A_468 = vector.bitcast %get3A_376 : vector<16xi32> to vector<32xbf16>
          %mul3A_469 = arith.mulf %mul3A_467, %bitcast3A_468 : vector<32xbf16>
          %bitcast3A_470 = vector.bitcast %get3A_379 : vector<16xi32> to vector<32xbf16>
          %bitcast3A_471 = vector.bitcast %get3A_382 : vector<16xi32> to vector<32xbf16>
          %mul3A_472 = arith.mulf %bitcast3A_470, %bitcast3A_471 : vector<32xbf16>
          %bitcast3A_473 = vector.bitcast %get3A_385 : vector<16xi32> to vector<32xbf16>
          %mul3A_474 = arith.mulf %mul3A_472, %bitcast3A_473 : vector<32xbf16>
          %add3A_475 = arith.addf %mul3A_459, %mul3A_464 : vector<32xbf16>
          %add3A_476 = arith.addf %mul3A_469, %mul3A_474 : vector<32xbf16>
          %add3A_477 = arith.addf %add3A_475, %add3A_476 : vector<32xbf16>
          %add3A_478 = arith.constant 3 : i32
          %add3A_479 = vector.broadcast %add3A_478 : i32 to vector<16xi32>
          %add3A_480 = arith.addi %mul3A_5, %add3A_479 : vector<16xi32>
          %bitcast3A_481 = vector.bitcast %add3A_477 : vector<32xbf16> to vector<16xi32>
          tpu.vector_store_idx %arg18[%add3A_480], %bitcast3A_481 : memref<272xi32, #tpu.memory_space<vmem>>[vector<16xi32>], vector<16xi32>,
          %mul3A_482 = arith.constant 16 : i32
          %mul3A_483 = arith.muli %scan3A_194, %mul3A_482 : i32
          %add3A_484 = arith.constant 4 : i32
          %add3A_485 = arith.addi %mul3A_483, %add3A_484 : i32
          %add3A_486 = arith.constant 1 : i32
          %add3A_487 = arith.addi %add3A_485, %add3A_486 : i32
          %get3A_488 = arith.index_cast %add3A_487 : i32 to index
          %get3A_489 = arith.constant 0 : index
          %get3A_490 = tpu.vector_load %arg14[%get3A_488, %get3A_489] {strides = array<i32>} : memref<80x64xi32, #tpu.memory_space<vmem>>, vector<16xi32>,
          %get3A_491 = arith.index_cast %add3A_487 : i32 to index
          %get3A_492 = arith.constant 0 : index
          %get3A_493 = tpu.vector_load %arg15[%get3A_491, %get3A_492] {strides = array<i32>} : memref<80x64xi32, #tpu.memory_space<vmem>>, vector<16xi32>,
          %get3A_494 = arith.index_cast %add3A_487 : i32 to index
          %get3A_495 = arith.constant 0 : index
          %get3A_496 = tpu.vector_load %arg16[%get3A_494, %get3A_495] {strides = array<i32>} : memref<80x64xi32, #tpu.memory_space<vmem>>, vector<16xi32>,
          %get3A_497 = arith.index_cast %add3A_487 : i32 to index
          %get3A_498 = arith.constant 16 : index
          %get3A_499 = tpu.vector_load %arg14[%get3A_497, %get3A_498] {strides = array<i32>} : memref<80x64xi32, #tpu.memory_space<vmem>>, vector<16xi32>,
          %get3A_500 = arith.index_cast %add3A_487 : i32 to index
          %get3A_501 = arith.constant 16 : index
          %get3A_502 = tpu.vector_load %arg15[%get3A_500, %get3A_501] {strides = array<i32>} : memref<80x64xi32, #tpu.memory_space<vmem>>, vector<16xi32>,
          %get3A_503 = arith.index_cast %add3A_487 : i32 to index
          %get3A_504 = arith.constant 16 : index
          %get3A_505 = tpu.vector_load %arg16[%get3A_503, %get3A_504] {strides = array<i32>} : memref<80x64xi32, #tpu.memory_space<vmem>>, vector<16xi32>,
          %get3A_506 = arith.index_cast %add3A_487 : i32 to index
          %get3A_507 = arith.constant 32 : index
          %get3A_508 = tpu.vector_load %arg14[%get3A_506, %get3A_507] {strides = array<i32>} : memref<80x64xi32, #tpu.memory_space<vmem>>, vector<16xi32>,
          %get3A_509 = arith.index_cast %add3A_487 : i32 to index
          %get3A_510 = arith.constant 32 : index
          %get3A_511 = tpu.vector_load %arg15[%get3A_509, %get3A_510] {strides = array<i32>} : memref<80x64xi32, #tpu.memory_space<vmem>>, vector<16xi32>,
          %get3A_512 = arith.index_cast %add3A_487 : i32 to index
          %get3A_513 = arith.constant 32 : index
          %get3A_514 = tpu.vector_load %arg16[%get3A_512, %get3A_513] {strides = array<i32>} : memref<80x64xi32, #tpu.memory_space<vmem>>, vector<16xi32>,
          %get3A_515 = arith.index_cast %add3A_487 : i32 to index
          %get3A_516 = arith.constant 48 : index
          %get3A_517 = tpu.vector_load %arg14[%get3A_515, %get3A_516] {strides = array<i32>} : memref<80x64xi32, #tpu.memory_space<vmem>>, vector<16xi32>,
          %get3A_518 = arith.index_cast %add3A_487 : i32 to index
          %get3A_519 = arith.constant 48 : index
          %get3A_520 = tpu.vector_load %arg15[%get3A_518, %get3A_519] {strides = array<i32>} : memref<80x64xi32, #tpu.memory_space<vmem>>, vector<16xi32>,
          %get3A_521 = arith.index_cast %add3A_487 : i32 to index
          %get3A_522 = arith.constant 48 : index
          %get3A_523 = tpu.vector_load %arg16[%get3A_521, %get3A_522] {strides = array<i32>} : memref<80x64xi32, #tpu.memory_space<vmem>>, vector<16xi32>,
          %bitcast3A_524 = vector.bitcast %get3A_421 : vector<16xi32> to vector<32xbf16>
          %bitcast3A_525 = vector.bitcast %get3A_424 : vector<16xi32> to vector<32xbf16>
          %mul3A_526 = arith.mulf %bitcast3A_524, %bitcast3A_525 : vector<32xbf16>
          %bitcast3A_527 = vector.bitcast %get3A_427 : vector<16xi32> to vector<32xbf16>
          %mul3A_528 = arith.mulf %mul3A_526, %bitcast3A_527 : vector<32xbf16>
          %bitcast3A_529 = vector.bitcast %get3A_430 : vector<16xi32> to vector<32xbf16>
          %bitcast3A_530 = vector.bitcast %get3A_433 : vector<16xi32> to vector<32xbf16>
          %mul3A_531 = arith.mulf %bitcast3A_529, %bitcast3A_530 : vector<32xbf16>
          %bitcast3A_532 = vector.bitcast %get3A_436 : vector<16xi32> to vector<32xbf16>
          %mul3A_533 = arith.mulf %mul3A_531, %bitcast3A_532 : vector<32xbf16>
          %bitcast3A_534 = vector.bitcast %get3A_439 : vector<16xi32> to vector<32xbf16>
          %bitcast3A_535 = vector.bitcast %get3A_442 : vector<16xi32> to vector<32xbf16>
          %mul3A_536 = arith.mulf %bitcast3A_534, %bitcast3A_535 : vector<32xbf16>
          %bitcast3A_537 = vector.bitcast %get3A_445 : vector<16xi32> to vector<32xbf16>
          %mul3A_538 = arith.mulf %mul3A_536, %bitcast3A_537 : vector<32xbf16>
          %bitcast3A_539 = vector.bitcast %get3A_448 : vector<16xi32> to vector<32xbf16>
          %bitcast3A_540 = vector.bitcast %get3A_451 : vector<16xi32> to vector<32xbf16>
          %mul3A_541 = arith.mulf %bitcast3A_539, %bitcast3A_540 : vector<32xbf16>
          %bitcast3A_542 = vector.bitcast %get3A_454 : vector<16xi32> to vector<32xbf16>
          %mul3A_543 = arith.mulf %mul3A_541, %bitcast3A_542 : vector<32xbf16>
          %add3A_544 = arith.addf %mul3A_528, %mul3A_533 : vector<32xbf16>
          %add3A_545 = arith.addf %mul3A_538, %mul3A_543 : vector<32xbf16>
          %add3A_546 = arith.addf %add3A_544, %add3A_545 : vector<32xbf16>
          %add3A_547 = arith.constant 4 : i32
          %add3A_548 = vector.broadcast %add3A_547 : i32 to vector<16xi32>
          %add3A_549 = arith.addi %mul3A_5, %add3A_548 : vector<16xi32>
          %bitcast3A_550 = vector.bitcast %add3A_546 : vector<32xbf16> to vector<16xi32>
          tpu.vector_store_idx %arg18[%add3A_549], %bitcast3A_550 : memref<272xi32, #tpu.memory_space<vmem>>[vector<16xi32>], vector<16xi32>,
          %mul3A_551 = arith.constant 16 : i32
          %mul3A_552 = arith.muli %scan3A_194, %mul3A_551 : i32
          %add3A_553 = arith.constant 5 : i32
          %add3A_554 = arith.addi %mul3A_552, %add3A_553 : i32
          %add3A_555 = arith.constant 1 : i32
          %add3A_556 = arith.addi %add3A_554, %add3A_555 : i32
          %get3A_557 = arith.index_cast %add3A_556 : i32 to index
          %get3A_558 = arith.constant 0 : index
          %get3A_559 = tpu.vector_load %arg14[%get3A_557, %get3A_558] {strides = array<i32>} : memref<80x64xi32, #tpu.memory_space<vmem>>, vector<16xi32>,
          %get3A_560 = arith.index_cast %add3A_556 : i32 to index
          %get3A_561 = arith.constant 0 : index
          %get3A_562 = tpu.vector_load %arg15[%get3A_560, %get3A_561] {strides = array<i32>} : memref<80x64xi32, #tpu.memory_space<vmem>>, vector<16xi32>,
          %get3A_563 = arith.index_cast %add3A_556 : i32 to index
          %get3A_564 = arith.constant 0 : index
          %get3A_565 = tpu.vector_load %arg16[%get3A_563, %get3A_564] {strides = array<i32>} : memref<80x64xi32, #tpu.memory_space<vmem>>, vector<16xi32>,
          %get3A_566 = arith.index_cast %add3A_556 : i32 to index
          %get3A_567 = arith.constant 16 : index
          %get3A_568 = tpu.vector_load %arg14[%get3A_566, %get3A_567] {strides = array<i32>} : memref<80x64xi32, #tpu.memory_space<vmem>>, vector<16xi32>,
          %get3A_569 = arith.index_cast %add3A_556 : i32 to index
          %get3A_570 = arith.constant 16 : index
          %get3A_571 = tpu.vector_load %arg15[%get3A_569, %get3A_570] {strides = array<i32>} : memref<80x64xi32, #tpu.memory_space<vmem>>, vector<16xi32>,
          %get3A_572 = arith.index_cast %add3A_556 : i32 to index
          %get3A_573 = arith.constant 16 : index
          %get3A_574 = tpu.vector_load %arg16[%get3A_572, %get3A_573] {strides = array<i32>} : memref<80x64xi32, #tpu.memory_space<vmem>>, vector<16xi32>,
          %get3A_575 = arith.index_cast %add3A_556 : i32 to index
          %get3A_576 = arith.constant 32 : index
          %get3A_577 = tpu.vector_load %arg14[%get3A_575, %get3A_576] {strides = array<i32>} : memref<80x64xi32, #tpu.memory_space<vmem>>, vector<16xi32>,
          %get3A_578 = arith.index_cast %add3A_556 : i32 to index
          %get3A_579 = arith.constant 32 : index
          %get3A_580 = tpu.vector_load %arg15[%get3A_578, %get3A_579] {strides = array<i32>} : memref<80x64xi32, #tpu.memory_space<vmem>>, vector<16xi32>,
          %get3A_581 = arith.index_cast %add3A_556 : i32 to index
          %get3A_582 = arith.constant 32 : index
          %get3A_583 = tpu.vector_load %arg16[%get3A_581, %get3A_582] {strides = array<i32>} : memref<80x64xi32, #tpu.memory_space<vmem>>, vector<16xi32>,
          %get3A_584 = arith.index_cast %add3A_556 : i32 to index
          %get3A_585 = arith.constant 48 : index
          %get3A_586 = tpu.vector_load %arg14[%get3A_584, %get3A_585] {strides = array<i32>} : memref<80x64xi32, #tpu.memory_space<vmem>>, vector<16xi32>,
          %get3A_587 = arith.index_cast %add3A_556 : i32 to index
          %get3A_588 = arith.constant 48 : index
          %get3A_589 = tpu.vector_load %arg15[%get3A_587, %get3A_588] {strides = array<i32>} : memref<80x64xi32, #tpu.memory_space<vmem>>, vector<16xi32>,
          %get3A_590 = arith.index_cast %add3A_556 : i32 to index
          %get3A_591 = arith.constant 48 : index
          %get3A_592 = tpu.vector_load %arg16[%get3A_590, %get3A_591] {strides = array<i32>} : memref<80x64xi32, #tpu.memory_space<vmem>>, vector<16xi32>,
          %bitcast3A_593 = vector.bitcast %get3A_490 : vector<16xi32> to vector<32xbf16>
          %bitcast3A_594 = vector.bitcast %get3A_493 : vector<16xi32> to vector<32xbf16>
          %mul3A_595 = arith.mulf %bitcast3A_593, %bitcast3A_594 : vector<32xbf16>
          %bitcast3A_596 = vector.bitcast %get3A_496 : vector<16xi32> to vector<32xbf16>
          %mul3A_597 = arith.mulf %mul3A_595, %bitcast3A_596 : vector<32xbf16>
          %bitcast3A_598 = vector.bitcast %get3A_499 : vector<16xi32> to vector<32xbf16>
          %bitcast3A_599 = vector.bitcast %get3A_502 : vector<16xi32> to vector<32xbf16>
          %mul3A_600 = arith.mulf %bitcast3A_598, %bitcast3A_599 : vector<32xbf16>
          %bitcast3A_601 = vector.bitcast %get3A_505 : vector<16xi32> to vector<32xbf16>
          %mul3A_602 = arith.mulf %mul3A_600, %bitcast3A_601 : vector<32xbf16>
          %bitcast3A_603 = vector.bitcast %get3A_508 : vector<16xi32> to vector<32xbf16>
          %bitcast3A_604 = vector.bitcast %get3A_511 : vector<16xi32> to vector<32xbf16>
          %mul3A_605 = arith.mulf %bitcast3A_603, %bitcast3A_604 : vector<32xbf16>
          %bitcast3A_606 = vector.bitcast %get3A_514 : vector<16xi32> to vector<32xbf16>
          %mul3A_607 = arith.mulf %mul3A_605, %bitcast3A_606 : vector<32xbf16>
          %bitcast3A_608 = vector.bitcast %get3A_517 : vector<16xi32> to vector<32xbf16>
          %bitcast3A_609 = vector.bitcast %get3A_520 : vector<16xi32> to vector<32xbf16>
          %mul3A_610 = arith.mulf %bitcast3A_608, %bitcast3A_609 : vector<32xbf16>
          %bitcast3A_611 = vector.bitcast %get3A_523 : vector<16xi32> to vector<32xbf16>
          %mul3A_612 = arith.mulf %mul3A_610, %bitcast3A_611 : vector<32xbf16>
          %add3A_613 = arith.addf %mul3A_597, %mul3A_602 : vector<32xbf16>
          %add3A_614 = arith.addf %mul3A_607, %mul3A_612 : vector<32xbf16>
          %add3A_615 = arith.addf %add3A_613, %add3A_614 : vector<32xbf16>
          %add3A_616 = arith.constant 5 : i32
          %add3A_617 = vector.broadcast %add3A_616 : i32 to vector<16xi32>
          %add3A_618 = arith.addi %mul3A_5, %add3A_617 : vector<16xi32>
          %bitcast3A_619 = vector.bitcast %add3A_615 : vector<32xbf16> to vector<16xi32>
          tpu.vector_store_idx %arg18[%add3A_618], %bitcast3A_619 : memref<272xi32, #tpu.memory_space<vmem>>[vector<16xi32>], vector<16xi32>,
          %mul3A_620 = arith.constant 16 : i32
          %mul3A_621 = arith.muli %scan3A_194, %mul3A_620 : i32
          %add3A_622 = arith.constant 6 : i32
          %add3A_623 = arith.addi %mul3A_621, %add3A_622 : i32
          %add3A_624 = arith.constant 1 : i32
          %add3A_625 = arith.addi %add3A_623, %add3A_624 : i32
          %get3A_626 = arith.index_cast %add3A_625 : i32 to index
          %get3A_627 = arith.constant 0 : index
          %get3A_628 = tpu.vector_load %arg14[%get3A_626, %get3A_627] {strides = array<i32>} : memref<80x64xi32, #tpu.memory_space<vmem>>, vector<16xi32>,
          %get3A_629 = arith.index_cast %add3A_625 : i32 to index
          %get3A_630 = arith.constant 0 : index
          %get3A_631 = tpu.vector_load %arg15[%get3A_629, %get3A_630] {strides = array<i32>} : memref<80x64xi32, #tpu.memory_space<vmem>>, vector<16xi32>,
          %get3A_632 = arith.index_cast %add3A_625 : i32 to index
          %get3A_633 = arith.constant 0 : index
          %get3A_634 = tpu.vector_load %arg16[%get3A_632, %get3A_633] {strides = array<i32>} : memref<80x64xi32, #tpu.memory_space<vmem>>, vector<16xi32>,
          %get3A_635 = arith.index_cast %add3A_625 : i32 to index
          %get3A_636 = arith.constant 16 : index
          %get3A_637 = tpu.vector_load %arg14[%get3A_635, %get3A_636] {strides = array<i32>} : memref<80x64xi32, #tpu.memory_space<vmem>>, vector<16xi32>,
          %get3A_638 = arith.index_cast %add3A_625 : i32 to index
          %get3A_639 = arith.constant 16 : index
          %get3A_640 = tpu.vector_load %arg15[%get3A_638, %get3A_639] {strides = array<i32>} : memref<80x64xi32, #tpu.memory_space<vmem>>, vector<16xi32>,
          %get3A_641 = arith.index_cast %add3A_625 : i32 to index
          %get3A_642 = arith.constant 16 : index
          %get3A_643 = tpu.vector_load %arg16[%get3A_641, %get3A_642] {strides = array<i32>} : memref<80x64xi32, #tpu.memory_space<vmem>>, vector<16xi32>,
          %get3A_644 = arith.index_cast %add3A_625 : i32 to index
          %get3A_645 = arith.constant 32 : index
          %get3A_646 = tpu.vector_load %arg14[%get3A_644, %get3A_645] {strides = array<i32>} : memref<80x64xi32, #tpu.memory_space<vmem>>, vector<16xi32>,
          %get3A_647 = arith.index_cast %add3A_625 : i32 to index
          %get3A_648 = arith.constant 32 : index
          %get3A_649 = tpu.vector_load %arg15[%get3A_647, %get3A_648] {strides = array<i32>} : memref<80x64xi32, #tpu.memory_space<vmem>>, vector<16xi32>,
          %get3A_650 = arith.index_cast %add3A_625 : i32 to index
          %get3A_651 = arith.constant 32 : index
          %get3A_652 = tpu.vector_load %arg16[%get3A_650, %get3A_651] {strides = array<i32>} : memref<80x64xi32, #tpu.memory_space<vmem>>, vector<16xi32>,
          %get3A_653 = arith.index_cast %add3A_625 : i32 to index
          %get3A_654 = arith.constant 48 : index
          %get3A_655 = tpu.vector_load %arg14[%get3A_653, %get3A_654] {strides = array<i32>} : memref<80x64xi32, #tpu.memory_space<vmem>>, vector<16xi32>,
          %get3A_656 = arith.index_cast %add3A_625 : i32 to index
          %get3A_657 = arith.constant 48 : index
          %get3A_658 = tpu.vector_load %arg15[%get3A_656, %get3A_657] {strides = array<i32>} : memref<80x64xi32, #tpu.memory_space<vmem>>, vector<16xi32>,
          %get3A_659 = arith.index_cast %add3A_625 : i32 to index
          %get3A_660 = arith.constant 48 : index
          %get3A_661 = tpu.vector_load %arg16[%get3A_659, %get3A_660] {strides = array<i32>} : memref<80x64xi32, #tpu.memory_space<vmem>>, vector<16xi32>,
          %bitcast3A_662 = vector.bitcast %get3A_559 : vector<16xi32> to vector<32xbf16>
          %bitcast3A_663 = vector.bitcast %get3A_562 : vector<16xi32> to vector<32xbf16>
          %mul3A_664 = arith.mulf %bitcast3A_662, %bitcast3A_663 : vector<32xbf16>
          %bitcast3A_665 = vector.bitcast %get3A_565 : vector<16xi32> to vector<32xbf16>
          %mul3A_666 = arith.mulf %mul3A_664, %bitcast3A_665 : vector<32xbf16>
          %bitcast3A_667 = vector.bitcast %get3A_568 : vector<16xi32> to vector<32xbf16>
          %bitcast3A_668 = vector.bitcast %get3A_571 : vector<16xi32> to vector<32xbf16>
          %mul3A_669 = arith.mulf %bitcast3A_667, %bitcast3A_668 : vector<32xbf16>
          %bitcast3A_670 = vector.bitcast %get3A_574 : vector<16xi32> to vector<32xbf16>
          %mul3A_671 = arith.mulf %mul3A_669, %bitcast3A_670 : vector<32xbf16>
          %bitcast3A_672 = vector.bitcast %get3A_577 : vector<16xi32> to vector<32xbf16>
          %bitcast3A_673 = vector.bitcast %get3A_580 : vector<16xi32> to vector<32xbf16>
          %mul3A_674 = arith.mulf %bitcast3A_672, %bitcast3A_673 : vector<32xbf16>
          %bitcast3A_675 = vector.bitcast %get3A_583 : vector<16xi32> to vector<32xbf16>
          %mul3A_676 = arith.mulf %mul3A_674, %bitcast3A_675 : vector<32xbf16>
          %bitcast3A_677 = vector.bitcast %get3A_586 : vector<16xi32> to vector<32xbf16>
          %bitcast3A_678 = vector.bitcast %get3A_589 : vector<16xi32> to vector<32xbf16>
          %mul3A_679 = arith.mulf %bitcast3A_677, %bitcast3A_678 : vector<32xbf16>
          %bitcast3A_680 = vector.bitcast %get3A_592 : vector<16xi32> to vector<32xbf16>
          %mul3A_681 = arith.mulf %mul3A_679, %bitcast3A_680 : vector<32xbf16>
          %add3A_682 = arith.addf %mul3A_666, %mul3A_671 : vector<32xbf16>
          %add3A_683 = arith.addf %mul3A_676, %mul3A_681 : vector<32xbf16>
          %add3A_684 = arith.addf %add3A_682, %add3A_683 : vector<32xbf16>
          %add3A_685 = arith.constant 6 : i32
          %add3A_686 = vector.broadcast %add3A_685 : i32 to vector<16xi32>
          %add3A_687 = arith.addi %mul3A_5, %add3A_686 : vector<16xi32>
          %bitcast3A_688 = vector.bitcast %add3A_684 : vector<32xbf16> to vector<16xi32>
          tpu.vector_store_idx %arg18[%add3A_687], %bitcast3A_688 : memref<272xi32, #tpu.memory_space<vmem>>[vector<16xi32>], vector<16xi32>,
          %mul3A_689 = arith.constant 16 : i32
          %mul3A_690 = arith.muli %scan3A_194, %mul3A_689 : i32
          %add3A_691 = arith.constant 7 : i32
          %add3A_692 = arith.addi %mul3A_690, %add3A_691 : i32
          %add3A_693 = arith.constant 1 : i32
          %add3A_694 = arith.addi %add3A_692, %add3A_693 : i32
          %get3A_695 = arith.index_cast %add3A_694 : i32 to index
          %get3A_696 = arith.constant 0 : index
          %get3A_697 = tpu.vector_load %arg14[%get3A_695, %get3A_696] {strides = array<i32>} : memref<80x64xi32, #tpu.memory_space<vmem>>, vector<16xi32>,
          %get3A_698 = arith.index_cast %add3A_694 : i32 to index
          %get3A_699 = arith.constant 0 : index
          %get3A_700 = tpu.vector_load %arg15[%get3A_698, %get3A_699] {strides = array<i32>} : memref<80x64xi32, #tpu.memory_space<vmem>>, vector<16xi32>,
          %get3A_701 = arith.index_cast %add3A_694 : i32 to index
          %get3A_702 = arith.constant 0 : index
          %get3A_703 = tpu.vector_load %arg16[%get3A_701, %get3A_702] {strides = array<i32>} : memref<80x64xi32, #tpu.memory_space<vmem>>, vector<16xi32>,
          %get3A_704 = arith.index_cast %add3A_694 : i32 to index
          %get3A_705 = arith.constant 16 : index
          %get3A_706 = tpu.vector_load %arg14[%get3A_704, %get3A_705] {strides = array<i32>} : memref<80x64xi32, #tpu.memory_space<vmem>>, vector<16xi32>,
          %get3A_707 = arith.index_cast %add3A_694 : i32 to index
          %get3A_708 = arith.constant 16 : index
          %get3A_709 = tpu.vector_load %arg15[%get3A_707, %get3A_708] {strides = array<i32>} : memref<80x64xi32, #tpu.memory_space<vmem>>, vector<16xi32>,
          %get3A_710 = arith.index_cast %add3A_694 : i32 to index
          %get3A_711 = arith.constant 16 : index
          %get3A_712 = tpu.vector_load %arg16[%get3A_710, %get3A_711] {strides = array<i32>} : memref<80x64xi32, #tpu.memory_space<vmem>>, vector<16xi32>,
          %get3A_713 = arith.index_cast %add3A_694 : i32 to index
          %get3A_714 = arith.constant 32 : index
          %get3A_715 = tpu.vector_load %arg14[%get3A_713, %get3A_714] {strides = array<i32>} : memref<80x64xi32, #tpu.memory_space<vmem>>, vector<16xi32>,
          %get3A_716 = arith.index_cast %add3A_694 : i32 to index
          %get3A_717 = arith.constant 32 : index
          %get3A_718 = tpu.vector_load %arg15[%get3A_716, %get3A_717] {strides = array<i32>} : memref<80x64xi32, #tpu.memory_space<vmem>>, vector<16xi32>,
          %get3A_719 = arith.index_cast %add3A_694 : i32 to index
          %get3A_720 = arith.constant 32 : index
          %get3A_721 = tpu.vector_load %arg16[%get3A_719, %get3A_720] {strides = array<i32>} : memref<80x64xi32, #tpu.memory_space<vmem>>, vector<16xi32>,
          %get3A_722 = arith.index_cast %add3A_694 : i32 to index
          %get3A_723 = arith.constant 48 : index
          %get3A_724 = tpu.vector_load %arg14[%get3A_722, %get3A_723] {strides = array<i32>} : memref<80x64xi32, #tpu.memory_space<vmem>>, vector<16xi32>,
          %get3A_725 = arith.index_cast %add3A_694 : i32 to index
          %get3A_726 = arith.constant 48 : index
          %get3A_727 = tpu.vector_load %arg15[%get3A_725, %get3A_726] {strides = array<i32>} : memref<80x64xi32, #tpu.memory_space<vmem>>, vector<16xi32>,
          %get3A_728 = arith.index_cast %add3A_694 : i32 to index
          %get3A_729 = arith.constant 48 : index
          %get3A_730 = tpu.vector_load %arg16[%get3A_728, %get3A_729] {strides = array<i32>} : memref<80x64xi32, #tpu.memory_space<vmem>>, vector<16xi32>,
          %bitcast3A_731 = vector.bitcast %get3A_628 : vector<16xi32> to vector<32xbf16>
          %bitcast3A_732 = vector.bitcast %get3A_631 : vector<16xi32> to vector<32xbf16>
          %mul3A_733 = arith.mulf %bitcast3A_731, %bitcast3A_732 : vector<32xbf16>
          %bitcast3A_734 = vector.bitcast %get3A_634 : vector<16xi32> to vector<32xbf16>
          %mul3A_735 = arith.mulf %mul3A_733, %bitcast3A_734 : vector<32xbf16>
          %bitcast3A_736 = vector.bitcast %get3A_637 : vector<16xi32> to vector<32xbf16>
          %bitcast3A_737 = vector.bitcast %get3A_640 : vector<16xi32> to vector<32xbf16>
          %mul3A_738 = arith.mulf %bitcast3A_736, %bitcast3A_737 : vector<32xbf16>
          %bitcast3A_739 = vector.bitcast %get3A_643 : vector<16xi32> to vector<32xbf16>
          %mul3A_740 = arith.mulf %mul3A_738, %bitcast3A_739 : vector<32xbf16>
          %bitcast3A_741 = vector.bitcast %get3A_646 : vector<16xi32> to vector<32xbf16>
          %bitcast3A_742 = vector.bitcast %get3A_649 : vector<16xi32> to vector<32xbf16>
          %mul3A_743 = arith.mulf %bitcast3A_741, %bitcast3A_742 : vector<32xbf16>
          %bitcast3A_744 = vector.bitcast %get3A_652 : vector<16xi32> to vector<32xbf16>
          %mul3A_745 = arith.mulf %mul3A_743, %bitcast3A_744 : vector<32xbf16>
          %bitcast3A_746 = vector.bitcast %get3A_655 : vector<16xi32> to vector<32xbf16>
          %bitcast3A_747 = vector.bitcast %get3A_658 : vector<16xi32> to vector<32xbf16>
          %mul3A_748 = arith.mulf %bitcast3A_746, %bitcast3A_747 : vector<32xbf16>
          %bitcast3A_749 = vector.bitcast %get3A_661 : vector<16xi32> to vector<32xbf16>
          %mul3A_750 = arith.mulf %mul3A_748, %bitcast3A_749 : vector<32xbf16>
          %add3A_751 = arith.addf %mul3A_735, %mul3A_740 : vector<32xbf16>
          %add3A_752 = arith.addf %mul3A_745, %mul3A_750 : vector<32xbf16>
          %add3A_753 = arith.addf %add3A_751, %add3A_752 : vector<32xbf16>
          %add3A_754 = arith.constant 7 : i32
          %add3A_755 = vector.broadcast %add3A_754 : i32 to vector<16xi32>
          %add3A_756 = arith.addi %mul3A_5, %add3A_755 : vector<16xi32>
          %bitcast3A_757 = vector.bitcast %add3A_753 : vector<32xbf16> to vector<16xi32>
          tpu.vector_store_idx %arg18[%add3A_756], %bitcast3A_757 : memref<272xi32, #tpu.memory_space<vmem>>[vector<16xi32>], vector<16xi32>,
          %mul3A_758 = arith.constant 16 : i32
          %mul3A_759 = arith.muli %scan3A_194, %mul3A_758 : i32
          %add3A_760 = arith.constant 8 : i32
          %add3A_761 = arith.addi %mul3A_759, %add3A_760 : i32
          %add3A_762 = arith.constant 1 : i32
          %add3A_763 = arith.addi %add3A_761, %add3A_762 : i32
          %get3A_764 = arith.index_cast %add3A_763 : i32 to index
          %get3A_765 = arith.constant 0 : index
          %get3A_766 = tpu.vector_load %arg14[%get3A_764, %get3A_765] {strides = array<i32>} : memref<80x64xi32, #tpu.memory_space<vmem>>, vector<16xi32>,
          %get3A_767 = arith.index_cast %add3A_763 : i32 to index
          %get3A_768 = arith.constant 0 : index
          %get3A_769 = tpu.vector_load %arg15[%get3A_767, %get3A_768] {strides = array<i32>} : memref<80x64xi32, #tpu.memory_space<vmem>>, vector<16xi32>,
          %get3A_770 = arith.index_cast %add3A_763 : i32 to index
          %get3A_771 = arith.constant 0 : index
          %get3A_772 = tpu.vector_load %arg16[%get3A_770, %get3A_771] {strides = array<i32>} : memref<80x64xi32, #tpu.memory_space<vmem>>, vector<16xi32>,
          %get3A_773 = arith.index_cast %add3A_763 : i32 to index
          %get3A_774 = arith.constant 16 : index
          %get3A_775 = tpu.vector_load %arg14[%get3A_773, %get3A_774] {strides = array<i32>} : memref<80x64xi32, #tpu.memory_space<vmem>>, vector<16xi32>,
          %get3A_776 = arith.index_cast %add3A_763 : i32 to index
          %get3A_777 = arith.constant 16 : index
          %get3A_778 = tpu.vector_load %arg15[%get3A_776, %get3A_777] {strides = array<i32>} : memref<80x64xi32, #tpu.memory_space<vmem>>, vector<16xi32>,
          %get3A_779 = arith.index_cast %add3A_763 : i32 to index
          %get3A_780 = arith.constant 16 : index
          %get3A_781 = tpu.vector_load %arg16[%get3A_779, %get3A_780] {strides = array<i32>} : memref<80x64xi32, #tpu.memory_space<vmem>>, vector<16xi32>,
          %get3A_782 = arith.index_cast %add3A_763 : i32 to index
          %get3A_783 = arith.constant 32 : index
          %get3A_784 = tpu.vector_load %arg14[%get3A_782, %get3A_783] {strides = array<i32>} : memref<80x64xi32, #tpu.memory_space<vmem>>, vector<16xi32>,
          %get3A_785 = arith.index_cast %add3A_763 : i32 to index
          %get3A_786 = arith.constant 32 : index
          %get3A_787 = tpu.vector_load %arg15[%get3A_785, %get3A_786] {strides = array<i32>} : memref<80x64xi32, #tpu.memory_space<vmem>>, vector<16xi32>,
          %get3A_788 = arith.index_cast %add3A_763 : i32 to index
          %get3A_789 = arith.constant 32 : index
          %get3A_790 = tpu.vector_load %arg16[%get3A_788, %get3A_789] {strides = array<i32>} : memref<80x64xi32, #tpu.memory_space<vmem>>, vector<16xi32>,
          %get3A_791 = arith.index_cast %add3A_763 : i32 to index
          %get3A_792 = arith.constant 48 : index
          %get3A_793 = tpu.vector_load %arg14[%get3A_791, %get3A_792] {strides = array<i32>} : memref<80x64xi32, #tpu.memory_space<vmem>>, vector<16xi32>,
          %get3A_794 = arith.index_cast %add3A_763 : i32 to index
          %get3A_795 = arith.constant 48 : index
          %get3A_796 = tpu.vector_load %arg15[%get3A_794, %get3A_795] {strides = array<i32>} : memref<80x64xi32, #tpu.memory_space<vmem>>, vector<16xi32>,
          %get3A_797 = arith.index_cast %add3A_763 : i32 to index
          %get3A_798 = arith.constant 48 : index
          %get3A_799 = tpu.vector_load %arg16[%get3A_797, %get3A_798] {strides = array<i32>} : memref<80x64xi32, #tpu.memory_space<vmem>>, vector<16xi32>,
          %bitcast3A_800 = vector.bitcast %get3A_697 : vector<16xi32> to vector<32xbf16>
          %bitcast3A_801 = vector.bitcast %get3A_700 : vector<16xi32> to vector<32xbf16>
          %mul3A_802 = arith.mulf %bitcast3A_800, %bitcast3A_801 : vector<32xbf16>
          %bitcast3A_803 = vector.bitcast %get3A_703 : vector<16xi32> to vector<32xbf16>
          %mul3A_804 = arith.mulf %mul3A_802, %bitcast3A_803 : vector<32xbf16>
          %bitcast3A_805 = vector.bitcast %get3A_706 : vector<16xi32> to vector<32xbf16>
          %bitcast3A_806 = vector.bitcast %get3A_709 : vector<16xi32> to vector<32xbf16>
          %mul3A_807 = arith.mulf %bitcast3A_805, %bitcast3A_806 : vector<32xbf16>
          %bitcast3A_808 = vector.bitcast %get3A_712 : vector<16xi32> to vector<32xbf16>
          %mul3A_809 = arith.mulf %mul3A_807, %bitcast3A_808 : vector<32xbf16>
          %bitcast3A_810 = vector.bitcast %get3A_715 : vector<16xi32> to vector<32xbf16>
          %bitcast3A_811 = vector.bitcast %get3A_718 : vector<16xi32> to vector<32xbf16>
          %mul3A_812 = arith.mulf %bitcast3A_810, %bitcast3A_811 : vector<32xbf16>
          %bitcast3A_813 = vector.bitcast %get3A_721 : vector<16xi32> to vector<32xbf16>
          %mul3A_814 = arith.mulf %mul3A_812, %bitcast3A_813 : vector<32xbf16>
          %bitcast3A_815 = vector.bitcast %get3A_724 : vector<16xi32> to vector<32xbf16>
          %bitcast3A_816 = vector.bitcast %get3A_727 : vector<16xi32> to vector<32xbf16>
          %mul3A_817 = arith.mulf %bitcast3A_815, %bitcast3A_816 : vector<32xbf16>
          %bitcast3A_818 = vector.bitcast %get3A_730 : vector<16xi32> to vector<32xbf16>
          %mul3A_819 = arith.mulf %mul3A_817, %bitcast3A_818 : vector<32xbf16>
          %add3A_820 = arith.addf %mul3A_804, %mul3A_809 : vector<32xbf16>
          %add3A_821 = arith.addf %mul3A_814, %mul3A_819 : vector<32xbf16>
          %add3A_822 = arith.addf %add3A_820, %add3A_821 : vector<32xbf16>
          %add3A_823 = arith.constant 8 : i32
          %add3A_824 = vector.broadcast %add3A_823 : i32 to vector<16xi32>
          %add3A_825 = arith.addi %mul3A_5, %add3A_824 : vector<16xi32>
          %bitcast3A_826 = vector.bitcast %add3A_822 : vector<32xbf16> to vector<16xi32>
          tpu.vector_store_idx %arg18[%add3A_825], %bitcast3A_826 : memref<272xi32, #tpu.memory_space<vmem>>[vector<16xi32>], vector<16xi32>,
          %mul3A_827 = arith.constant 16 : i32
          %mul3A_828 = arith.muli %scan3A_194, %mul3A_827 : i32
          %add3A_829 = arith.constant 9 : i32
          %add3A_830 = arith.addi %mul3A_828, %add3A_829 : i32
          %add3A_831 = arith.constant 1 : i32
          %add3A_832 = arith.addi %add3A_830, %add3A_831 : i32
          %get3A_833 = arith.index_cast %add3A_832 : i32 to index
          %get3A_834 = arith.constant 0 : index
          %get3A_835 = tpu.vector_load %arg14[%get3A_833, %get3A_834] {strides = array<i32>} : memref<80x64xi32, #tpu.memory_space<vmem>>, vector<16xi32>,
          %get3A_836 = arith.index_cast %add3A_832 : i32 to index
          %get3A_837 = arith.constant 0 : index
          %get3A_838 = tpu.vector_load %arg15[%get3A_836, %get3A_837] {strides = array<i32>} : memref<80x64xi32, #tpu.memory_space<vmem>>, vector<16xi32>,
          %get3A_839 = arith.index_cast %add3A_832 : i32 to index
          %get3A_840 = arith.constant 0 : index
          %get3A_841 = tpu.vector_load %arg16[%get3A_839, %get3A_840] {strides = array<i32>} : memref<80x64xi32, #tpu.memory_space<vmem>>, vector<16xi32>,
          %get3A_842 = arith.index_cast %add3A_832 : i32 to index
          %get3A_843 = arith.constant 16 : index
          %get3A_844 = tpu.vector_load %arg14[%get3A_842, %get3A_843] {strides = array<i32>} : memref<80x64xi32, #tpu.memory_space<vmem>>, vector<16xi32>,
          %get3A_845 = arith.index_cast %add3A_832 : i32 to index
          %get3A_846 = arith.constant 16 : index
          %get3A_847 = tpu.vector_load %arg15[%get3A_845, %get3A_846] {strides = array<i32>} : memref<80x64xi32, #tpu.memory_space<vmem>>, vector<16xi32>,
          %get3A_848 = arith.index_cast %add3A_832 : i32 to index
          %get3A_849 = arith.constant 16 : index
          %get3A_850 = tpu.vector_load %arg16[%get3A_848, %get3A_849] {strides = array<i32>} : memref<80x64xi32, #tpu.memory_space<vmem>>, vector<16xi32>,
          %get3A_851 = arith.index_cast %add3A_832 : i32 to index
          %get3A_852 = arith.constant 32 : index
          %get3A_853 = tpu.vector_load %arg14[%get3A_851, %get3A_852] {strides = array<i32>} : memref<80x64xi32, #tpu.memory_space<vmem>>, vector<16xi32>,
          %get3A_854 = arith.index_cast %add3A_832 : i32 to index
          %get3A_855 = arith.constant 32 : index
          %get3A_856 = tpu.vector_load %arg15[%get3A_854, %get3A_855] {strides = array<i32>} : memref<80x64xi32, #tpu.memory_space<vmem>>, vector<16xi32>,
          %get3A_857 = arith.index_cast %add3A_832 : i32 to index
          %get3A_858 = arith.constant 32 : index
          %get3A_859 = tpu.vector_load %arg16[%get3A_857, %get3A_858] {strides = array<i32>} : memref<80x64xi32, #tpu.memory_space<vmem>>, vector<16xi32>,
          %get3A_860 = arith.index_cast %add3A_832 : i32 to index
          %get3A_861 = arith.constant 48 : index
          %get3A_862 = tpu.vector_load %arg14[%get3A_860, %get3A_861] {strides = array<i32>} : memref<80x64xi32, #tpu.memory_space<vmem>>, vector<16xi32>,
          %get3A_863 = arith.index_cast %add3A_832 : i32 to index
          %get3A_864 = arith.constant 48 : index
          %get3A_865 = tpu.vector_load %arg15[%get3A_863, %get3A_864] {strides = array<i32>} : memref<80x64xi32, #tpu.memory_space<vmem>>, vector<16xi32>,
          %get3A_866 = arith.index_cast %add3A_832 : i32 to index
          %get3A_867 = arith.constant 48 : index
          %get3A_868 = tpu.vector_load %arg16[%get3A_866, %get3A_867] {strides = array<i32>} : memref<80x64xi32, #tpu.memory_space<vmem>>, vector<16xi32>,
          %bitcast3A_869 = vector.bitcast %get3A_766 : vector<16xi32> to vector<32xbf16>
          %bitcast3A_870 = vector.bitcast %get3A_769 : vector<16xi32> to vector<32xbf16>
          %mul3A_871 = arith.mulf %bitcast3A_869, %bitcast3A_870 : vector<32xbf16>
          %bitcast3A_872 = vector.bitcast %get3A_772 : vector<16xi32> to vector<32xbf16>
          %mul3A_873 = arith.mulf %mul3A_871, %bitcast3A_872 : vector<32xbf16>
          %bitcast3A_874 = vector.bitcast %get3A_775 : vector<16xi32> to vector<32xbf16>
          %bitcast3A_875 = vector.bitcast %get3A_778 : vector<16xi32> to vector<32xbf16>
          %mul3A_876 = arith.mulf %bitcast3A_874, %bitcast3A_875 : vector<32xbf16>
          %bitcast3A_877 = vector.bitcast %get3A_781 : vector<16xi32> to vector<32xbf16>
          %mul3A_878 = arith.mulf %mul3A_876, %bitcast3A_877 : vector<32xbf16>
          %bitcast3A_879 = vector.bitcast %get3A_784 : vector<16xi32> to vector<32xbf16>
          %bitcast3A_880 = vector.bitcast %get3A_787 : vector<16xi32> to vector<32xbf16>
          %mul3A_881 = arith.mulf %bitcast3A_879, %bitcast3A_880 : vector<32xbf16>
          %bitcast3A_882 = vector.bitcast %get3A_790 : vector<16xi32> to vector<32xbf16>
          %mul3A_883 = arith.mulf %mul3A_881, %bitcast3A_882 : vector<32xbf16>
          %bitcast3A_884 = vector.bitcast %get3A_793 : vector<16xi32> to vector<32xbf16>
          %bitcast3A_885 = vector.bitcast %get3A_796 : vector<16xi32> to vector<32xbf16>
          %mul3A_886 = arith.mulf %bitcast3A_884, %bitcast3A_885 : vector<32xbf16>
          %bitcast3A_887 = vector.bitcast %get3A_799 : vector<16xi32> to vector<32xbf16>
          %mul3A_888 = arith.mulf %mul3A_886, %bitcast3A_887 : vector<32xbf16>
          %add3A_889 = arith.addf %mul3A_873, %mul3A_878 : vector<32xbf16>
          %add3A_890 = arith.addf %mul3A_883, %mul3A_888 : vector<32xbf16>
          %add3A_891 = arith.addf %add3A_889, %add3A_890 : vector<32xbf16>
          %add3A_892 = arith.constant 9 : i32
          %add3A_893 = vector.broadcast %add3A_892 : i32 to vector<16xi32>
          %add3A_894 = arith.addi %mul3A_5, %add3A_893 : vector<16xi32>
          %bitcast3A_895 = vector.bitcast %add3A_891 : vector<32xbf16> to vector<16xi32>
          tpu.vector_store_idx %arg18[%add3A_894], %bitcast3A_895 : memref<272xi32, #tpu.memory_space<vmem>>[vector<16xi32>], vector<16xi32>,
          %mul3A_896 = arith.constant 16 : i32
          %mul3A_897 = arith.muli %scan3A_194, %mul3A_896 : i32
          %add3A_898 = arith.constant 10 : i32
          %add3A_899 = arith.addi %mul3A_897, %add3A_898 : i32
          %add3A_900 = arith.constant 1 : i32
          %add3A_901 = arith.addi %add3A_899, %add3A_900 : i32
          %get3A_902 = arith.index_cast %add3A_901 : i32 to index
          %get3A_903 = arith.constant 0 : index
          %get3A_904 = tpu.vector_load %arg14[%get3A_902, %get3A_903] {strides = array<i32>} : memref<80x64xi32, #tpu.memory_space<vmem>>, vector<16xi32>,
          %get3A_905 = arith.index_cast %add3A_901 : i32 to index
          %get3A_906 = arith.constant 0 : index
          %get3A_907 = tpu.vector_load %arg15[%get3A_905, %get3A_906] {strides = array<i32>} : memref<80x64xi32, #tpu.memory_space<vmem>>, vector<16xi32>,
          %get3A_908 = arith.index_cast %add3A_901 : i32 to index
          %get3A_909 = arith.constant 0 : index
          %get3A_910 = tpu.vector_load %arg16[%get3A_908, %get3A_909] {strides = array<i32>} : memref<80x64xi32, #tpu.memory_space<vmem>>, vector<16xi32>,
          %get3A_911 = arith.index_cast %add3A_901 : i32 to index
          %get3A_912 = arith.constant 16 : index
          %get3A_913 = tpu.vector_load %arg14[%get3A_911, %get3A_912] {strides = array<i32>} : memref<80x64xi32, #tpu.memory_space<vmem>>, vector<16xi32>,
          %get3A_914 = arith.index_cast %add3A_901 : i32 to index
          %get3A_915 = arith.constant 16 : index
          %get3A_916 = tpu.vector_load %arg15[%get3A_914, %get3A_915] {strides = array<i32>} : memref<80x64xi32, #tpu.memory_space<vmem>>, vector<16xi32>,
          %get3A_917 = arith.index_cast %add3A_901 : i32 to index
          %get3A_918 = arith.constant 16 : index
          %get3A_919 = tpu.vector_load %arg16[%get3A_917, %get3A_918] {strides = array<i32>} : memref<80x64xi32, #tpu.memory_space<vmem>>, vector<16xi32>,
          %get3A_920 = arith.index_cast %add3A_901 : i32 to index
          %get3A_921 = arith.constant 32 : index
          %get3A_922 = tpu.vector_load %arg14[%get3A_920, %get3A_921] {strides = array<i32>} : memref<80x64xi32, #tpu.memory_space<vmem>>, vector<16xi32>,
          %get3A_923 = arith.index_cast %add3A_901 : i32 to index
          %get3A_924 = arith.constant 32 : index
          %get3A_925 = tpu.vector_load %arg15[%get3A_923, %get3A_924] {strides = array<i32>} : memref<80x64xi32, #tpu.memory_space<vmem>>, vector<16xi32>,
          %get3A_926 = arith.index_cast %add3A_901 : i32 to index
          %get3A_927 = arith.constant 32 : index
          %get3A_928 = tpu.vector_load %arg16[%get3A_926, %get3A_927] {strides = array<i32>} : memref<80x64xi32, #tpu.memory_space<vmem>>, vector<16xi32>,
          %get3A_929 = arith.index_cast %add3A_901 : i32 to index
          %get3A_930 = arith.constant 48 : index
          %get3A_931 = tpu.vector_load %arg14[%get3A_929, %get3A_930] {strides = array<i32>} : memref<80x64xi32, #tpu.memory_space<vmem>>, vector<16xi32>,
          %get3A_932 = arith.index_cast %add3A_901 : i32 to index
          %get3A_933 = arith.constant 48 : index
          %get3A_934 = tpu.vector_load %arg15[%get3A_932, %get3A_933] {strides = array<i32>} : memref<80x64xi32, #tpu.memory_space<vmem>>, vector<16xi32>,
          %get3A_935 = arith.index_cast %add3A_901 : i32 to index
          %get3A_936 = arith.constant 48 : index
          %get3A_937 = tpu.vector_load %arg16[%get3A_935, %get3A_936] {strides = array<i32>} : memref<80x64xi32, #tpu.memory_space<vmem>>, vector<16xi32>,
          %bitcast3A_938 = vector.bitcast %get3A_835 : vector<16xi32> to vector<32xbf16>
          %bitcast3A_939 = vector.bitcast %get3A_838 : vector<16xi32> to vector<32xbf16>
          %mul3A_940 = arith.mulf %bitcast3A_938, %bitcast3A_939 : vector<32xbf16>
          %bitcast3A_941 = vector.bitcast %get3A_841 : vector<16xi32> to vector<32xbf16>
          %mul3A_942 = arith.mulf %mul3A_940, %bitcast3A_941 : vector<32xbf16>
          %bitcast3A_943 = vector.bitcast %get3A_844 : vector<16xi32> to vector<32xbf16>
          %bitcast3A_944 = vector.bitcast %get3A_847 : vector<16xi32> to vector<32xbf16>
          %mul3A_945 = arith.mulf %bitcast3A_943, %bitcast3A_944 : vector<32xbf16>
          %bitcast3A_946 = vector.bitcast %get3A_850 : vector<16xi32> to vector<32xbf16>
          %mul3A_947 = arith.mulf %mul3A_945, %bitcast3A_946 : vector<32xbf16>
          %bitcast3A_948 = vector.bitcast %get3A_853 : vector<16xi32> to vector<32xbf16>
          %bitcast3A_949 = vector.bitcast %get3A_856 : vector<16xi32> to vector<32xbf16>
          %mul3A_950 = arith.mulf %bitcast3A_948, %bitcast3A_949 : vector<32xbf16>
          %bitcast3A_951 = vector.bitcast %get3A_859 : vector<16xi32> to vector<32xbf16>
          %mul3A_952 = arith.mulf %mul3A_950, %bitcast3A_951 : vector<32xbf16>
          %bitcast3A_953 = vector.bitcast %get3A_862 : vector<16xi32> to vector<32xbf16>
          %bitcast3A_954 = vector.bitcast %get3A_865 : vector<16xi32> to vector<32xbf16>
          %mul3A_955 = arith.mulf %bitcast3A_953, %bitcast3A_954 : vector<32xbf16>
          %bitcast3A_956 = vector.bitcast %get3A_868 : vector<16xi32> to vector<32xbf16>
          %mul3A_957 = arith.mulf %mul3A_955, %bitcast3A_956 : vector<32xbf16>
          %add3A_958 = arith.addf %mul3A_942, %mul3A_947 : vector<32xbf16>
          %add3A_959 = arith.addf %mul3A_952, %mul3A_957 : vector<32xbf16>
          %add3A_960 = arith.addf %add3A_958, %add3A_959 : vector<32xbf16>
          %add3A_961 = arith.constant 10 : i32
          %add3A_962 = vector.broadcast %add3A_961 : i32 to vector<16xi32>
          %add3A_963 = arith.addi %mul3A_5, %add3A_962 : vector<16xi32>
          %bitcast3A_964 = vector.bitcast %add3A_960 : vector<32xbf16> to vector<16xi32>
          tpu.vector_store_idx %arg18[%add3A_963], %bitcast3A_964 : memref<272xi32, #tpu.memory_space<vmem>>[vector<16xi32>], vector<16xi32>,
          %mul3A_965 = arith.constant 16 : i32
          %mul3A_966 = arith.muli %scan3A_194, %mul3A_965 : i32
          %add3A_967 = arith.constant 11 : i32
          %add3A_968 = arith.addi %mul3A_966, %add3A_967 : i32
          %add3A_969 = arith.constant 1 : i32
          %add3A_970 = arith.addi %add3A_968, %add3A_969 : i32
          %get3A_971 = arith.index_cast %add3A_970 : i32 to index
          %get3A_972 = arith.constant 0 : index
          %get3A_973 = tpu.vector_load %arg14[%get3A_971, %get3A_972] {strides = array<i32>} : memref<80x64xi32, #tpu.memory_space<vmem>>, vector<16xi32>,
          %get3A_974 = arith.index_cast %add3A_970 : i32 to index
          %get3A_975 = arith.constant 0 : index
          %get3A_976 = tpu.vector_load %arg15[%get3A_974, %get3A_975] {strides = array<i32>} : memref<80x64xi32, #tpu.memory_space<vmem>>, vector<16xi32>,
          %get3A_977 = arith.index_cast %add3A_970 : i32 to index
          %get3A_978 = arith.constant 0 : index
          %get3A_979 = tpu.vector_load %arg16[%get3A_977, %get3A_978] {strides = array<i32>} : memref<80x64xi32, #tpu.memory_space<vmem>>, vector<16xi32>,
          %get3A_980 = arith.index_cast %add3A_970 : i32 to index
          %get3A_981 = arith.constant 16 : index
          %get3A_982 = tpu.vector_load %arg14[%get3A_980, %get3A_981] {strides = array<i32>} : memref<80x64xi32, #tpu.memory_space<vmem>>, vector<16xi32>,
          %get3A_983 = arith.index_cast %add3A_970 : i32 to index
          %get3A_984 = arith.constant 16 : index
          %get3A_985 = tpu.vector_load %arg15[%get3A_983, %get3A_984] {strides = array<i32>} : memref<80x64xi32, #tpu.memory_space<vmem>>, vector<16xi32>,
          %get3A_986 = arith.index_cast %add3A_970 : i32 to index
          %get3A_987 = arith.constant 16 : index
          %get3A_988 = tpu.vector_load %arg16[%get3A_986, %get3A_987] {strides = array<i32>} : memref<80x64xi32, #tpu.memory_space<vmem>>, vector<16xi32>,
          %get3A_989 = arith.index_cast %add3A_970 : i32 to index
          %get3A_990 = arith.constant 32 : index
          %get3A_991 = tpu.vector_load %arg14[%get3A_989, %get3A_990] {strides = array<i32>} : memref<80x64xi32, #tpu.memory_space<vmem>>, vector<16xi32>,
          %get3A_992 = arith.index_cast %add3A_970 : i32 to index
          %get3A_993 = arith.constant 32 : index
          %get3A_994 = tpu.vector_load %arg15[%get3A_992, %get3A_993] {strides = array<i32>} : memref<80x64xi32, #tpu.memory_space<vmem>>, vector<16xi32>,
          %get3A_995 = arith.index_cast %add3A_970 : i32 to index
          %get3A_996 = arith.constant 32 : index
          %get3A_997 = tpu.vector_load %arg16[%get3A_995, %get3A_996] {strides = array<i32>} : memref<80x64xi32, #tpu.memory_space<vmem>>, vector<16xi32>,
          %get3A_998 = arith.index_cast %add3A_970 : i32 to index
          %get3A_999 = arith.constant 48 : index
          %get3A_1000 = tpu.vector_load %arg14[%get3A_998, %get3A_999] {strides = array<i32>} : memref<80x64xi32, #tpu.memory_space<vmem>>, vector<16xi32>,
          %get3A_1001 = arith.index_cast %add3A_970 : i32 to index
          %get3A_1002 = arith.constant 48 : index
          %get3A_1003 = tpu.vector_load %arg15[%get3A_1001, %get3A_1002] {strides = array<i32>} : memref<80x64xi32, #tpu.memory_space<vmem>>, vector<16xi32>,
          %get3A_1004 = arith.index_cast %add3A_970 : i32 to index
          %get3A_1005 = arith.constant 48 : index
          %get3A_1006 = tpu.vector_load %arg16[%get3A_1004, %get3A_1005] {strides = array<i32>} : memref<80x64xi32, #tpu.memory_space<vmem>>, vector<16xi32>,
          %bitcast3A_1007 = vector.bitcast %get3A_904 : vector<16xi32> to vector<32xbf16>
          %bitcast3A_1008 = vector.bitcast %get3A_907 : vector<16xi32> to vector<32xbf16>
          %mul3A_1009 = arith.mulf %bitcast3A_1007, %bitcast3A_1008 : vector<32xbf16>
          %bitcast3A_1010 = vector.bitcast %get3A_910 : vector<16xi32> to vector<32xbf16>
          %mul3A_1011 = arith.mulf %mul3A_1009, %bitcast3A_1010 : vector<32xbf16>
          %bitcast3A_1012 = vector.bitcast %get3A_913 : vector<16xi32> to vector<32xbf16>
          %bitcast3A_1013 = vector.bitcast %get3A_916 : vector<16xi32> to vector<32xbf16>
          %mul3A_1014 = arith.mulf %bitcast3A_1012, %bitcast3A_1013 : vector<32xbf16>
          %bitcast3A_1015 = vector.bitcast %get3A_919 : vector<16xi32> to vector<32xbf16>
          %mul3A_1016 = arith.mulf %mul3A_1014, %bitcast3A_1015 : vector<32xbf16>
          %bitcast3A_1017 = vector.bitcast %get3A_922 : vector<16xi32> to vector<32xbf16>
          %bitcast3A_1018 = vector.bitcast %get3A_925 : vector<16xi32> to vector<32xbf16>
          %mul3A_1019 = arith.mulf %bitcast3A_1017, %bitcast3A_1018 : vector<32xbf16>
          %bitcast3A_1020 = vector.bitcast %get3A_928 : vector<16xi32> to vector<32xbf16>
          %mul3A_1021 = arith.mulf %mul3A_1019, %bitcast3A_1020 : vector<32xbf16>
          %bitcast3A_1022 = vector.bitcast %get3A_931 : vector<16xi32> to vector<32xbf16>
          %bitcast3A_1023 = vector.bitcast %get3A_934 : vector<16xi32> to vector<32xbf16>
          %mul3A_1024 = arith.mulf %bitcast3A_1022, %bitcast3A_1023 : vector<32xbf16>
          %bitcast3A_1025 = vector.bitcast %get3A_937 : vector<16xi32> to vector<32xbf16>
          %mul3A_1026 = arith.mulf %mul3A_1024, %bitcast3A_1025 : vector<32xbf16>
          %add3A_1027 = arith.addf %mul3A_1011, %mul3A_1016 : vector<32xbf16>
          %add3A_1028 = arith.addf %mul3A_1021, %mul3A_1026 : vector<32xbf16>
          %add3A_1029 = arith.addf %add3A_1027, %add3A_1028 : vector<32xbf16>
          %add3A_1030 = arith.constant 11 : i32
          %add3A_1031 = vector.broadcast %add3A_1030 : i32 to vector<16xi32>
          %add3A_1032 = arith.addi %mul3A_5, %add3A_1031 : vector<16xi32>
          %bitcast3A_1033 = vector.bitcast %add3A_1029 : vector<32xbf16> to vector<16xi32>
          tpu.vector_store_idx %arg18[%add3A_1032], %bitcast3A_1033 : memref<272xi32, #tpu.memory_space<vmem>>[vector<16xi32>], vector<16xi32>,
          %mul3A_1034 = arith.constant 16 : i32
          %mul3A_1035 = arith.muli %scan3A_194, %mul3A_1034 : i32
          %add3A_1036 = arith.constant 12 : i32
          %add3A_1037 = arith.addi %mul3A_1035, %add3A_1036 : i32
          %add3A_1038 = arith.constant 1 : i32
          %add3A_1039 = arith.addi %add3A_1037, %add3A_1038 : i32
          %get3A_1040 = arith.index_cast %add3A_1039 : i32 to index
          %get3A_1041 = arith.constant 0 : index
          %get3A_1042 = tpu.vector_load %arg14[%get3A_1040, %get3A_1041] {strides = array<i32>} : memref<80x64xi32, #tpu.memory_space<vmem>>, vector<16xi32>,
          %get3A_1043 = arith.index_cast %add3A_1039 : i32 to index
          %get3A_1044 = arith.constant 0 : index
          %get3A_1045 = tpu.vector_load %arg15[%get3A_1043, %get3A_1044] {strides = array<i32>} : memref<80x64xi32, #tpu.memory_space<vmem>>, vector<16xi32>,
          %get3A_1046 = arith.index_cast %add3A_1039 : i32 to index
          %get3A_1047 = arith.constant 0 : index
          %get3A_1048 = tpu.vector_load %arg16[%get3A_1046, %get3A_1047] {strides = array<i32>} : memref<80x64xi32, #tpu.memory_space<vmem>>, vector<16xi32>,
          %get3A_1049 = arith.index_cast %add3A_1039 : i32 to index
          %get3A_1050 = arith.constant 16 : index
          %get3A_1051 = tpu.vector_load %arg14[%get3A_1049, %get3A_1050] {strides = array<i32>} : memref<80x64xi32, #tpu.memory_space<vmem>>, vector<16xi32>,
          %get3A_1052 = arith.index_cast %add3A_1039 : i32 to index
          %get3A_1053 = arith.constant 16 : index
          %get3A_1054 = tpu.vector_load %arg15[%get3A_1052, %get3A_1053] {strides = array<i32>} : memref<80x64xi32, #tpu.memory_space<vmem>>, vector<16xi32>,
          %get3A_1055 = arith.index_cast %add3A_1039 : i32 to index
          %get3A_1056 = arith.constant 16 : index
          %get3A_1057 = tpu.vector_load %arg16[%get3A_1055, %get3A_1056] {strides = array<i32>} : memref<80x64xi32, #tpu.memory_space<vmem>>, vector<16xi32>,
          %get3A_1058 = arith.index_cast %add3A_1039 : i32 to index
          %get3A_1059 = arith.constant 32 : index
          %get3A_1060 = tpu.vector_load %arg14[%get3A_1058, %get3A_1059] {strides = array<i32>} : memref<80x64xi32, #tpu.memory_space<vmem>>, vector<16xi32>,
          %get3A_1061 = arith.index_cast %add3A_1039 : i32 to index
          %get3A_1062 = arith.constant 32 : index
          %get3A_1063 = tpu.vector_load %arg15[%get3A_1061, %get3A_1062] {strides = array<i32>} : memref<80x64xi32, #tpu.memory_space<vmem>>, vector<16xi32>,
          %get3A_1064 = arith.index_cast %add3A_1039 : i32 to index
          %get3A_1065 = arith.constant 32 : index
          %get3A_1066 = tpu.vector_load %arg16[%get3A_1064, %get3A_1065] {strides = array<i32>} : memref<80x64xi32, #tpu.memory_space<vmem>>, vector<16xi32>,
          %get3A_1067 = arith.index_cast %add3A_1039 : i32 to index
          %get3A_1068 = arith.constant 48 : index
          %get3A_1069 = tpu.vector_load %arg14[%get3A_1067, %get3A_1068] {strides = array<i32>} : memref<80x64xi32, #tpu.memory_space<vmem>>, vector<16xi32>,
          %get3A_1070 = arith.index_cast %add3A_1039 : i32 to index
          %get3A_1071 = arith.constant 48 : index
          %get3A_1072 = tpu.vector_load %arg15[%get3A_1070, %get3A_1071] {strides = array<i32>} : memref<80x64xi32, #tpu.memory_space<vmem>>, vector<16xi32>,
          %get3A_1073 = arith.index_cast %add3A_1039 : i32 to index
          %get3A_1074 = arith.constant 48 : index
          %get3A_1075 = tpu.vector_load %arg16[%get3A_1073, %get3A_1074] {strides = array<i32>} : memref<80x64xi32, #tpu.memory_space<vmem>>, vector<16xi32>,
          %bitcast3A_1076 = vector.bitcast %get3A_973 : vector<16xi32> to vector<32xbf16>
          %bitcast3A_1077 = vector.bitcast %get3A_976 : vector<16xi32> to vector<32xbf16>
          %mul3A_1078 = arith.mulf %bitcast3A_1076, %bitcast3A_1077 : vector<32xbf16>
          %bitcast3A_1079 = vector.bitcast %get3A_979 : vector<16xi32> to vector<32xbf16>
          %mul3A_1080 = arith.mulf %mul3A_1078, %bitcast3A_1079 : vector<32xbf16>
          %bitcast3A_1081 = vector.bitcast %get3A_982 : vector<16xi32> to vector<32xbf16>
          %bitcast3A_1082 = vector.bitcast %get3A_985 : vector<16xi32> to vector<32xbf16>
          %mul3A_1083 = arith.mulf %bitcast3A_1081, %bitcast3A_1082 : vector<32xbf16>
          %bitcast3A_1084 = vector.bitcast %get3A_988 : vector<16xi32> to vector<32xbf16>
          %mul3A_1085 = arith.mulf %mul3A_1083, %bitcast3A_1084 : vector<32xbf16>
          %bitcast3A_1086 = vector.bitcast %get3A_991 : vector<16xi32> to vector<32xbf16>
          %bitcast3A_1087 = vector.bitcast %get3A_994 : vector<16xi32> to vector<32xbf16>
          %mul3A_1088 = arith.mulf %bitcast3A_1086, %bitcast3A_1087 : vector<32xbf16>
          %bitcast3A_1089 = vector.bitcast %get3A_997 : vector<16xi32> to vector<32xbf16>
          %mul3A_1090 = arith.mulf %mul3A_1088, %bitcast3A_1089 : vector<32xbf16>
          %bitcast3A_1091 = vector.bitcast %get3A_1000 : vector<16xi32> to vector<32xbf16>
          %bitcast3A_1092 = vector.bitcast %get3A_1003 : vector<16xi32> to vector<32xbf16>
          %mul3A_1093 = arith.mulf %bitcast3A_1091, %bitcast3A_1092 : vector<32xbf16>
          %bitcast3A_1094 = vector.bitcast %get3A_1006 : vector<16xi32> to vector<32xbf16>
          %mul3A_1095 = arith.mulf %mul3A_1093, %bitcast3A_1094 : vector<32xbf16>
          %add3A_1096 = arith.addf %mul3A_1080, %mul3A_1085 : vector<32xbf16>
          %add3A_1097 = arith.addf %mul3A_1090, %mul3A_1095 : vector<32xbf16>
          %add3A_1098 = arith.addf %add3A_1096, %add3A_1097 : vector<32xbf16>
          %add3A_1099 = arith.constant 12 : i32
          %add3A_1100 = vector.broadcast %add3A_1099 : i32 to vector<16xi32>
          %add3A_1101 = arith.addi %mul3A_5, %add3A_1100 : vector<16xi32>
          %bitcast3A_1102 = vector.bitcast %add3A_1098 : vector<32xbf16> to vector<16xi32>
          tpu.vector_store_idx %arg18[%add3A_1101], %bitcast3A_1102 : memref<272xi32, #tpu.memory_space<vmem>>[vector<16xi32>], vector<16xi32>,
          %mul3A_1103 = arith.constant 16 : i32
          %mul3A_1104 = arith.muli %scan3A_194, %mul3A_1103 : i32
          %add3A_1105 = arith.constant 13 : i32
          %add3A_1106 = arith.addi %mul3A_1104, %add3A_1105 : i32
          %add3A_1107 = arith.constant 1 : i32
          %add3A_1108 = arith.addi %add3A_1106, %add3A_1107 : i32
          %get3A_1109 = arith.index_cast %add3A_1108 : i32 to index
          %get3A_1110 = arith.constant 0 : index
          %get3A_1111 = tpu.vector_load %arg14[%get3A_1109, %get3A_1110] {strides = array<i32>} : memref<80x64xi32, #tpu.memory_space<vmem>>, vector<16xi32>,
          %get3A_1112 = arith.index_cast %add3A_1108 : i32 to index
          %get3A_1113 = arith.constant 0 : index
          %get3A_1114 = tpu.vector_load %arg15[%get3A_1112, %get3A_1113] {strides = array<i32>} : memref<80x64xi32, #tpu.memory_space<vmem>>, vector<16xi32>,
          %get3A_1115 = arith.index_cast %add3A_1108 : i32 to index
          %get3A_1116 = arith.constant 0 : index
          %get3A_1117 = tpu.vector_load %arg16[%get3A_1115, %get3A_1116] {strides = array<i32>} : memref<80x64xi32, #tpu.memory_space<vmem>>, vector<16xi32>,
          %get3A_1118 = arith.index_cast %add3A_1108 : i32 to index
          %get3A_1119 = arith.constant 16 : index
          %get3A_1120 = tpu.vector_load %arg14[%get3A_1118, %get3A_1119] {strides = array<i32>} : memref<80x64xi32, #tpu.memory_space<vmem>>, vector<16xi32>,
          %get3A_1121 = arith.index_cast %add3A_1108 : i32 to index
          %get3A_1122 = arith.constant 16 : index
          %get3A_1123 = tpu.vector_load %arg15[%get3A_1121, %get3A_1122] {strides = array<i32>} : memref<80x64xi32, #tpu.memory_space<vmem>>, vector<16xi32>,
          %get3A_1124 = arith.index_cast %add3A_1108 : i32 to index
          %get3A_1125 = arith.constant 16 : index
          %get3A_1126 = tpu.vector_load %arg16[%get3A_1124, %get3A_1125] {strides = array<i32>} : memref<80x64xi32, #tpu.memory_space<vmem>>, vector<16xi32>,
          %get3A_1127 = arith.index_cast %add3A_1108 : i32 to index
          %get3A_1128 = arith.constant 32 : index
          %get3A_1129 = tpu.vector_load %arg14[%get3A_1127, %get3A_1128] {strides = array<i32>} : memref<80x64xi32, #tpu.memory_space<vmem>>, vector<16xi32>,
          %get3A_1130 = arith.index_cast %add3A_1108 : i32 to index
          %get3A_1131 = arith.constant 32 : index
          %get3A_1132 = tpu.vector_load %arg15[%get3A_1130, %get3A_1131] {strides = array<i32>} : memref<80x64xi32, #tpu.memory_space<vmem>>, vector<16xi32>,
          %get3A_1133 = arith.index_cast %add3A_1108 : i32 to index
          %get3A_1134 = arith.constant 32 : index
          %get3A_1135 = tpu.vector_load %arg16[%get3A_1133, %get3A_1134] {strides = array<i32>} : memref<80x64xi32, #tpu.memory_space<vmem>>, vector<16xi32>,
          %get3A_1136 = arith.index_cast %add3A_1108 : i32 to index
          %get3A_1137 = arith.constant 48 : index
          %get3A_1138 = tpu.vector_load %arg14[%get3A_1136, %get3A_1137] {strides = array<i32>} : memref<80x64xi32, #tpu.memory_space<vmem>>, vector<16xi32>,
          %get3A_1139 = arith.index_cast %add3A_1108 : i32 to index
          %get3A_1140 = arith.constant 48 : index
          %get3A_1141 = tpu.vector_load %arg15[%get3A_1139, %get3A_1140] {strides = array<i32>} : memref<80x64xi32, #tpu.memory_space<vmem>>, vector<16xi32>,
          %get3A_1142 = arith.index_cast %add3A_1108 : i32 to index
          %get3A_1143 = arith.constant 48 : index
          %get3A_1144 = tpu.vector_load %arg16[%get3A_1142, %get3A_1143] {strides = array<i32>} : memref<80x64xi32, #tpu.memory_space<vmem>>, vector<16xi32>,
          %bitcast3A_1145 = vector.bitcast %get3A_1042 : vector<16xi32> to vector<32xbf16>
          %bitcast3A_1146 = vector.bitcast %get3A_1045 : vector<16xi32> to vector<32xbf16>
          %mul3A_1147 = arith.mulf %bitcast3A_1145, %bitcast3A_1146 : vector<32xbf16>
          %bitcast3A_1148 = vector.bitcast %get3A_1048 : vector<16xi32> to vector<32xbf16>
          %mul3A_1149 = arith.mulf %mul3A_1147, %bitcast3A_1148 : vector<32xbf16>
          %bitcast3A_1150 = vector.bitcast %get3A_1051 : vector<16xi32> to vector<32xbf16>
          %bitcast3A_1151 = vector.bitcast %get3A_1054 : vector<16xi32> to vector<32xbf16>
          %mul3A_1152 = arith.mulf %bitcast3A_1150, %bitcast3A_1151 : vector<32xbf16>
          %bitcast3A_1153 = vector.bitcast %get3A_1057 : vector<16xi32> to vector<32xbf16>
          %mul3A_1154 = arith.mulf %mul3A_1152, %bitcast3A_1153 : vector<32xbf16>
          %bitcast3A_1155 = vector.bitcast %get3A_1060 : vector<16xi32> to vector<32xbf16>
          %bitcast3A_1156 = vector.bitcast %get3A_1063 : vector<16xi32> to vector<32xbf16>
          %mul3A_1157 = arith.mulf %bitcast3A_1155, %bitcast3A_1156 : vector<32xbf16>
          %bitcast3A_1158 = vector.bitcast %get3A_1066 : vector<16xi32> to vector<32xbf16>
          %mul3A_1159 = arith.mulf %mul3A_1157, %bitcast3A_1158 : vector<32xbf16>
          %bitcast3A_1160 = vector.bitcast %get3A_1069 : vector<16xi32> to vector<32xbf16>
          %bitcast3A_1161 = vector.bitcast %get3A_1072 : vector<16xi32> to vector<32xbf16>
          %mul3A_1162 = arith.mulf %bitcast3A_1160, %bitcast3A_1161 : vector<32xbf16>
          %bitcast3A_1163 = vector.bitcast %get3A_1075 : vector<16xi32> to vector<32xbf16>
          %mul3A_1164 = arith.mulf %mul3A_1162, %bitcast3A_1163 : vector<32xbf16>
          %add3A_1165 = arith.addf %mul3A_1149, %mul3A_1154 : vector<32xbf16>
          %add3A_1166 = arith.addf %mul3A_1159, %mul3A_1164 : vector<32xbf16>
          %add3A_1167 = arith.addf %add3A_1165, %add3A_1166 : vector<32xbf16>
          %add3A_1168 = arith.constant 13 : i32
          %add3A_1169 = vector.broadcast %add3A_1168 : i32 to vector<16xi32>
          %add3A_1170 = arith.addi %mul3A_5, %add3A_1169 : vector<16xi32>
          %bitcast3A_1171 = vector.bitcast %add3A_1167 : vector<32xbf16> to vector<16xi32>
          tpu.vector_store_idx %arg18[%add3A_1170], %bitcast3A_1171 : memref<272xi32, #tpu.memory_space<vmem>>[vector<16xi32>], vector<16xi32>,
          %mul3A_1172 = arith.constant 16 : i32
          %mul3A_1173 = arith.muli %scan3A_194, %mul3A_1172 : i32
          %add3A_1174 = arith.constant 14 : i32
          %add3A_1175 = arith.addi %mul3A_1173, %add3A_1174 : i32
          %add3A_1176 = arith.constant 1 : i32
          %add3A_1177 = arith.addi %add3A_1175, %add3A_1176 : i32
          %get3A_1178 = arith.index_cast %add3A_1177 : i32 to index
          %get3A_1179 = arith.constant 0 : index
          %get3A_1180 = tpu.vector_load %arg14[%get3A_1178, %get3A_1179] {strides = array<i32>} : memref<80x64xi32, #tpu.memory_space<vmem>>, vector<16xi32>,
          %get3A_1181 = arith.index_cast %add3A_1177 : i32 to index
          %get3A_1182 = arith.constant 0 : index
          %get3A_1183 = tpu.vector_load %arg15[%get3A_1181, %get3A_1182] {strides = array<i32>} : memref<80x64xi32, #tpu.memory_space<vmem>>, vector<16xi32>,
          %get3A_1184 = arith.index_cast %add3A_1177 : i32 to index
          %get3A_1185 = arith.constant 0 : index
          %get3A_1186 = tpu.vector_load %arg16[%get3A_1184, %get3A_1185] {strides = array<i32>} : memref<80x64xi32, #tpu.memory_space<vmem>>, vector<16xi32>,
          %get3A_1187 = arith.index_cast %add3A_1177 : i32 to index
          %get3A_1188 = arith.constant 16 : index
          %get3A_1189 = tpu.vector_load %arg14[%get3A_1187, %get3A_1188] {strides = array<i32>} : memref<80x64xi32, #tpu.memory_space<vmem>>, vector<16xi32>,
          %get3A_1190 = arith.index_cast %add3A_1177 : i32 to index
          %get3A_1191 = arith.constant 16 : index
          %get3A_1192 = tpu.vector_load %arg15[%get3A_1190, %get3A_1191] {strides = array<i32>} : memref<80x64xi32, #tpu.memory_space<vmem>>, vector<16xi32>,
          %get3A_1193 = arith.index_cast %add3A_1177 : i32 to index
          %get3A_1194 = arith.constant 16 : index
          %get3A_1195 = tpu.vector_load %arg16[%get3A_1193, %get3A_1194] {strides = array<i32>} : memref<80x64xi32, #tpu.memory_space<vmem>>, vector<16xi32>,
          %get3A_1196 = arith.index_cast %add3A_1177 : i32 to index
          %get3A_1197 = arith.constant 32 : index
          %get3A_1198 = tpu.vector_load %arg14[%get3A_1196, %get3A_1197] {strides = array<i32>} : memref<80x64xi32, #tpu.memory_space<vmem>>, vector<16xi32>,
          %get3A_1199 = arith.index_cast %add3A_1177 : i32 to index
          %get3A_1200 = arith.constant 32 : index
          %get3A_1201 = tpu.vector_load %arg15[%get3A_1199, %get3A_1200] {strides = array<i32>} : memref<80x64xi32, #tpu.memory_space<vmem>>, vector<16xi32>,
          %get3A_1202 = arith.index_cast %add3A_1177 : i32 to index
          %get3A_1203 = arith.constant 32 : index
          %get3A_1204 = tpu.vector_load %arg16[%get3A_1202, %get3A_1203] {strides = array<i32>} : memref<80x64xi32, #tpu.memory_space<vmem>>, vector<16xi32>,
          %get3A_1205 = arith.index_cast %add3A_1177 : i32 to index
          %get3A_1206 = arith.constant 48 : index
          %get3A_1207 = tpu.vector_load %arg14[%get3A_1205, %get3A_1206] {strides = array<i32>} : memref<80x64xi32, #tpu.memory_space<vmem>>, vector<16xi32>,
          %get3A_1208 = arith.index_cast %add3A_1177 : i32 to index
          %get3A_1209 = arith.constant 48 : index
          %get3A_1210 = tpu.vector_load %arg15[%get3A_1208, %get3A_1209] {strides = array<i32>} : memref<80x64xi32, #tpu.memory_space<vmem>>, vector<16xi32>,
          %get3A_1211 = arith.index_cast %add3A_1177 : i32 to index
          %get3A_1212 = arith.constant 48 : index
          %get3A_1213 = tpu.vector_load %arg16[%get3A_1211, %get3A_1212] {strides = array<i32>} : memref<80x64xi32, #tpu.memory_space<vmem>>, vector<16xi32>,
          %bitcast3A_1214 = vector.bitcast %get3A_1111 : vector<16xi32> to vector<32xbf16>
          %bitcast3A_1215 = vector.bitcast %get3A_1114 : vector<16xi32> to vector<32xbf16>
          %mul3A_1216 = arith.mulf %bitcast3A_1214, %bitcast3A_1215 : vector<32xbf16>
          %bitcast3A_1217 = vector.bitcast %get3A_1117 : vector<16xi32> to vector<32xbf16>
          %mul3A_1218 = arith.mulf %mul3A_1216, %bitcast3A_1217 : vector<32xbf16>
          %bitcast3A_1219 = vector.bitcast %get3A_1120 : vector<16xi32> to vector<32xbf16>
          %bitcast3A_1220 = vector.bitcast %get3A_1123 : vector<16xi32> to vector<32xbf16>
          %mul3A_1221 = arith.mulf %bitcast3A_1219, %bitcast3A_1220 : vector<32xbf16>
          %bitcast3A_1222 = vector.bitcast %get3A_1126 : vector<16xi32> to vector<32xbf16>
          %mul3A_1223 = arith.mulf %mul3A_1221, %bitcast3A_1222 : vector<32xbf16>
          %bitcast3A_1224 = vector.bitcast %get3A_1129 : vector<16xi32> to vector<32xbf16>
          %bitcast3A_1225 = vector.bitcast %get3A_1132 : vector<16xi32> to vector<32xbf16>
          %mul3A_1226 = arith.mulf %bitcast3A_1224, %bitcast3A_1225 : vector<32xbf16>
          %bitcast3A_1227 = vector.bitcast %get3A_1135 : vector<16xi32> to vector<32xbf16>
          %mul3A_1228 = arith.mulf %mul3A_1226, %bitcast3A_1227 : vector<32xbf16>
          %bitcast3A_1229 = vector.bitcast %get3A_1138 : vector<16xi32> to vector<32xbf16>
          %bitcast3A_1230 = vector.bitcast %get3A_1141 : vector<16xi32> to vector<32xbf16>
          %mul3A_1231 = arith.mulf %bitcast3A_1229, %bitcast3A_1230 : vector<32xbf16>
          %bitcast3A_1232 = vector.bitcast %get3A_1144 : vector<16xi32> to vector<32xbf16>
          %mul3A_1233 = arith.mulf %mul3A_1231, %bitcast3A_1232 : vector<32xbf16>
          %add3A_1234 = arith.addf %mul3A_1218, %mul3A_1223 : vector<32xbf16>
          %add3A_1235 = arith.addf %mul3A_1228, %mul3A_1233 : vector<32xbf16>
          %add3A_1236 = arith.addf %add3A_1234, %add3A_1235 : vector<32xbf16>
          %add3A_1237 = arith.constant 14 : i32
          %add3A_1238 = vector.broadcast %add3A_1237 : i32 to vector<16xi32>
          %add3A_1239 = arith.addi %mul3A_5, %add3A_1238 : vector<16xi32>
          %bitcast3A_1240 = vector.bitcast %add3A_1236 : vector<32xbf16> to vector<16xi32>
          tpu.vector_store_idx %arg18[%add3A_1239], %bitcast3A_1240 : memref<272xi32, #tpu.memory_space<vmem>>[vector<16xi32>], vector<16xi32>,
          %bitcast3A_1241 = vector.bitcast %get3A_1180 : vector<16xi32> to vector<32xbf16>
          %bitcast3A_1242 = vector.bitcast %get3A_1183 : vector<16xi32> to vector<32xbf16>
          %mul3A_1243 = arith.mulf %bitcast3A_1241, %bitcast3A_1242 : vector<32xbf16>
          %bitcast3A_1244 = vector.bitcast %get3A_1186 : vector<16xi32> to vector<32xbf16>
          %mul3A_1245 = arith.mulf %mul3A_1243, %bitcast3A_1244 : vector<32xbf16>
          %bitcast3A_1246 = vector.bitcast %get3A_1189 : vector<16xi32> to vector<32xbf16>
          %bitcast3A_1247 = vector.bitcast %get3A_1192 : vector<16xi32> to vector<32xbf16>
          %mul3A_1248 = arith.mulf %bitcast3A_1246, %bitcast3A_1247 : vector<32xbf16>
          %bitcast3A_1249 = vector.bitcast %get3A_1195 : vector<16xi32> to vector<32xbf16>
          %mul3A_1250 = arith.mulf %mul3A_1248, %bitcast3A_1249 : vector<32xbf16>
          %bitcast3A_1251 = vector.bitcast %get3A_1198 : vector<16xi32> to vector<32xbf16>
          %bitcast3A_1252 = vector.bitcast %get3A_1201 : vector<16xi32> to vector<32xbf16>
          %mul3A_1253 = arith.mulf %bitcast3A_1251, %bitcast3A_1252 : vector<32xbf16>
          %bitcast3A_1254 = vector.bitcast %get3A_1204 : vector<16xi32> to vector<32xbf16>
          %mul3A_1255 = arith.mulf %mul3A_1253, %bitcast3A_1254 : vector<32xbf16>
          %bitcast3A_1256 = vector.bitcast %get3A_1207 : vector<16xi32> to vector<32xbf16>
          %bitcast3A_1257 = vector.bitcast %get3A_1210 : vector<16xi32> to vector<32xbf16>
          %mul3A_1258 = arith.mulf %bitcast3A_1256, %bitcast3A_1257 : vector<32xbf16>
          %bitcast3A_1259 = vector.bitcast %get3A_1213 : vector<16xi32> to vector<32xbf16>
          %mul3A_1260 = arith.mulf %mul3A_1258, %bitcast3A_1259 : vector<32xbf16>
          %add3A_1261 = arith.addf %mul3A_1245, %mul3A_1250 : vector<32xbf16>
          %add3A_1262 = arith.addf %mul3A_1255, %mul3A_1260 : vector<32xbf16>
          %add3A_1263 = arith.addf %add3A_1261, %add3A_1262 : vector<32xbf16>
          %add3A_1264 = arith.constant 15 : i32
          %add3A_1265 = vector.broadcast %add3A_1264 : i32 to vector<16xi32>
          %add3A_1266 = arith.addi %mul3A_5, %add3A_1265 : vector<16xi32>
          %bitcast3A_1267 = vector.bitcast %add3A_1263 : vector<32xbf16> to vector<16xi32>
          tpu.vector_store_idx %arg18[%add3A_1266], %bitcast3A_1267 : memref<272xi32, #tpu.memory_space<vmem>>[vector<16xi32>], vector<16xi32>,
          %add3A_1268 = arith.constant 1 : i32
          %add3A_1269 = arith.addi %scan3A_194, %add3A_1268 : i32
          %mul3A_1270 = arith.constant 16 : i32
          %mul3A_1271 = arith.muli %add3A_1269, %mul3A_1270 : i32
          %jit3A = arith.constant 80 : i32
          %eq3A = arith.constant 0 : i32
          %eq3A_1272 = arith.cmpi eq, %jit3A, %eq3A : i32
          %jit3A_1273 = arith.constant 1 : i32
          %select_n3A = arith.select %eq3A_1272, %jit3A_1273, %jit3A : i32
          %rem3A = arith.remsi %mul3A_1271, %select_n3A : i32
          %ne3A = arith.constant 0 : i32
          %ne3A_1274 = arith.cmpi ne, %rem3A, %ne3A : i32
          %lt3A_1275 = arith.constant 0 : i32
          %lt3A_1276 = arith.cmpi slt, %rem3A, %lt3A_1275 : i32
          %lt3A_1277 = arith.constant 0 : i32
          %lt3A_1278 = arith.cmpi slt, %select_n3A, %lt3A_1277 : i32
          %ne3A_1279 = arith.xori %lt3A_1276, %lt3A_1278 : i1
          %and3A = arith.andi %ne3A_1279, %ne3A_1274 : i1
          %add3A_1280 = arith.addi %rem3A, %select_n3A : i32
          %select_n3A_1281 = arith.select %and3A, %add3A_1280, %rem3A : i32
          %get3A_1282 = arith.index_cast %select_n3A_1281 : i32 to index
          %get3A_1283 = arith.constant 0 : index
          %get3A_1284 = tpu.vector_load %arg14[%get3A_1282, %get3A_1283] {strides = array<i32>} : memref<80x64xi32, #tpu.memory_space<vmem>>, vector<16xi32>,
          %get3A_1285 = arith.index_cast %select_n3A_1281 : i32 to index
          %get3A_1286 = arith.constant 0 : index
          %get3A_1287 = tpu.vector_load %arg15[%get3A_1285, %get3A_1286] {strides = array<i32>} : memref<80x64xi32, #tpu.memory_space<vmem>>, vector<16xi32>,
          %get3A_1288 = arith.index_cast %select_n3A_1281 : i32 to index
          %get3A_1289 = arith.constant 0 : index
          %get3A_1290 = tpu.vector_load %arg16[%get3A_1288, %get3A_1289] {strides = array<i32>} : memref<80x64xi32, #tpu.memory_space<vmem>>, vector<16xi32>,
          %get3A_1291 = arith.index_cast %select_n3A_1281 : i32 to index
          %get3A_1292 = arith.constant 16 : index
          %get3A_1293 = tpu.vector_load %arg14[%get3A_1291, %get3A_1292] {strides = array<i32>} : memref<80x64xi32, #tpu.memory_space<vmem>>, vector<16xi32>,
          %get3A_1294 = arith.index_cast %select_n3A_1281 : i32 to index
          %get3A_1295 = arith.constant 16 : index
          %get3A_1296 = tpu.vector_load %arg15[%get3A_1294, %get3A_1295] {strides = array<i32>} : memref<80x64xi32, #tpu.memory_space<vmem>>, vector<16xi32>,
          %get3A_1297 = arith.index_cast %select_n3A_1281 : i32 to index
          %get3A_1298 = arith.constant 16 : index
          %get3A_1299 = tpu.vector_load %arg16[%get3A_1297, %get3A_1298] {strides = array<i32>} : memref<80x64xi32, #tpu.memory_space<vmem>>, vector<16xi32>,
          %get3A_1300 = arith.index_cast %select_n3A_1281 : i32 to index
          %get3A_1301 = arith.constant 32 : index
          %get3A_1302 = tpu.vector_load %arg14[%get3A_1300, %get3A_1301] {strides = array<i32>} : memref<80x64xi32, #tpu.memory_space<vmem>>, vector<16xi32>,
          %get3A_1303 = arith.index_cast %select_n3A_1281 : i32 to index
          %get3A_1304 = arith.constant 32 : index
          %get3A_1305 = tpu.vector_load %arg15[%get3A_1303, %get3A_1304] {strides = array<i32>} : memref<80x64xi32, #tpu.memory_space<vmem>>, vector<16xi32>,
          %get3A_1306 = arith.index_cast %select_n3A_1281 : i32 to index
          %get3A_1307 = arith.constant 32 : index
          %get3A_1308 = tpu.vector_load %arg16[%get3A_1306, %get3A_1307] {strides = array<i32>} : memref<80x64xi32, #tpu.memory_space<vmem>>, vector<16xi32>,
          %get3A_1309 = arith.index_cast %select_n3A_1281 : i32 to index
          %get3A_1310 = arith.constant 48 : index
          %get3A_1311 = tpu.vector_load %arg14[%get3A_1309, %get3A_1310] {strides = array<i32>} : memref<80x64xi32, #tpu.memory_space<vmem>>, vector<16xi32>,
          %get3A_1312 = arith.index_cast %select_n3A_1281 : i32 to index
          %get3A_1313 = arith.constant 48 : index
          %get3A_1314 = tpu.vector_load %arg15[%get3A_1312, %get3A_1313] {strides = array<i32>} : memref<80x64xi32, #tpu.memory_space<vmem>>, vector<16xi32>,
          %get3A_1315 = arith.index_cast %select_n3A_1281 : i32 to index
          %get3A_1316 = arith.constant 48 : index
          %get3A_1317 = tpu.vector_load %arg16[%get3A_1315, %get3A_1316] {strides = array<i32>} : memref<80x64xi32, #tpu.memory_space<vmem>>, vector<16xi32>,
          %get3A_1318 = arith.constant 0 : index
          %get3A_1319 = tpu.vector_load %arg18[%get3A_1318] {strides = array<i32>} : memref<272xi32, #tpu.memory_space<vmem>>, vector<16xi32>,
          %bitcast3A_1320 = vector.bitcast %get3A_1319 : vector<16xi32> to vector<32xbf16>
          %get3A_1321 = arith.constant 17 : index
          %get3A_1322 = tpu.vector_load %arg18[%get3A_1321] {strides = array<i32>} : memref<272xi32, #tpu.memory_space<vmem>>, vector<16xi32>,
          %bitcast3A_1323 = vector.bitcast %get3A_1322 : vector<16xi32> to vector<32xbf16>
          %get3A_1324 = arith.constant 34 : index
          %get3A_1325 = tpu.vector_load %arg18[%get3A_1324] {strides = array<i32>} : memref<272xi32, #tpu.memory_space<vmem>>, vector<16xi32>,
          %bitcast3A_1326 = vector.bitcast %get3A_1325 : vector<16xi32> to vector<32xbf16>
          %get3A_1327 = arith.constant 51 : index
          %get3A_1328 = tpu.vector_load %arg18[%get3A_1327] {strides = array<i32>} : memref<272xi32, #tpu.memory_space<vmem>>, vector<16xi32>,
          %bitcast3A_1329 = vector.bitcast %get3A_1328 : vector<16xi32> to vector<32xbf16>
          %get3A_1330 = arith.constant 68 : index
          %get3A_1331 = tpu.vector_load %arg18[%get3A_1330] {strides = array<i32>} : memref<272xi32, #tpu.memory_space<vmem>>, vector<16xi32>,
          %bitcast3A_1332 = vector.bitcast %get3A_1331 : vector<16xi32> to vector<32xbf16>
          %get3A_1333 = arith.constant 85 : index
          %get3A_1334 = tpu.vector_load %arg18[%get3A_1333] {strides = array<i32>} : memref<272xi32, #tpu.memory_space<vmem>>, vector<16xi32>,
          %bitcast3A_1335 = vector.bitcast %get3A_1334 : vector<16xi32> to vector<32xbf16>
          %get3A_1336 = arith.constant 102 : index
          %get3A_1337 = tpu.vector_load %arg18[%get3A_1336] {strides = array<i32>} : memref<272xi32, #tpu.memory_space<vmem>>, vector<16xi32>,
          %bitcast3A_1338 = vector.bitcast %get3A_1337 : vector<16xi32> to vector<32xbf16>
          %get3A_1339 = arith.constant 119 : index
          %get3A_1340 = tpu.vector_load %arg18[%get3A_1339] {strides = array<i32>} : memref<272xi32, #tpu.memory_space<vmem>>, vector<16xi32>,
          %bitcast3A_1341 = vector.bitcast %get3A_1340 : vector<16xi32> to vector<32xbf16>
          %get3A_1342 = arith.constant 136 : index
          %get3A_1343 = tpu.vector_load %arg18[%get3A_1342] {strides = array<i32>} : memref<272xi32, #tpu.memory_space<vmem>>, vector<16xi32>,
          %bitcast3A_1344 = vector.bitcast %get3A_1343 : vector<16xi32> to vector<32xbf16>
          %get3A_1345 = arith.constant 153 : index
          %get3A_1346 = tpu.vector_load %arg18[%get3A_1345] {strides = array<i32>} : memref<272xi32, #tpu.memory_space<vmem>>, vector<16xi32>,
          %bitcast3A_1347 = vector.bitcast %get3A_1346 : vector<16xi32> to vector<32xbf16>
          %get3A_1348 = arith.constant 170 : index
          %get3A_1349 = tpu.vector_load %arg18[%get3A_1348] {strides = array<i32>} : memref<272xi32, #tpu.memory_space<vmem>>, vector<16xi32>,
          %bitcast3A_1350 = vector.bitcast %get3A_1349 : vector<16xi32> to vector<32xbf16>
          %get3A_1351 = arith.constant 187 : index
          %get3A_1352 = tpu.vector_load %arg18[%get3A_1351] {strides = array<i32>} : memref<272xi32, #tpu.memory_space<vmem>>, vector<16xi32>,
          %bitcast3A_1353 = vector.bitcast %get3A_1352 : vector<16xi32> to vector<32xbf16>
          %get3A_1354 = arith.constant 204 : index
          %get3A_1355 = tpu.vector_load %arg18[%get3A_1354] {strides = array<i32>} : memref<272xi32, #tpu.memory_space<vmem>>, vector<16xi32>,
          %bitcast3A_1356 = vector.bitcast %get3A_1355 : vector<16xi32> to vector<32xbf16>
          %get3A_1357 = arith.constant 221 : index
          %get3A_1358 = tpu.vector_load %arg18[%get3A_1357] {strides = array<i32>} : memref<272xi32, #tpu.memory_space<vmem>>, vector<16xi32>,
          %bitcast3A_1359 = vector.bitcast %get3A_1358 : vector<16xi32> to vector<32xbf16>
          %get3A_1360 = arith.constant 238 : index
          %get3A_1361 = tpu.vector_load %arg18[%get3A_1360] {strides = array<i32>} : memref<272xi32, #tpu.memory_space<vmem>>, vector<16xi32>,
          %bitcast3A_1362 = vector.bitcast %get3A_1361 : vector<16xi32> to vector<32xbf16>
          %get3A_1363 = arith.constant 255 : index
          %get3A_1364 = tpu.vector_load %arg18[%get3A_1363] {strides = array<i32>} : memref<272xi32, #tpu.memory_space<vmem>>, vector<16xi32>,
          %bitcast3A_1365 = vector.bitcast %get3A_1364 : vector<16xi32> to vector<32xbf16>
          %add3A_1366 = arith.addf %bitcast3A_1320, %bitcast3A_1323 : vector<32xbf16>
          %add3A_1367 = arith.addf %bitcast3A_1326, %bitcast3A_1329 : vector<32xbf16>
          %add3A_1368 = arith.addf %bitcast3A_1332, %bitcast3A_1335 : vector<32xbf16>
          %add3A_1369 = arith.addf %bitcast3A_1338, %bitcast3A_1341 : vector<32xbf16>
          %add3A_1370 = arith.addf %bitcast3A_1344, %bitcast3A_1347 : vector<32xbf16>
          %add3A_1371 = arith.addf %bitcast3A_1350, %bitcast3A_1353 : vector<32xbf16>
          %add3A_1372 = arith.addf %bitcast3A_1356, %bitcast3A_1359 : vector<32xbf16>
          %add3A_1373 = arith.addf %bitcast3A_1362, %bitcast3A_1365 : vector<32xbf16>
          %add3A_1374 = arith.addf %add3A_1366, %add3A_1367 : vector<32xbf16>
          %add3A_1375 = arith.addf %add3A_1368, %add3A_1369 : vector<32xbf16>
          %add3A_1376 = arith.addf %add3A_1370, %add3A_1371 : vector<32xbf16>
          %add3A_1377 = arith.addf %add3A_1372, %add3A_1373 : vector<32xbf16>
          %add3A_1378 = arith.addf %add3A_1374, %add3A_1375 : vector<32xbf16>
          %add3A_1379 = arith.addf %add3A_1376, %add3A_1377 : vector<32xbf16>
          %add3A_1380 = arith.addf %add3A_1378, %add3A_1379 : vector<32xbf16>
          %unpack3A = tpu.unpack_subelements %add3A_1380, 0 {pack_format = #tpu.pack_format<interleaved>} : vector<32xbf16> -> vector<16xf32>
          %unpack3A_1381 = tpu.unpack_subelements %add3A_1380, 1 {pack_format = #tpu.pack_format<interleaved>} : vector<32xbf16> -> vector<16xf32>
          %add3A_1382 = arith.addf %unpack3A, %unpack3A_1381 : vector<16xf32>
          %mul3A_1383 = arith.constant 16 : i32
          %mul3A_1384 = arith.muli %scan3A_194, %mul3A_1383 : i32
          %add3A_1385 = arith.addi %mul3A_139, %mul3A_1384 : i32
          %swap3A = arith.index_cast %add3A_1385 : i32 to index
          %swap3A_1386 = tpu.vector_load %arg17[%swap3A] {strides = array<i32>} : memref<10000xf32, #tpu.memory_space<vmem>>, vector<16xf32>,
          tpu.vector_store %arg17[%swap3A], %add3A_1382 {strides = array<i32>} : memref<10000xf32, #tpu.memory_space<vmem>>, vector<16xf32>,
          scf.yield %get3A_1284, %get3A_1287, %get3A_1290, %get3A_1293, %get3A_1296, %get3A_1299, %get3A_1302, %get3A_1305, %get3A_1308, %get3A_1311, %get3A_1314, %get3A_1317 : vector<16xi32>, vector<16xi32>, vector<16xi32>, vector<16xi32>, vector<16xi32>, vector<16xi32>, vector<16xi32>, vector<16xi32>, vector<16xi32>, vector<16xi32>, vector<16xi32>, vector<16xi32>
        }
        %scan3A_193 = arith.constant 5 : i32
      } else {
      }
    }
    %scan3A_24 = arith.constant 63 : i32
    %scan3A_25 = arith.constant 0 : i32
    %scan3A_26 = arith.constant 0 : i32
    %scan3A_27 = arith.constant 125 : i32
    %scan3A_28 = arith.addi %scan3A_26, %scan3A_27 : i32
    %scan3A_29 = arith.constant 1 : i32
    scf.for %scan3A_31 = %scan3A_26 to %scan3A_28 step %scan3A_29  : i32 {
      %mul3A_32 = arith.constant 80 : i32
      %mul3A_33 = arith.muli %scan3A_31, %mul3A_32 : i32
      %add3A_34 = arith.constant 0 : i32
      %add3A_35 = arith.addi %mul3A_33, %add3A_34 : i32
      %get3A = arith.index_cast %add3A_35 : i32 to index
      %get3A_36 = tpu.vector_load %arg17[%get3A] {strides = array<i32>} : memref<10000xf32, #tpu.memory_space<vmem>>, vector<16xf32>,
      %neg3A = arith.constant 0.000000e+00 : f32
      %neg3A_37 = vector.broadcast %neg3A : f32 to vector<16xf32>
      %neg3A_38 = arith.subf %neg3A_37, %get3A_36 : vector<16xf32>
      %exp3A = math.exp %neg3A_38 : vector<16xf32>
      %add3A_39 = arith.constant 1.000000e+00 : f32
      %add3A_40 = vector.broadcast %add3A_39 : f32 to vector<16xf32>
      %add3A_41 = arith.addf %add3A_40, %exp3A : vector<16xf32>
      %div3A = arith.constant 1.000000e+00 : f32
      %div3A_42 = vector.broadcast %div3A : f32 to vector<16xf32>
      %div3A_43 = arith.divf %div3A_42, %add3A_41 : vector<16xf32>
      %swap3A = arith.index_cast %add3A_35 : i32 to index
      %swap3A_44 = tpu.vector_load %arg17[%swap3A] {strides = array<i32>} : memref<10000xf32, #tpu.memory_space<vmem>>, vector<16xf32>,
      tpu.vector_store %arg17[%swap3A], %div3A_43 {strides = array<i32>} : memref<10000xf32, #tpu.memory_space<vmem>>, vector<16xf32>,
      %add3A_45 = arith.constant 16 : i32
      %add3A_46 = arith.addi %mul3A_33, %add3A_45 : i32
      %get3A_47 = arith.index_cast %add3A_46 : i32 to index
      %get3A_48 = tpu.vector_load %arg17[%get3A_47] {strides = array<i32>} : memref<10000xf32, #tpu.memory_space<vmem>>, vector<16xf32>,
      %neg3A_49 = arith.constant 0.000000e+00 : f32
      %neg3A_50 = vector.broadcast %neg3A_49 : f32 to vector<16xf32>
      %neg3A_51 = arith.subf %neg3A_50, %get3A_48 : vector<16xf32>
      %exp3A_52 = math.exp %neg3A_51 : vector<16xf32>
      %add3A_53 = arith.constant 1.000000e+00 : f32
      %add3A_54 = vector.broadcast %add3A_53 : f32 to vector<16xf32>
      %add3A_55 = arith.addf %add3A_54, %exp3A_52 : vector<16xf32>
      %div3A_56 = arith.constant 1.000000e+00 : f32
      %div3A_57 = vector.broadcast %div3A_56 : f32 to vector<16xf32>
      %div3A_58 = arith.divf %div3A_57, %add3A_55 : vector<16xf32>
      %swap3A_59 = arith.index_cast %add3A_46 : i32 to index
      %swap3A_60 = tpu.vector_load %arg17[%swap3A_59] {strides = array<i32>} : memref<10000xf32, #tpu.memory_space<vmem>>, vector<16xf32>,
      tpu.vector_store %arg17[%swap3A_59], %div3A_58 {strides = array<i32>} : memref<10000xf32, #tpu.memory_space<vmem>>, vector<16xf32>,
      %add3A_61 = arith.constant 32 : i32
      %add3A_62 = arith.addi %mul3A_33, %add3A_61 : i32
      %get3A_63 = arith.index_cast %add3A_62 : i32 to index
      %get3A_64 = tpu.vector_load %arg17[%get3A_63] {strides = array<i32>} : memref<10000xf32, #tpu.memory_space<vmem>>, vector<16xf32>,
      %neg3A_65 = arith.constant 0.000000e+00 : f32
      %neg3A_66 = vector.broadcast %neg3A_65 : f32 to vector<16xf32>
      %neg3A_67 = arith.subf %neg3A_66, %get3A_64 : vector<16xf32>
      %exp3A_68 = math.exp %neg3A_67 : vector<16xf32>
      %add3A_69 = arith.constant 1.000000e+00 : f32
      %add3A_70 = vector.broadcast %add3A_69 : f32 to vector<16xf32>
      %add3A_71 = arith.addf %add3A_70, %exp3A_68 : vector<16xf32>
      %div3A_72 = arith.constant 1.000000e+00 : f32
      %div3A_73 = vector.broadcast %div3A_72 : f32 to vector<16xf32>
      %div3A_74 = arith.divf %div3A_73, %add3A_71 : vector<16xf32>
      %swap3A_75 = arith.index_cast %add3A_62 : i32 to index
      %swap3A_76 = tpu.vector_load %arg17[%swap3A_75] {strides = array<i32>} : memref<10000xf32, #tpu.memory_space<vmem>>, vector<16xf32>,
      tpu.vector_store %arg17[%swap3A_75], %div3A_74 {strides = array<i32>} : memref<10000xf32, #tpu.memory_space<vmem>>, vector<16xf32>,
      %add3A_77 = arith.constant 48 : i32
      %add3A_78 = arith.addi %mul3A_33, %add3A_77 : i32
      %get3A_79 = arith.index_cast %add3A_78 : i32 to index
      %get3A_80 = tpu.vector_load %arg17[%get3A_79] {strides = array<i32>} : memref<10000xf32, #tpu.memory_space<vmem>>, vector<16xf32>,
      %neg3A_81 = arith.constant 0.000000e+00 : f32
      %neg3A_82 = vector.broadcast %neg3A_81 : f32 to vector<16xf32>
      %neg3A_83 = arith.subf %neg3A_82, %get3A_80 : vector<16xf32>
      %exp3A_84 = math.exp %neg3A_83 : vector<16xf32>
      %add3A_85 = arith.constant 1.000000e+00 : f32
      %add3A_86 = vector.broadcast %add3A_85 : f32 to vector<16xf32>
      %add3A_87 = arith.addf %add3A_86, %exp3A_84 : vector<16xf32>
      %div3A_88 = arith.constant 1.000000e+00 : f32
      %div3A_89 = vector.broadcast %div3A_88 : f32 to vector<16xf32>
      %div3A_90 = arith.divf %div3A_89, %add3A_87 : vector<16xf32>
      %swap3A_91 = arith.index_cast %add3A_78 : i32 to index
      %swap3A_92 = tpu.vector_load %arg17[%swap3A_91] {strides = array<i32>} : memref<10000xf32, #tpu.memory_space<vmem>>, vector<16xf32>,
      tpu.vector_store %arg17[%swap3A_91], %div3A_90 {strides = array<i32>} : memref<10000xf32, #tpu.memory_space<vmem>>, vector<16xf32>,
      %add3A_93 = arith.constant 64 : i32
      %add3A_94 = arith.addi %mul3A_33, %add3A_93 : i32
      %get3A_95 = arith.index_cast %add3A_94 : i32 to index
      %get3A_96 = tpu.vector_load %arg17[%get3A_95] {strides = array<i32>} : memref<10000xf32, #tpu.memory_space<vmem>>, vector<16xf32>,
      %neg3A_97 = arith.constant 0.000000e+00 : f32
      %neg3A_98 = vector.broadcast %neg3A_97 : f32 to vector<16xf32>
      %neg3A_99 = arith.subf %neg3A_98, %get3A_96 : vector<16xf32>
      %exp3A_100 = math.exp %neg3A_99 : vector<16xf32>
      %add3A_101 = arith.constant 1.000000e+00 : f32
      %add3A_102 = vector.broadcast %add3A_101 : f32 to vector<16xf32>
      %add3A_103 = arith.addf %add3A_102, %exp3A_100 : vector<16xf32>
      %div3A_104 = arith.constant 1.000000e+00 : f32
      %div3A_105 = vector.broadcast %div3A_104 : f32 to vector<16xf32>
      %div3A_106 = arith.divf %div3A_105, %add3A_103 : vector<16xf32>
      %swap3A_107 = arith.index_cast %add3A_94 : i32 to index
      %swap3A_108 = tpu.vector_load %arg17[%swap3A_107] {strides = array<i32>} : memref<10000xf32, #tpu.memory_space<vmem>>, vector<16xf32>,
      tpu.vector_store %arg17[%swap3A_107], %div3A_106 {strides = array<i32>} : memref<10000xf32, #tpu.memory_space<vmem>>, vector<16xf32>,
    }
    %scan3A_30 = arith.constant 125 : i32
    "tpu.region"() ({
      %run_scoped3A = tpu.sem_alloc : memref<!tpu.dma_semaphore, #tpu.memory_space<semaphore_mem>>
      %dma_start3A_31 = tpu.memref_slice %arg7[%mul3A_2] : memref<320000xf32, #tpu.memory_space<hbm>> -> memref<10000xf32, #tpu.memory_space<hbm>>
      %dma_start3A_32 = tpu.memref_slice %arg7[%mul3A_2] : memref<320000xf32, #tpu.memory_space<hbm>> -> memref<10000xf32, #tpu.memory_space<hbm>>
      tpu.enqueue_dma source(%arg17 : memref<10000xf32, #tpu.memory_space<vmem>>) target(%dma_start3A_32 : memref<10000xf32, #tpu.memory_space<hbm>>) target_semaphore(%run_scoped3A : memref<!tpu.dma_semaphore, #tpu.memory_space<semaphore_mem>>)
      %dma_wait3A = tpu.memref_slice %arg7[%mul3A_2] : memref<320000xf32, #tpu.memory_space<hbm>> -> memref<10000xf32, #tpu.memory_space<hbm>>
      %dma_wait3A_33 = tpu.memref_slice %arg7[%mul3A_2] : memref<320000xf32, #tpu.memory_space<hbm>> -> memref<10000xf32, #tpu.memory_space<hbm>>
      tpu.wait_dma2 semaphore(%run_scoped3A : memref<!tpu.dma_semaphore, #tpu.memory_space<semaphore_mem>>) src(%arg17 : memref<10000xf32, #tpu.memory_space<vmem>>) dst(%dma_wait3A_33 : memref<10000xf32, #tpu.memory_space<hbm>>)
      tpu.yield
    }) : () -> ()
    return
  }
}

</mosaic_0001>

<sc_bundles>
// kernel: kernel.3.cloned.1.call-start
scs
__scs_entry_jumppad:
0x0: {  	(pc) =	sbr.rel $0x88, $3  }
0x1: {  	(tag) =	ssettag $0x0;
	lr =	simm.s32 $0x1  }
0x2: {  	[smem:$0x3F9D] =	sst lr;
	_ =	strace $0xD0000000  }
0x3: {  	_ = 	snop  }
0x4: {  	_ = 	snop  }
0x5: {  	_ = 	snop  }
0x6: {  	_ = 	snop  }
0x7: {  	_ = 	snop  }
__scs_overlays_trampoline_lowered:
0x8: {  	[smem:$0x3FAC] =	sst s0  }
0x9: {  	[smem:$0x3FAD] =	sst s1  }
0xa: {  	[smem:$0x3FAE] =	sst s2  }
0xb: {  	[smem:$0x3FAF] =	sst s3  }
0xc: {  	[smem:$0x3FB0] =	sst s4  }
0xd: {  	[smem:$0x3FB1] =	sst s5  }
0xe: {  	[smem:$0x3FB2] =	sst s6  }
0xf: {  	[smem:$0x3FB3] =	sst s7  }
0x10: {  	[smem:$0x3FB4] =	sst s8  }
0x11: {  	[smem:$0x3FB5] =	sst s9;
	s0 =	simm.s32 @!p0 $0x0  }
0x12: {  	s1 =	sld [smem:$0x3F9B];
	s0 =	simm.s32 @p0 $0x1  }
0x13: {  	[smem:$0x3FB6] =	sst s0;
	s0 =	simm.s32 @!p1 $0x0  }
0x14: {  	s2 =	sld [smem:$0x3F9A];
	s0 =	simm.s32 @p1 $0x1  }
0x15: {  	[smem:$0x3FB7] =	sst s0;
	s0 =	simm.s32 @!p2 $0x0  }
0x16: {  	s3 =	sld [smem:$0x3FDB];
	s0 =	simm.s32 @p2 $0x1  }
0x17: {  	s4 =	simm.s32 $0x1BF5;
	[smem:$0x3FB9] =	sst s0  }
0x18: {  	s0 =	sld [smem:$0x3F9C];
	_ =	swait.ge [sflag:s4], $0x0  }
0x19: {  	s7 =	sld [smem:$0x3F9D]  }
0x1a: {  	s8 =	sadd.s32 $0xFFFFE003, lr  }
0x1b: {  	s9 =	sadd.s32 $0xFFFFFEF7, lr;
	s5 =	simm.s32 $0xFFFFFFFF;
	p2 =	slt.u32 s8, $0xFFFFF086  }
0x1c: {  	p1 =	slt.u32 s9, $0xF7A;
	s5 =	simm.s32 @!p2 $0x0  }
0x1d: {  	s5 =	simm.s32 @p1 $0x1;
	p0 =	seq.s32 s7, s2  }
0x1e: {  	s7 =	smul.u32 @!p0 $0xF7A, s2;
	p2 =	seq.s32 @!p0 s5, $0x0  }
0x1f: {  	s9 =	smul.u32 $0xF7A, s1;
	s8 =	simm.s32 @!p0 $0x1BF5;
	p2 =	por !p2, p0  }
0x20: {  	[sflag:s8] =	ssyncset.s32 @!p0 $0xFFFFF086;
	s6 =	sadd.s32 @!p0 s3, s7;
	s7 =	simm.s32 @!p0 $0x108  }
0x21: {  	s3 =	sadd.s32 s3, s9;
	s6 =	sadd.s32 @!p0 $0x88, s6;
	s7 =	simm.s32 @p2 $0x1082  }
0x22: {  	[simem:s7], [sflag:s8] =	dma.local @!p0 [hbm:s6], $0xF7A  }
0x23: {  	s9 =	sor.u32 $0xD0000000, s2;
	s6 =	simm.s32 $0x108;
	_ =	swait.ge @!p0 [sflag:s8], $0x0  }
0x24: {  	s3 =	sadd.s32 $0x88, s3;
	s6 =	simm.s32 @!p1 $0x1082;
	[sflag:s4] =	ssyncset.s32 $0xFFFFF086  }
0x25: {  	[simem:s6], [sflag:s4] =	dma.local [hbm:s3], $0xF7A  }
0x26: {  	[smem:$0x3F9D] =	sst s1;
	(tag) =	ssettag s2;
	_ =	strace s9  }
0x27: {  	s1 =	sld [smem:$0x3FAD]  }
0x28: {  	s2 =	sld [smem:$0x3FAE]  }
0x29: {  	s4 =	sld [smem:$0x3FB0]  }
0x2a: {  	p0 =	seq.s32 s5, $0x0;
	s5 =	sld [smem:$0x3FB1]  }
0x2b: {  	s6 =	sld [smem:$0x3FB2]  }
0x2c: {  	s7 =	sld [smem:$0x3FB3]  }
0x2d: {  	s3 =	simm.s32 $0x108;
	s8 =	sld [smem:$0x3FB4]  }
0x2e: {  	s3 =	simm.s32 @!p0 $0x1082;
	s9 =	sld [smem:$0x3FB5]  }
0x2f: {  	lr =	sadd.s32 s0, s3;
	s0 =	sld [smem:$0x3FAC]  }
0x30: {  	s3 =	sld [smem:$0x3FAF]  }
0x31: {  	[smem:$0x3FB8] =	sst s10  }
0x32: {  	s10 =	sld [smem:$0x3FB6];
	_ =	sdelay $0x3  }
0x33: {  	p0 =	seq.s32 s10, $0x1;
	s10 =	sld [smem:$0x3FB8];
	_ =	sdelay $0x3  }
0x34: {  	[smem:$0x3FB8] =	sst s10  }
0x35: {  	s10 =	sld [smem:$0x3FB7];
	_ =	sdelay $0x3  }
0x36: {  	p1 =	seq.s32 s10, $0x1;
	s10 =	sld [smem:$0x3FB8];
	_ =	sdelay $0x3  }
0x37: {  	[smem:$0x3FB8] =	sst s10  }
0x38: {  	s10 =	sld [smem:$0x3FB9]  }
0x39: {  	_ = 	snop;
	(pc) =	sbr.ind lr, $3  }
0x3a: {  	_ = 	snop  }
0x3b: {  	_ = 	snop  }
0x3c: {  	p2 =	seq.s32 s10, $0x1;
	s10 =	sld [smem:$0x3FB8]  }
0x3d: {  	_ =	shalt  }
0x3e: {  	_ =	shalt  }
0x3f: {  	_ =	shalt  }
0x40: {  	_ =	shalt  }
0x41: {  	_ =	shalt  }
0x42: {  	_ =	shalt  }
0x43: {  	_ =	shalt  }
0x44: {  	_ =	shalt  }
0x45: {  	_ =	shalt  }
0x46: {  	_ =	shalt  }
0x47: {  	_ =	shalt  }
0x48: {  	_ =	shalt  }
0x49: {  	_ =	shalt  }
0x4a: {  	_ =	shalt  }
0x4b: {  	_ =	shalt  }
0x4c: {  	_ =	shalt  }
0x4d: {  	_ =	shalt  }
0x4e: {  	_ =	shalt  }
0x4f: {  	_ =	shalt  }
0x50: {  	_ =	shalt  }
0x51: {  	_ =	shalt  }
0x52: {  	_ =	shalt  }
0x53: {  	_ =	shalt  }
0x54: {  	_ =	shalt  }
0x55: {  	_ =	shalt  }
0x56: {  	_ =	shalt  }
0x57: {  	_ =	shalt  }
0x58: {  	_ =	shalt  }
0x59: {  	_ =	shalt  }
0x5a: {  	_ =	shalt  }
0x5b: {  	_ =	shalt  }
0x5c: {  	_ =	shalt  }
0x5d: {  	_ =	shalt  }
0x5e: {  	_ =	shalt  }
0x5f: {  	_ =	shalt  }
0x60: {  	_ =	shalt  }
0x61: {  	_ =	shalt  }
0x62: {  	_ =	shalt  }
0x63: {  	_ =	shalt  }
0x64: {  	_ =	shalt  }
0x65: {  	_ =	shalt  }
0x66: {  	_ =	shalt  }
0x67: {  	_ =	shalt  }
0x68: {  	_ =	shalt  }
0x69: {  	_ =	shalt  }
0x6a: {  	_ =	shalt  }
0x6b: {  	_ =	shalt  }
0x6c: {  	_ =	shalt  }
0x6d: {  	_ =	shalt  }
0x6e: {  	_ =	shalt  }
0x6f: {  	_ =	shalt  }
0x70: {  	_ =	shalt  }
0x71: {  	_ =	shalt  }
0x72: {  	_ =	shalt  }
0x73: {  	_ =	shalt  }
0x74: {  	_ =	shalt  }
0x75: {  	_ =	shalt  }
0x76: {  	_ =	shalt  }
0x77: {  	_ =	shalt  }
0x78: {  	_ =	shalt  }
0x79: {  	_ =	shalt  }
0x7a: {  	_ =	shalt  }
0x7b: {  	_ =	shalt  }
0x7c: {  	_ =	shalt  }
0x7d: {  	_ =	shalt  }
0x7e: {  	_ =	shalt  }
0x7f: {  	_ =	shalt  }
0x80: {  	_ =	shalt  }
0x81: {  	_ =	shalt  }
0x82: {  	_ =	shalt  }
0x83: {  	_ =	shalt  }
0x84: {  	_ =	shalt  }
0x85: {  	_ =	shalt  }
0x86: {  	_ =	shalt  }
0x87: {  	_ =	shalt  }
.Lfunc_end0:
.L_simem_size_0:
called_computation_lowered:
.L_overlay_start_0:
0x88: {  	s2 =	sld [smem:$0x3FD9]  }
0x89: {  	s3 =	sld [smem:$0x3FFE];
	_ =	sdelay $0x1  }
0x8a: {  	s1 =	srdreg.scid  }
0x8b: {  	s0 =	sand.u32 $0x1, s1  }
0x8c: {  	s17 =	sshll.u32 s0, $0xA;
	s2 =	sadd.s32 s3, s2  }
0x8d: {  	s2 =	sadd.s32 s2, s17  }
0x8e: {  	[smem:$0x3FC4] =	sst s2  }
0x8f: {  	_ = 	snop  }
0x90: {  	s2 =	sld [smem:$0x3FC7]  }
0x91: {  	s18 =	sld [smem:$0x3FD0];
	(tm) =	ssettm $0x1  }
0x92: {  	s4 =	sld [smem:$0x3FFB];
	_ =	sdelay $0x3  }
0x93: {  	_ =	strace s4  }
0x94: {  	s4 =	sld [smem:$0x3FFC];
	_ =	sdelay $0x3  }
0x95: {  	_ =	strace s4  }
0x96: {  	s4 =	sld [smem:$0x3FFD];
	_ =	sdelay $0x3  }
0x97: {  	_ =	strace s4  }
0x98: {  	_ =	strace $0x8FFFFFFF  }
0x99: {  	s19 =	sld [smem:$0x3FDB];
	_ =	sdelay $0x1  }
0x9a: {  	s5 =	simm.s32 $_scs_section_size  }
0x9b: {  	s6 =	simm.s32 $_size__tile_overlayer_lowered;
	s7 =	simm.s32 $_tile_overlayer_lowered  }
0x9c: {  	s22 =	simm.s32 $0x1BFF;
	s21 =	sshll.u32 s7, $0x1;
	s4 =	sadd.s32 s5, s19  }
0x9d: {  	s8 =	simm.s32 $0x0;
	s20 =	sshll.u32 s6, $0x1;
	s6 =	sadd.s32 s21, s4  }
0x9e: {  	[timem:s8], [sflag:s22] =	dma.local [hbm:s6], s20  }
0x9f: {  	_ =	swait.ge [sflag:s22], s20  }
0xa0: {  	s5 =	ssub.s32 $0x0, s20;
	[sflag:s22] =	ssyncset.done $0x0  }
0xa1: {  	[sflag:s22] =	ssyncadd.s32 s5;
	_ =	sdelay $0x1  }
0xa2: {  	s23 =	simm.s32 $0x1B8B  }
0xa3: {  	_ =	swait.ge [sflag:s23], $0x1  }
0xa4: {  	[sflag:s23] =	ssyncset.done $0x0  }
0xa5: {  	s25 =	simm.s32 $0x1B8E;
	s24 =	sld [smem:$0x3FFE];
	[sflag:s23] =	ssyncadd.s32 $0xFFFFFFFF  }
0xa6: {  	s26 =	simm.s32 $execute0_lowered;
	[smem:$0x3FD2] =	sst s25  }
0xa7: {  	s6 =	sshll.u32 s26, $0x1;
	_ =	strace $0x80000046;
	[dreg:$0x1] =	wrdreg $0xFFFFFFFF  }
0xa8: {  	s28 =	simm.s32 $_size_execute0_lowered;
	s4 =	sadd.s32 s4, s6;
	[dreg:$0x0] =	wrdreg $0x0  }
0xa9: {  	s6 =	sshll.u32 s28, $0x1;
	[dreg:$0x2] =	wrdreg s4  }
0xaa: {  	[dreg:$0x3] =	wrdreg s6  }
0xab: {  	[dreg:$0x4] =	wrdreg $0xC0  }
0xac: {  	_ =	task [dreg:s8], $0x5FFFF  }
0xad: {  	[dreg:$0x1] =	wrdreg $0xFFFFFFFF  }
0xae: {  	[dreg:$0x0] =	wrdreg $0x60  }
0xaf: {  	[dreg:$0x2] =	wrdreg s24  }
0xb0: {  	[dreg:$0x3] =	wrdreg s2  }
0xb1: {  	[dreg:$0x4] =	wrdreg s18  }
0xb2: {  	[dreg:$0x5] =	wrdreg $0x9  }
0xb3: {  	_ =	task.clear_ibuf [dreg:s8], $0x6FFFF;
	_ =	strace $0x90000046  }
0xb4: {  	s29 =	simm.s32 $0x9;
	_ =	strace $0x80000048  }
0xb5: {  	_ =	swait.ge [sflag:s29], $0x1  }
0xb6: {  	[sflag:s29] =	ssyncadd.s32 $0xFFFFFFFF  }
0xb7: {  	_ =	strace $0x90000048  }
0xb8: {  	_ =	sfence  }
0xb9: {  	s30 =	sld [smem:$0x0];
	_ =	sdelay $0x2  }
0xba: {  	s31 =	sshll.u32 s1, $0xD;
	s1 =	sshrl.u32 s1, $0x2  }
0xbb: {  	s3 =	sand.u32 $0x4000, s31;
	s1 =	sadd.s32 s1, s30  }
0xbc: {  	s0 =	sor.u32 s3, s0;
	s1 =	sshll.u32 s1, $0x11  }
0xbd: {  	s0 =	sor.u32 s1, s0  }
0xbe: {  	s0 =	sadd.s32 $0x8F2B, s0  }
0xbf: {  	[sflag:s0] =	ssyncadd.remote.s32 $0x1  }
0xc0: {  	_ =	sfence.sel $0xFFFF  }
0xc1: {  	[dreg:$0x0] =	wrdreg $0xFFFFFFFF;
	(pc) =	sbr.abs _section_cstart, $3  }
0xc2: {  	[dreg:$0x1] =	wrdreg $0xFFFFFFFF  }
0xc3: {  	_ =	task.clear_ibuf [dreg:s8], $0x2FFFF;
	_ =	strace $0x9FFFFFFF  }
0xc4: {  	(tm) =	ssettm $0x7FFFFFFF  }
0xc5: {  	_ =	shalt  }
tec
execute0_lowered:
.L_overlay_start_1:
0x0: {  	(tag) =	ssettag $0x1  }
0x1: {  	s1 =	rddreg [dreg:$0x0]  }
0x2: {  	s0 =	rddreg [dreg:$0x1];
	s2 =	srdreg.scid  }
0x3: {  	s3 =	stileid.u32;
	s8 =	rddreg [dreg:$0x2]  }
0x4: {  	s10 =	simm.s32 $0x7;
	s11 =	simm.s32 $0x2710;
	s12 =	simm.s32 $0x4E20  }
0x5: {  	s13 =	simm.s32 $0x50;
	s14 =	simm.s32 $0x7530;
	s15 =	simm.s32 $0x8930  }
0x6: {  	s16 =	simm.s32 $0x9D30;
	s17 =	simm.s32 $0x1;
	s18 =	simm.s32 $0x2  }
0x7: {  	v0 =	vlaneseq.u32;
	s19 =	simm.s32 $0x3;
	s20 =	simm.s32 $0x11440;
	s21 =	simm.s32 $0x4  }
0x8: {  	s22 =	simm.s32 $0x5;
	s23 =	simm.s32 $0x6;
	s24 =	simm.s32 $0xED30;
	v0 =	vmul.u32 $0x11, v0  }
0x9: {  	s25 =	simm.s32 $0x0;
	s2 =	sand.u32 $0x1, s2;
	s4 =	sshll.u32 s3, $0x1  }
0xa: {  	s3 =	simm.s32 $0x0;
	s4 =	sor.u32 s2, s4;
	s2 =	ssub.s32 $0x2, s2;
	v1 =	vadd.s32 $0x1, v0;
	v2 =	vadd.s32 $0x2, v0;
	v3 =	vadd.s32 $0x3, v0  }
0xb: {  	[smem:$0x7FF] =	sst s3;
	s9 =	smul.u32 $0x4E2, s4;
	s5 =	sshrl.u32 s2, $0x1;
	v4 =	vadd.s32 $0x4, v0;
	v5 =	vadd.s32 $0x5, v0;
	v6 =	vadd.s32 $0x6, v0  }
0xc: {  	_ =	strace $0x80000047;
	s4 =	sadd.s32 $0x27600, s1;
	v7 =	vadd.s32 $0x7, v0;
	v8 =	vadd.s32 $0x8, v0;
	v9 =	vadd.s32 $0x9, v0;
	s2 =	ssub.s32 s2, s5  }
0xd: {  	v10 =	vadd.s32 $0xA, v0;
	v11 =	vadd.s32 $0xB, v0;
	v12 =	vadd.s32 $0xC, v0;
	s6 =	sadd.s32 s9, s1;
	s7 =	sadd.s32 s0, s9;
	s8 =	sadd.s32 s8, s9  }
0xe: {  	v13 =	vadd.s32 $0xD, v0;
	v14 =	vadd.s32 $0xE, v0;
	v15 =	vadd.s32 $0xF, v0;
	s9 =	smax.u32 s2, $0x1;
	s5 =	sadd.s32 $0x1D800, s6;
	s6 =	sadd.s32 $0x13A00, s6  }
.LBB2_1:
0xf: {  	[tilespmem:s3], [sflag:$0x7] =	stream.linear.gather [hbm4b:s5+s3], $0x2710, $0x38;
	[tilespmem:$0x11550] =	vst v63  }
0x10: {  	_ =	swait.ge [sflag:s10], $0x2710  }
0x11: {  	[sflag:s10] =	ssyncset.done $0x0  }
0x12: {  	[sflag:s10] =	ssyncadd.s32 $0xFFFFD8F0  }
0x13: {  	[tilespmem:s11], [sflag:$0x7] =	stream.linear.gather [hbm4b:s6+s3], $0x2710, $0x38;
	[tilespmem:$0x11550] =	vst v63  }
0x14: {  	_ =	swait.ge [sflag:s10], $0x2710  }
0x15: {  	[sflag:s10] =	ssyncset.done $0x0  }
0x16: {  	[sflag:s10] =	ssyncadd.s32 $0xFFFFD8F0  }
0x17: {  	[tilespmem:s12], [sflag:$0x7] =	stream.linear.gather [hbm4b:s7+s3], $0x2710, $0x38;
	[tilespmem:$0x11550] =	vst v63  }
0x18: {  	_ =	swait.ge [sflag:s10], $0x2710  }
0x19: {  	[sflag:s10] =	ssyncset.done $0x0  }
0x1a: {  	[sflag:s10] =	ssyncadd.s32 $0xFFFFD8F0  }
0x1b: {  	[tilespmem:s14], [sflag:$0x1] =	stream.indirect.gather [hbm4b:s1+s13], $0x40, s3, s13, $0xb8;
	[tilespmem:$0x11550] =	vst v63  }
.Ltmp0:
0x1c: {  	_ = 	snop;
	(pc) =	sbr.rel .LBB2_2-.Ltmp0, $4  }
0x1d: {  	_ = 	snop  }
0x1e: {  	[tilespmem:s15], [sflag:$0x2] =	stream.indirect.gather [hbm4b:s1+s13], $0x40, s11, s13, $0xb8;
	[tilespmem:$0x11550] =	vst v63  }
0x1f: {  	s26 =	simm.s32 $0xED80;
	s2 =	simm.s32 $0xED30;
	s29 =	simm.s32 $0x0  }
0x20: {  	[tilespmem:s16], [sflag:$0x3] =	stream.indirect.gather [hbm4b:s4+s13], $0x40, s12, s13, $0xb8;
	[tilespmem:$0x11550] =	vst v63  }
.LBB2_7:
0x21: {  	s29 =	sadd.s32 $0x1, s29  }
0x22: {  	p0 =	sne.s32 s29, $0x3F  }
.Ltmp1:
0x23: {  	_ = 	snop;
	(pc) =	sbr.rel @!p0 .LBB2_8-.Ltmp1, $2  }
0x24: {  	_ =	sdelay $0x2  }
0x25: {  	s2 =	sadd.s32 $0xA0, s2;
	s26 =	sadd.s32 $0xA0, s26  }
.LBB2_2:
0x26: {  	s0 =	sshllo.u32 s29, $0x1  }
0x27: {  	p0 =	sgt.u32 s0, $0x7C  }
0x28: {  	s0 =	smul.u32 @!p0 $0x50, s0  }
0x29: {  	s28 =	simm.s32 @!p0 $0x50;
	s30 =	simm.s32 @!p0 $0xB130  }
0x2a: {  	[tilespmem:s30], [sflag:$0x4] =	stream.indirect.gather @!p0 [hbm4b:s1+s28], $0x40, s0, s28, $0xb8;
	[tilespmem:$0x11550] =	vst v63  }
0x2b: {  	s31 =	simm.s32 @!p0 $0xC530;
	s30 =	sadd.s32 @!p0 $0x2710, s0  }
0x2c: {  	[tilespmem:s31], [sflag:$0x5] =	stream.indirect.gather @!p0 [hbm4b:s1+s28], $0x40, s30, s28, $0xb8;
	[tilespmem:$0x11550] =	vst v63  }
0x2d: {  	s0 =	sadd.s32 @!p0 $0x4E20, s0;
	s30 =	simm.s32 @!p0 $0xD930  }
0x2e: {  	[tilespmem:s30], [sflag:$0x6] =	stream.indirect.gather @!p0 [hbm4b:s4+s28], $0x40, s0, s28, $0xb8;
	[tilespmem:$0x11550] =	vst v63  }
0x2f: {  	_ =	swait.ge [sflag:s17], $0x1400  }
0x30: {  	[sflag:s17] =	ssyncset.done $0x0  }
0x31: {  	[sflag:s17] =	ssyncadd.s32 $0xFFFFEC00  }
0x32: {  	_ =	swait.ge [sflag:s18], $0x1400  }
0x33: {  	[sflag:s18] =	ssyncset.done $0x0  }
0x34: {  	[sflag:s18] =	ssyncadd.s32 $0xFFFFEC00  }
0x35: {  	_ =	swait.ge [sflag:s19], $0x1400  }
0x36: {  	[sflag:s19] =	ssyncset.done $0x0  }
0x37: {  	[sflag:s19] =	ssyncadd.s32 $0xFFFFEC00  }
0x38: {  	v16 =	vld [tilespmem:$0x7530]  }
0x39: {  	v18 =	vld [tilespmem:$0x8930]  }
0x3a: {  	v17 =	vld [tilespmem:$0x9D30]  }
0x3b: {  	v20 =	vld [tilespmem:$0x7540]  }
0x3c: {  	v21 =	vld [tilespmem:$0x8940]  }
0x3d: {  	v19 =	vld [tilespmem:$0x9D40]  }
0x3e: {  	v23 =	vld [tilespmem:$0x7550]  }
0x3f: {  	v24 =	vld [tilespmem:$0x8950]  }
0x40: {  	v22 =	vld [tilespmem:$0x9D50]  }
0x41: {  	v25 =	vld [tilespmem:$0x7560]  }
0x42: {  	v27 =	vld [tilespmem:$0x8960]  }
0x43: {  	s31 =	simm.s32 $0x400;
	s30 =	simm.s32 $0x0;
	s28 =	smov.u32 s2;
	v26 =	vld [tilespmem:$0x9D60]  }
.LBB2_3:
0x44: {  	s0 =	sshra.s32 s30, $0x2  }
0x45: {  	v28 =	vld [tilespmem:s0+$0x7570]  }
0x46: {  	v29 =	vld [tilespmem:s0+$0x8970]  }
0x47: {  	v30 =	vld [tilespmem:s0+$0x9D70];
	v16 =	vmul.bf16 v18, v16;
	v18 =	vmul.bf16 v21, v20  }
0x48: {  	v31 =	vld [tilespmem:s0+$0x7580];
	v21 =	vmul.bf16 v24, v23;
	v23 =	vmul.bf16 v27, v25  }
0x49: {  	v20 =	vld [tilespmem:s0+$0x8980];
	v16 =	vmul.bf16 v17, v16;
	v17 =	vmul.bf16 v19, v18  }
0x4a: {  	v24 =	vld [tilespmem:s0+$0x9D80];
	v19 =	vmul.bf16 v22, v21;
	v21 =	vmul.bf16 v26, v23  }
0x4b: {  	v18 =	vld [tilespmem:s0+$0x7590]  }
0x4c: {  	v22 =	vld [tilespmem:s0+$0x8990];
	v16 =	vadd.bf16 v17, v16;
	v17 =	vadd.bf16 v21, v19  }
0x4d: {  	v23 =	vld [tilespmem:s0+$0x9D90]  }
0x4e: {  	v19 =	vld [tilespmem:s0+$0x75A0];
	v16 =	vadd.bf16 v17, v16  }
0x4f: {  	v21 =	vld [tilespmem:s0+$0x89A0]  }
0x50: {  	v17 =	vld [tilespmem:s0+$0x9DA0];
	[tilespmem:v0+s20+$0x0] =	vst.idx.msk $0xffff, v16  }
0x51: {  	v16 =	vld [tilespmem:s0+$0x75B0]  }
0x52: {  	v25 =	vld [tilespmem:s0+$0x89B0]  }
0x53: {  	v28 =	vmul.bf16 v29, v28;
	v20 =	vmul.bf16 v20, v31;
	v26 =	vld [tilespmem:s0+$0x9DB0]  }
0x54: {  	v18 =	vmul.bf16 v22, v18;
	v27 =	vld [tilespmem:s0+$0x75C0];
	v19 =	vmul.bf16 v21, v19  }
0x55: {  	v22 =	vmul.bf16 v30, v28;
	v20 =	vmul.bf16 v24, v20;
	v29 =	vld [tilespmem:s0+$0x89C0]  }
0x56: {  	v21 =	vld [tilespmem:s0+$0x9DC0];
	v18 =	vmul.bf16 v23, v18;
	v17 =	vmul.bf16 v17, v19  }
0x57: {  	v24 =	vld [tilespmem:s0+$0x75D0]  }
0x58: {  	v23 =	vld [tilespmem:s0+$0x9DD0];
	v20 =	vadd.bf16 v20, v22;
	v17 =	vadd.bf16 v17, v18  }
0x59: {  	v22 =	vld [tilespmem:s0+$0x89E0]  }
0x5a: {  	v19 =	vld [tilespmem:s0+$0x89D0];
	v17 =	vadd.bf16 v17, v20  }
0x5b: {  	v18 =	vld [tilespmem:s0+$0x75E0]  }
0x5c: {  	v20 =	vld [tilespmem:s0+$0x9DE0];
	[tilespmem:v1+s20+$0x0] =	vst.idx.msk $0xffff, v17  }
0x5d: {  	v17 =	vld [tilespmem:s0+$0x75F0]  }
0x5e: {  	v28 =	vld [tilespmem:s0+$0x89F0]  }
0x5f: {  	v16 =	vmul.bf16 v25, v16;
	v25 =	vmul.bf16 v29, v27;
	v47 =	vld [tilespmem:s0+$0x9DF0]  }
0x60: {  	v19 =	vmul.bf16 v19, v24;
	v48 =	vld [tilespmem:s0+$0x7600];
	v18 =	vmul.bf16 v22, v18  }
0x61: {  	v16 =	vmul.bf16 v26, v16;
	v21 =	vmul.bf16 v21, v25;
	v27 =	vld [tilespmem:s0+$0x8A00]  }
0x62: {  	v22 =	vld [tilespmem:s0+$0x9E00];
	v19 =	vmul.bf16 v23, v19;
	v18 =	vmul.bf16 v20, v18  }
0x63: {  	v24 =	vld [tilespmem:s0+$0x7610]  }
0x64: {  	v23 =	vld [tilespmem:s0+$0x9E10];
	v16 =	vadd.bf16 v21, v16;
	v18 =	vadd.bf16 v18, v19  }
0x65: {  	v21 =	vld [tilespmem:s0+$0x8A20]  }
0x66: {  	v20 =	vld [tilespmem:s0+$0x8A10];
	v16 =	vadd.bf16 v18, v16  }
0x67: {  	v19 =	vld [tilespmem:s0+$0x7620]  }
0x68: {  	v18 =	vld [tilespmem:s0+$0x9E20];
	[tilespmem:v2+s20+$0x0] =	vst.idx.msk $0xffff, v16  }
0x69: {  	v16 =	vld [tilespmem:s0+$0x7630]  }
0x6a: {  	v25 =	vld [tilespmem:s0+$0x8A30]  }
0x6b: {  	v17 =	vmul.bf16 v28, v17;
	v27 =	vmul.bf16 v27, v48;
	v26 =	vld [tilespmem:s0+$0x9E30]  }
0x6c: {  	v20 =	vmul.bf16 v20, v24;
	v29 =	vld [tilespmem:s0+$0x7640];
	v19 =	vmul.bf16 v21, v19  }
0x6d: {  	v17 =	vmul.bf16 v47, v17;
	v22 =	vmul.bf16 v22, v27;
	v28 =	vld [tilespmem:s0+$0x8A40]  }
0x6e: {  	v21 =	vld [tilespmem:s0+$0x9E40];
	v20 =	vmul.bf16 v23, v20;
	v18 =	vmul.bf16 v18, v19  }
0x6f: {  	v24 =	vld [tilespmem:s0+$0x7650]  }
0x70: {  	v23 =	vld [tilespmem:s0+$0x9E50];
	v17 =	vadd.bf16 v22, v17;
	v18 =	vadd.bf16 v18, v20  }
0x71: {  	v22 =	vld [tilespmem:s0+$0x8A60]  }
0x72: {  	v19 =	vld [tilespmem:s0+$0x8A50];
	v17 =	vadd.bf16 v18, v17  }
0x73: {  	v20 =	vld [tilespmem:s0+$0x7660]  }
0x74: {  	v18 =	vld [tilespmem:s0+$0x9E60];
	[tilespmem:v3+s20+$0x0] =	vst.idx.msk $0xffff, v17  }
0x75: {  	v17 =	vld [tilespmem:s0+$0x7670]  }
0x76: {  	v27 =	vld [tilespmem:s0+$0x8A70]  }
0x77: {  	v16 =	vmul.bf16 v25, v16;
	v25 =	vmul.bf16 v28, v29;
	v49 =	vld [tilespmem:s0+$0x9E70]  }
0x78: {  	v19 =	vmul.bf16 v19, v24;
	v50 =	vld [tilespmem:s0+$0x7680];
	v20 =	vmul.bf16 v22, v20  }
0x79: {  	v16 =	vmul.bf16 v26, v16;
	v21 =	vmul.bf16 v21, v25;
	v28 =	vld [tilespmem:s0+$0x8A80]  }
0x7a: {  	v22 =	vld [tilespmem:s0+$0x9E80];
	v19 =	vmul.bf16 v23, v19;
	v18 =	vmul.bf16 v18, v20  }
0x7b: {  	v24 =	vld [tilespmem:s0+$0x7690]  }
0x7c: {  	v23 =	vld [tilespmem:s0+$0x9E90];
	v16 =	vadd.bf16 v21, v16;
	v18 =	vadd.bf16 v18, v19  }
0x7d: {  	v21 =	vld [tilespmem:s0+$0x8AA0]  }
0x7e: {  	v20 =	vld [tilespmem:s0+$0x8A90];
	v16 =	vadd.bf16 v18, v16  }
0x7f: {  	v19 =	vld [tilespmem:s0+$0x76A0]  }
0x80: {  	v18 =	vld [tilespmem:s0+$0x9EA0];
	[tilespmem:v4+s20+$0x0] =	vst.idx.msk $0xffff, v16  }
0x81: {  	v16 =	vld [tilespmem:s0+$0x76B0]  }
0x82: {  	v25 =	vld [tilespmem:s0+$0x8AB0]  }
0x83: {  	v17 =	vmul.bf16 v27, v17;
	v27 =	vmul.bf16 v28, v50;
	v26 =	vld [tilespmem:s0+$0x9EB0]  }
0x84: {  	v20 =	vmul.bf16 v20, v24;
	v29 =	vld [tilespmem:s0+$0x76C0];
	v19 =	vmul.bf16 v21, v19  }
0x85: {  	v17 =	vmul.bf16 v49, v17;
	v22 =	vmul.bf16 v22, v27;
	v28 =	vld [tilespmem:s0+$0x8AC0]  }
0x86: {  	v21 =	vld [tilespmem:s0+$0x9EC0];
	v20 =	vmul.bf16 v23, v20;
	v18 =	vmul.bf16 v18, v19  }
0x87: {  	v24 =	vld [tilespmem:s0+$0x76D0]  }
0x88: {  	v23 =	vld [tilespmem:s0+$0x9ED0];
	v17 =	vadd.bf16 v22, v17;
	v18 =	vadd.bf16 v18, v20  }
0x89: {  	v22 =	vld [tilespmem:s0+$0x8AE0]  }
0x8a: {  	v19 =	vld [tilespmem:s0+$0x8AD0];
	v17 =	vadd.bf16 v18, v17  }
0x8b: {  	v20 =	vld [tilespmem:s0+$0x76E0]  }
0x8c: {  	v18 =	vld [tilespmem:s0+$0x9EE0];
	[tilespmem:v5+s20+$0x0] =	vst.idx.msk $0xffff, v17  }
0x8d: {  	v17 =	vld [tilespmem:s0+$0x76F0]  }
0x8e: {  	v27 =	vld [tilespmem:s0+$0x8AF0]  }
0x8f: {  	v16 =	vmul.bf16 v25, v16;
	v25 =	vmul.bf16 v28, v29;
	v51 =	vld [tilespmem:s0+$0x9EF0]  }
0x90: {  	v19 =	vmul.bf16 v19, v24;
	v52 =	vld [tilespmem:s0+$0x7700];
	v20 =	vmul.bf16 v22, v20  }
0x91: {  	v16 =	vmul.bf16 v26, v16;
	v21 =	vmul.bf16 v21, v25;
	v28 =	vld [tilespmem:s0+$0x8B00]  }
0x92: {  	v22 =	vld [tilespmem:s0+$0x9F00];
	v19 =	vmul.bf16 v23, v19;
	v18 =	vmul.bf16 v18, v20  }
0x93: {  	v24 =	vld [tilespmem:s0+$0x7710]  }
0x94: {  	v23 =	vld [tilespmem:s0+$0x9F10];
	v16 =	vadd.bf16 v21, v16;
	v18 =	vadd.bf16 v18, v19  }
0x95: {  	v21 =	vld [tilespmem:s0+$0x8B20]  }
0x96: {  	v20 =	vld [tilespmem:s0+$0x8B10];
	v16 =	vadd.bf16 v18, v16  }
0x97: {  	v19 =	vld [tilespmem:s0+$0x7720]  }
0x98: {  	v18 =	vld [tilespmem:s0+$0x9F20];
	[tilespmem:v6+s20+$0x0] =	vst.idx.msk $0xffff, v16  }
0x99: {  	v16 =	vld [tilespmem:s0+$0x7730]  }
0x9a: {  	v25 =	vld [tilespmem:s0+$0x8B30]  }
0x9b: {  	v17 =	vmul.bf16 v27, v17;
	v27 =	vmul.bf16 v28, v52;
	v26 =	vld [tilespmem:s0+$0x9F30]  }
0x9c: {  	v20 =	vmul.bf16 v20, v24;
	v29 =	vld [tilespmem:s0+$0x7740];
	v19 =	vmul.bf16 v21, v19  }
0x9d: {  	v17 =	vmul.bf16 v51, v17;
	v22 =	vmul.bf16 v22, v27;
	v28 =	vld [tilespmem:s0+$0x8B40]  }
0x9e: {  	v21 =	vld [tilespmem:s0+$0x9F40];
	v20 =	vmul.bf16 v23, v20;
	v18 =	vmul.bf16 v18, v19  }
0x9f: {  	v24 =	vld [tilespmem:s0+$0x7750]  }
0xa0: {  	v23 =	vld [tilespmem:s0+$0x9F50];
	v17 =	vadd.bf16 v22, v17;
	v18 =	vadd.bf16 v18, v20  }
0xa1: {  	v22 =	vld [tilespmem:s0+$0x8B60]  }
0xa2: {  	v19 =	vld [tilespmem:s0+$0x8B50];
	v17 =	vadd.bf16 v18, v17  }
0xa3: {  	v20 =	vld [tilespmem:s0+$0x7760]  }
0xa4: {  	v18 =	vld [tilespmem:s0+$0x9F60];
	[tilespmem:v7+s20+$0x0] =	vst.idx.msk $0xffff, v17  }
0xa5: {  	v17 =	vld [tilespmem:s0+$0x7770]  }
0xa6: {  	v27 =	vld [tilespmem:s0+$0x8B70]  }
0xa7: {  	v16 =	vmul.bf16 v25, v16;
	v25 =	vmul.bf16 v28, v29;
	v53 =	vld [tilespmem:s0+$0x9F70]  }
0xa8: {  	v19 =	vmul.bf16 v19, v24;
	v54 =	vld [tilespmem:s0+$0x7780];
	v20 =	vmul.bf16 v22, v20  }
0xa9: {  	v16 =	vmul.bf16 v26, v16;
	v21 =	vmul.bf16 v21, v25;
	v28 =	vld [tilespmem:s0+$0x8B80]  }
0xaa: {  	v22 =	vld [tilespmem:s0+$0x9F80];
	v19 =	vmul.bf16 v23, v19;
	v18 =	vmul.bf16 v18, v20  }
0xab: {  	v24 =	vld [tilespmem:s0+$0x7790]  }
0xac: {  	v23 =	vld [tilespmem:s0+$0x9F90];
	v16 =	vadd.bf16 v21, v16;
	v18 =	vadd.bf16 v18, v19  }
0xad: {  	v21 =	vld [tilespmem:s0+$0x8BA0]  }
0xae: {  	v20 =	vld [tilespmem:s0+$0x8B90];
	v16 =	vadd.bf16 v18, v16  }
0xaf: {  	v19 =	vld [tilespmem:s0+$0x77A0]  }
0xb0: {  	v18 =	vld [tilespmem:s0+$0x9FA0];
	[tilespmem:v8+s20+$0x0] =	vst.idx.msk $0xffff, v16  }
0xb1: {  	v16 =	vld [tilespmem:s0+$0x77B0]  }
0xb2: {  	v25 =	vld [tilespmem:s0+$0x8BB0]  }
0xb3: {  	v17 =	vmul.bf16 v27, v17;
	v27 =	vmul.bf16 v28, v54;
	v26 =	vld [tilespmem:s0+$0x9FB0]  }
0xb4: {  	v20 =	vmul.bf16 v20, v24;
	v29 =	vld [tilespmem:s0+$0x77C0];
	v19 =	vmul.bf16 v21, v19  }
0xb5: {  	v17 =	vmul.bf16 v53, v17;
	v22 =	vmul.bf16 v22, v27;
	v28 =	vld [tilespmem:s0+$0x8BC0]  }
0xb6: {  	v21 =	vld [tilespmem:s0+$0x9FC0];
	v20 =	vmul.bf16 v23, v20;
	v18 =	vmul.bf16 v18, v19  }
0xb7: {  	v24 =	vld [tilespmem:s0+$0x77D0]  }
0xb8: {  	v23 =	vld [tilespmem:s0+$0x9FD0];
	v17 =	vadd.bf16 v22, v17;
	v18 =	vadd.bf16 v18, v20  }
0xb9: {  	v22 =	vld [tilespmem:s0+$0x8BE0]  }
0xba: {  	v19 =	vld [tilespmem:s0+$0x8BD0];
	v17 =	vadd.bf16 v18, v17  }
0xbb: {  	v20 =	vld [tilespmem:s0+$0x77E0]  }
0xbc: {  	v18 =	vld [tilespmem:s0+$0x9FE0];
	[tilespmem:v9+s20+$0x0] =	vst.idx.msk $0xffff, v17  }
0xbd: {  	v17 =	vld [tilespmem:s0+$0x77F0]  }
0xbe: {  	v27 =	vld [tilespmem:s0+$0x8BF0]  }
0xbf: {  	v16 =	vmul.bf16 v25, v16;
	v25 =	vmul.bf16 v28, v29;
	v55 =	vld [tilespmem:s0+$0x9FF0]  }
0xc0: {  	v19 =	vmul.bf16 v19, v24;
	v56 =	vld [tilespmem:s0+$0x7800];
	v20 =	vmul.bf16 v22, v20  }
0xc1: {  	v16 =	vmul.bf16 v26, v16;
	v21 =	vmul.bf16 v21, v25;
	v28 =	vld [tilespmem:s0+$0x8C00]  }
0xc2: {  	v22 =	vld [tilespmem:s0+$0xA000];
	v19 =	vmul.bf16 v23, v19;
	v18 =	vmul.bf16 v18, v20  }
0xc3: {  	v24 =	vld [tilespmem:s0+$0x7810]  }
0xc4: {  	v23 =	vld [tilespmem:s0+$0xA010];
	v16 =	vadd.bf16 v21, v16;
	v18 =	vadd.bf16 v18, v19  }
0xc5: {  	v21 =	vld [tilespmem:s0+$0x8C20]  }
0xc6: {  	v20 =	vld [tilespmem:s0+$0x8C10];
	v16 =	vadd.bf16 v18, v16  }
0xc7: {  	v19 =	vld [tilespmem:s0+$0x7820]  }
0xc8: {  	v18 =	vld [tilespmem:s0+$0xA020];
	[tilespmem:v10+s20+$0x0] =	vst.idx.msk $0xffff, v16  }
0xc9: {  	v16 =	vld [tilespmem:s0+$0x7830]  }
0xca: {  	v25 =	vld [tilespmem:s0+$0x8C30]  }
0xcb: {  	v17 =	vmul.bf16 v27, v17;
	v27 =	vmul.bf16 v28, v56;
	v26 =	vld [tilespmem:s0+$0xA030]  }
0xcc: {  	v20 =	vmul.bf16 v20, v24;
	v29 =	vld [tilespmem:s0+$0x7840];
	v19 =	vmul.bf16 v21, v19  }
0xcd: {  	v17 =	vmul.bf16 v55, v17;
	v22 =	vmul.bf16 v22, v27;
	v28 =	vld [tilespmem:s0+$0x8C40]  }
0xce: {  	v21 =	vld [tilespmem:s0+$0xA040];
	v20 =	vmul.bf16 v23, v20;
	v18 =	vmul.bf16 v18, v19  }
0xcf: {  	v24 =	vld [tilespmem:s0+$0x7850]  }
0xd0: {  	v23 =	vld [tilespmem:s0+$0xA050];
	v17 =	vadd.bf16 v22, v17;
	v18 =	vadd.bf16 v18, v20  }
0xd1: {  	v22 =	vld [tilespmem:s0+$0x8C60]  }
0xd2: {  	v19 =	vld [tilespmem:s0+$0x8C50];
	v17 =	vadd.bf16 v18, v17  }
0xd3: {  	v20 =	vld [tilespmem:s0+$0x7860]  }
0xd4: {  	v18 =	vld [tilespmem:s0+$0xA060];
	[tilespmem:v11+s20+$0x0] =	vst.idx.msk $0xffff, v17  }
0xd5: {  	v17 =	vld [tilespmem:s0+$0x7870]  }
0xd6: {  	v27 =	vld [tilespmem:s0+$0x8C70]  }
0xd7: {  	v16 =	vmul.bf16 v25, v16;
	v25 =	vmul.bf16 v28, v29;
	v57 =	vld [tilespmem:s0+$0xA070]  }
0xd8: {  	v19 =	vmul.bf16 v19, v24;
	v58 =	vld [tilespmem:s0+$0x7880];
	v20 =	vmul.bf16 v22, v20  }
0xd9: {  	v16 =	vmul.bf16 v26, v16;
	v21 =	vmul.bf16 v21, v25;
	v28 =	vld [tilespmem:s0+$0x8C80]  }
0xda: {  	v22 =	vld [tilespmem:s0+$0xA080];
	v19 =	vmul.bf16 v23, v19;
	v18 =	vmul.bf16 v18, v20  }
0xdb: {  	v24 =	vld [tilespmem:s0+$0x7890]  }
0xdc: {  	v23 =	vld [tilespmem:s0+$0xA090];
	v16 =	vadd.bf16 v21, v16;
	v18 =	vadd.bf16 v18, v19  }
0xdd: {  	v21 =	vld [tilespmem:s0+$0x8CA0]  }
0xde: {  	v20 =	vld [tilespmem:s0+$0x8C90];
	v16 =	vadd.bf16 v18, v16  }
0xdf: {  	v19 =	vld [tilespmem:s0+$0x78A0]  }
0xe0: {  	v18 =	vld [tilespmem:s0+$0xA0A0];
	[tilespmem:v12+s20+$0x0] =	vst.idx.msk $0xffff, v16  }
0xe1: {  	v16 =	vld [tilespmem:s0+$0x78B0]  }
0xe2: {  	v25 =	vld [tilespmem:s0+$0x8CB0]  }
0xe3: {  	v17 =	vmul.bf16 v27, v17;
	v27 =	vmul.bf16 v28, v58;
	v26 =	vld [tilespmem:s0+$0xA0B0]  }
0xe4: {  	v20 =	vmul.bf16 v20, v24;
	v29 =	vld [tilespmem:s0+$0x78C0];
	v19 =	vmul.bf16 v21, v19  }
0xe5: {  	v17 =	vmul.bf16 v57, v17;
	v22 =	vmul.bf16 v22, v27;
	v28 =	vld [tilespmem:s0+$0x8CC0]  }
0xe6: {  	v21 =	vld [tilespmem:s0+$0xA0C0];
	v20 =	vmul.bf16 v23, v20;
	v18 =	vmul.bf16 v18, v19  }
0xe7: {  	v24 =	vld [tilespmem:s0+$0x78D0]  }
0xe8: {  	v23 =	vld [tilespmem:s0+$0xA0D0];
	v17 =	vadd.bf16 v22, v17;
	v18 =	vadd.bf16 v18, v20  }
0xe9: {  	v22 =	vld [tilespmem:s0+$0x8CE0]  }
0xea: {  	v19 =	vld [tilespmem:s0+$0x8CD0];
	v17 =	vadd.bf16 v18, v17  }
0xeb: {  	v20 =	vld [tilespmem:s0+$0x78E0]  }
0xec: {  	v18 =	vld [tilespmem:s0+$0xA0E0];
	[tilespmem:v13+s20+$0x0] =	vst.idx.msk $0xffff, v17  }
0xed: {  	v17 =	vld [tilespmem:s0+$0x78F0]  }
0xee: {  	v27 =	vld [tilespmem:s0+$0x8CF0]  }
0xef: {  	v59 =	vld [tilespmem:s0+$0xA0F0]  }
0xf0: {  	v60 =	vld [tilespmem:s0+$0x7900]  }
0xf1: {  	v32 =	vld [tilespmem:s0+$0x8D00]  }
0xf2: {  	v33 =	vld [tilespmem:s0+$0xA100]  }
0xf3: {  	v34 =	vld [tilespmem:s0+$0x7910]  }
0xf4: {  	v35 =	vld [tilespmem:s0+$0x8D10]  }
0xf5: {  	v36 =	vld [tilespmem:s0+$0x7920]  }
0xf6: {  	v16 =	vmul.bf16 v25, v16;
	v25 =	vmul.bf16 v28, v29;
	v37 =	vld [tilespmem:s0+$0x8D20]  }
0xf7: {  	v19 =	vmul.bf16 v19, v24;
	v28 =	vld [tilespmem:s0+$0xA110];
	v20 =	vmul.bf16 v22, v20  }
0xf8: {  	v16 =	vmul.bf16 v26, v16;
	v21 =	vmul.bf16 v21, v25;
	v22 =	vld [tilespmem:s0+$0xA120]  }
0xf9: {  	v19 =	vmul.bf16 v23, v19;
	v18 =	vmul.bf16 v18, v20  }
0xfa: {  	v17 =	vmul.bf16 v27, v17;
	v20 =	vmul.bf16 v32, v60  }
0xfb: {  	v23 =	vmul.bf16 v35, v34;
	v24 =	vmul.bf16 v37, v36  }
0xfc: {  	v17 =	vmul.bf16 v59, v17;
	v20 =	vmul.bf16 v33, v20  }
0xfd: {  	v23 =	vmul.bf16 v28, v23;
	v22 =	vmul.bf16 v22, v24  }
0xfe: {  	v16 =	vadd.bf16 v21, v16;
	v18 =	vadd.bf16 v18, v19  }
0xff: {  	v17 =	vadd.bf16 v20, v17;
	v19 =	vadd.bf16 v22, v23  }
0x100: {  	v16 =	vadd.bf16 v18, v16  }
0x101: {  	v17 =	vadd.bf16 v19, v17  }
0x102: {  	[tilespmem:v14+s20+$0x0] =	vst.idx.msk $0xffff, v16  }
0x103: {  	[tilespmem:v15+s20+$0x0] =	vst.idx.msk $0xffff, v17  }
0x104: {  	v16 =	vld [tilespmem:$0x11440]  }
0x105: {  	v17 =	vld [tilespmem:$0x11451]  }
0x106: {  	v18 =	vld [tilespmem:$0x11462]  }
0x107: {  	v19 =	vld [tilespmem:$0x11473]  }
0x108: {  	v20 =	vld [tilespmem:$0x11484]  }
0x109: {  	v21 =	vld [tilespmem:$0x11495]  }
0x10a: {  	v22 =	vld [tilespmem:$0x114A6]  }
0x10b: {  	v23 =	vld [tilespmem:$0x114B7]  }
0x10c: {  	v24 =	vld [tilespmem:$0x114C8]  }
0x10d: {  	v25 =	vld [tilespmem:$0x114D9]  }
0x10e: {  	v26 =	vld [tilespmem:$0x114EA]  }
0x10f: {  	v27 =	vld [tilespmem:$0x114FB]  }
0x110: {  	v28 =	vld [tilespmem:$0x1150C]  }
0x111: {  	v29 =	vld [tilespmem:$0x1151D]  }
0x112: {  	v61 =	vld [tilespmem:$0x1152E]  }
0x113: {  	v62 =	vld [tilespmem:$0x1153F];
	_ =	sdelay $0x1  }
0x114: {  	v63 =	vadd.bf16 v17, v16;
	v19 =	vadd.bf16 v19, v18  }
0x115: {  	p1 =	seq.s32 s30, $0x4000;
	s0 =	smov.u32 s31;
	v20 =	vadd.bf16 v21, v20;
	v21 =	vadd.bf16 v23, v22  }
0x116: {  	s0 =	simm.s32 @p1 $0x0;
	v22 =	vadd.bf16 v25, v24;
	v23 =	vadd.bf16 v27, v26  }
0x117: {  	v16 =	vld [tilespmem:s0+$0x7530];
	v24 =	vadd.bf16 v29, v28;
	v25 =	vadd.bf16 v62, v61  }
0x118: {  	v18 =	vld [tilespmem:s0+$0x8930];
	v26 =	vadd.bf16 v19, v63;
	v27 =	vadd.bf16 v21, v20  }
0x119: {  	v17 =	vld [tilespmem:s0+$0x9D30];
	v22 =	vadd.bf16 v23, v22;
	v23 =	vadd.bf16 v25, v24  }
0x11a: {  	v20 =	vld [tilespmem:s0+$0x7540]  }
0x11b: {  	v21 =	vld [tilespmem:s0+$0x8940];
	v25 =	vadd.bf16 v27, v26;
	v22 =	vadd.bf16 v23, v22  }
0x11c: {  	v19 =	vld [tilespmem:s0+$0x9D40]  }
0x11d: {  	p1 =	sne.s32 s30, $0x4000;
	v24 =	vld [tilespmem:s0+$0x8950];
	v26 =	vadd.bf16 v22, v25  }
.Ltmp2:
0x11e: {  	v23 =	vld [tilespmem:s0+$0x7550];
	(pc) =	sbr.rel @p1 .LBB2_3-.Ltmp2, $4  }
0x11f: {  	v27 =	vld [tilespmem:s0+$0x8960];
	v28 =	vunpack.i.u.bf16.f32 v26;
	v26 =	vunpack.i.l.bf16.f32 v26  }
0x120: {  	v22 =	vld [tilespmem:s0+$0x9D50];
	v28 =	vadd.f32 v26, v28  }
0x121: {  	v25 =	vld [tilespmem:s0+$0x7560]  }
0x122: {  	s31 =	sadd.s32 $0x400, s31;
	s30 =	sadd.s32 $0x1000, s30;
	v26 =	vld [tilespmem:s0+$0x9D60];
	[tilespmem:s28+$0x0] =	vst v28;
	s28 =	sadd.s32 $0x10, s28  }
0x123: {  	p1 =	seq.s32 s29, $0x3E  }
0x124: {  	s0 =	smul.u32 @!p1 $0xA0, s29;
	_ =	sdelay $0x1  }
0x125: {  	s30 =	simm.s32 @!p1 $0x50;
	s31 =	simm.s32 @!p1 $0x7530;
	s28 =	sadd.s32 @!p1 $0xA0, s0  }
0x126: {  	[tilespmem:s31], [sflag:$0x1] =	stream.indirect.gather @!p1 [hbm4b:s1+s30], $0x40, s28, s30, $0xb8;
	[tilespmem:$0x11550] =	vst v63  }
.Ltmp3:
0x127: {  	_ = 	snop;
	(pc) =	sbr.rel @p0 .LBB2_7-.Ltmp3, $4  }
0x128: {  	s28 =	sadd.s32 @!p1 $0x27B0, s0;
	s31 =	simm.s32 @!p1 $0x8930  }
0x129: {  	[tilespmem:s31], [sflag:$0x2] =	stream.indirect.gather @!p1 [hbm4b:s1+s30], $0x40, s28, s30, $0xb8;
	[tilespmem:$0x11550] =	vst v63  }
0x12a: {  	s0 =	sadd.s32 @!p1 $0x4EC0, s0;
	s28 =	simm.s32 @!p1 $0x9D30  }
0x12b: {  	[tilespmem:s28], [sflag:$0x3] =	stream.indirect.gather @!p1 [hbm4b:s4+s30], $0x40, s0, s30, $0xb8;
	[tilespmem:$0x11550] =	vst v63  }
0x12c: {  	_ =	swait.ge [sflag:s21], $0x1400  }
0x12d: {  	[sflag:s21] =	ssyncset.done $0x0  }
0x12e: {  	[sflag:s21] =	ssyncadd.s32 $0xFFFFEC00  }
0x12f: {  	_ =	swait.ge [sflag:s22], $0x1400  }
0x130: {  	[sflag:s22] =	ssyncset.done $0x0  }
0x131: {  	[sflag:s22] =	ssyncadd.s32 $0xFFFFEC00  }
0x132: {  	_ =	swait.ge [sflag:s23], $0x1400  }
0x133: {  	[sflag:s23] =	ssyncset.done $0x0  }
0x134: {  	[sflag:s23] =	ssyncadd.s32 $0xFFFFEC00  }
0x135: {  	v16 =	vld [tilespmem:$0xB130]  }
0x136: {  	v18 =	vld [tilespmem:$0xC530]  }
0x137: {  	v17 =	vld [tilespmem:$0xD930]  }
0x138: {  	v20 =	vld [tilespmem:$0xB140]  }
0x139: {  	v21 =	vld [tilespmem:$0xC540]  }
0x13a: {  	v19 =	vld [tilespmem:$0xD940]  }
0x13b: {  	v23 =	vld [tilespmem:$0xB150]  }
0x13c: {  	v24 =	vld [tilespmem:$0xC550]  }
0x13d: {  	v22 =	vld [tilespmem:$0xD950]  }
0x13e: {  	v25 =	vld [tilespmem:$0xB160]  }
0x13f: {  	v27 =	vld [tilespmem:$0xC560]  }
0x140: {  	s30 =	simm.s32 $0x0;
	s31 =	simm.s32 $0x400;
	s28 =	smov.u32 s26;
	v26 =	vld [tilespmem:$0xD960]  }
.LBB2_6:
0x141: {  	s0 =	sshra.s32 s30, $0x2  }
0x142: {  	v28 =	vld [tilespmem:s0+$0xB170]  }
0x143: {  	v29 =	vld [tilespmem:s0+$0xC570]  }
0x144: {  	v16 =	vmul.bf16 v18, v16;
	v18 =	vmul.bf16 v21, v20;
	v30 =	vld [tilespmem:s0+$0xD970]  }
0x145: {  	v21 =	vmul.bf16 v24, v23;
	v23 =	vmul.bf16 v27, v25;
	v31 =	vld [tilespmem:s0+$0xB180]  }
0x146: {  	v20 =	vld [tilespmem:s0+$0xC580];
	v16 =	vmul.bf16 v17, v16;
	v17 =	vmul.bf16 v19, v18  }
0x147: {  	v24 =	vld [tilespmem:s0+$0xD980];
	v19 =	vmul.bf16 v22, v21;
	v21 =	vmul.bf16 v26, v23  }
0x148: {  	v18 =	vld [tilespmem:s0+$0xB190]  }
0x149: {  	v22 =	vld [tilespmem:s0+$0xC590];
	v16 =	vadd.bf16 v17, v16;
	v17 =	vadd.bf16 v21, v19  }
0x14a: {  	v23 =	vld [tilespmem:s0+$0xD990]  }
0x14b: {  	v19 =	vld [tilespmem:s0+$0xB1A0];
	v16 =	vadd.bf16 v17, v16  }
0x14c: {  	v21 =	vld [tilespmem:s0+$0xC5A0]  }
0x14d: {  	v17 =	vld [tilespmem:s0+$0xD9A0];
	[tilespmem:v0+s20+$0x0] =	vst.idx.msk $0xffff, v16  }
0x14e: {  	v16 =	vld [tilespmem:s0+$0xB1B0]  }
0x14f: {  	v25 =	vld [tilespmem:s0+$0xC5B0]  }
0x150: {  	v28 =	vmul.bf16 v29, v28;
	v20 =	vmul.bf16 v20, v31;
	v26 =	vld [tilespmem:s0+$0xD9B0]  }
0x151: {  	v18 =	vmul.bf16 v22, v18;
	v27 =	vld [tilespmem:s0+$0xB1C0];
	v19 =	vmul.bf16 v21, v19  }
0x152: {  	v22 =	vmul.bf16 v30, v28;
	v20 =	vmul.bf16 v24, v20;
	v29 =	vld [tilespmem:s0+$0xC5C0]  }
0x153: {  	v21 =	vld [tilespmem:s0+$0xD9C0];
	v18 =	vmul.bf16 v23, v18;
	v17 =	vmul.bf16 v17, v19  }
0x154: {  	v24 =	vld [tilespmem:s0+$0xB1D0]  }
0x155: {  	v23 =	vld [tilespmem:s0+$0xD9D0];
	v20 =	vadd.bf16 v20, v22;
	v17 =	vadd.bf16 v17, v18  }
0x156: {  	v22 =	vld [tilespmem:s0+$0xC5E0]  }
0x157: {  	v19 =	vld [tilespmem:s0+$0xC5D0];
	v17 =	vadd.bf16 v17, v20  }
0x158: {  	v18 =	vld [tilespmem:s0+$0xB1E0]  }
0x159: {  	v20 =	vld [tilespmem:s0+$0xD9E0];
	[tilespmem:v1+s20+$0x0] =	vst.idx.msk $0xffff, v17  }
0x15a: {  	v17 =	vld [tilespmem:s0+$0xB1F0]  }
0x15b: {  	v28 =	vld [tilespmem:s0+$0xC5F0]  }
0x15c: {  	v16 =	vmul.bf16 v25, v16;
	v25 =	vmul.bf16 v29, v27;
	v47 =	vld [tilespmem:s0+$0xD9F0]  }
0x15d: {  	v19 =	vmul.bf16 v19, v24;
	v48 =	vld [tilespmem:s0+$0xB200];
	v18 =	vmul.bf16 v22, v18  }
0x15e: {  	v16 =	vmul.bf16 v26, v16;
	v21 =	vmul.bf16 v21, v25;
	v27 =	vld [tilespmem:s0+$0xC600]  }
0x15f: {  	v22 =	vld [tilespmem:s0+$0xDA00];
	v19 =	vmul.bf16 v23, v19;
	v18 =	vmul.bf16 v20, v18  }
0x160: {  	v24 =	vld [tilespmem:s0+$0xB210]  }
0x161: {  	v23 =	vld [tilespmem:s0+$0xDA10];
	v16 =	vadd.bf16 v21, v16;
	v18 =	vadd.bf16 v18, v19  }
0x162: {  	v21 =	vld [tilespmem:s0+$0xC620]  }
0x163: {  	v20 =	vld [tilespmem:s0+$0xC610];
	v16 =	vadd.bf16 v18, v16  }
0x164: {  	v19 =	vld [tilespmem:s0+$0xB220]  }
0x165: {  	v18 =	vld [tilespmem:s0+$0xDA20];
	[tilespmem:v2+s20+$0x0] =	vst.idx.msk $0xffff, v16  }
0x166: {  	v16 =	vld [tilespmem:s0+$0xB230]  }
0x167: {  	v25 =	vld [tilespmem:s0+$0xC630]  }
0x168: {  	v17 =	vmul.bf16 v28, v17;
	v27 =	vmul.bf16 v27, v48;
	v26 =	vld [tilespmem:s0+$0xDA30]  }
0x169: {  	v20 =	vmul.bf16 v20, v24;
	v29 =	vld [tilespmem:s0+$0xB240];
	v19 =	vmul.bf16 v21, v19  }
0x16a: {  	v17 =	vmul.bf16 v47, v17;
	v22 =	vmul.bf16 v22, v27;
	v28 =	vld [tilespmem:s0+$0xC640]  }
0x16b: {  	v21 =	vld [tilespmem:s0+$0xDA40];
	v20 =	vmul.bf16 v23, v20;
	v18 =	vmul.bf16 v18, v19  }
0x16c: {  	v24 =	vld [tilespmem:s0+$0xB250]  }
0x16d: {  	v23 =	vld [tilespmem:s0+$0xDA50];
	v17 =	vadd.bf16 v22, v17;
	v18 =	vadd.bf16 v18, v20  }
0x16e: {  	v22 =	vld [tilespmem:s0+$0xC660]  }
0x16f: {  	v19 =	vld [tilespmem:s0+$0xC650];
	v17 =	vadd.bf16 v18, v17  }
0x170: {  	v20 =	vld [tilespmem:s0+$0xB260]  }
0x171: {  	v18 =	vld [tilespmem:s0+$0xDA60];
	[tilespmem:v3+s20+$0x0] =	vst.idx.msk $0xffff, v17  }
0x172: {  	v17 =	vld [tilespmem:s0+$0xB270]  }
0x173: {  	v27 =	vld [tilespmem:s0+$0xC670]  }
0x174: {  	v16 =	vmul.bf16 v25, v16;
	v25 =	vmul.bf16 v28, v29;
	v49 =	vld [tilespmem:s0+$0xDA70]  }
0x175: {  	v19 =	vmul.bf16 v19, v24;
	v50 =	vld [tilespmem:s0+$0xB280];
	v20 =	vmul.bf16 v22, v20  }
0x176: {  	v16 =	vmul.bf16 v26, v16;
	v21 =	vmul.bf16 v21, v25;
	v28 =	vld [tilespmem:s0+$0xC680]  }
0x177: {  	v22 =	vld [tilespmem:s0+$0xDA80];
	v19 =	vmul.bf16 v23, v19;
	v18 =	vmul.bf16 v18, v20  }
0x178: {  	v24 =	vld [tilespmem:s0+$0xB290]  }
0x179: {  	v23 =	vld [tilespmem:s0+$0xDA90];
	v16 =	vadd.bf16 v21, v16;
	v18 =	vadd.bf16 v18, v19  }
0x17a: {  	v21 =	vld [tilespmem:s0+$0xC6A0]  }
0x17b: {  	v20 =	vld [tilespmem:s0+$0xC690];
	v16 =	vadd.bf16 v18, v16  }
0x17c: {  	v19 =	vld [tilespmem:s0+$0xB2A0]  }
0x17d: {  	v18 =	vld [tilespmem:s0+$0xDAA0];
	[tilespmem:v4+s20+$0x0] =	vst.idx.msk $0xffff, v16  }
0x17e: {  	v16 =	vld [tilespmem:s0+$0xB2B0]  }
0x17f: {  	v25 =	vld [tilespmem:s0+$0xC6B0]  }
0x180: {  	v17 =	vmul.bf16 v27, v17;
	v27 =	vmul.bf16 v28, v50;
	v26 =	vld [tilespmem:s0+$0xDAB0]  }
0x181: {  	v20 =	vmul.bf16 v20, v24;
	v29 =	vld [tilespmem:s0+$0xB2C0];
	v19 =	vmul.bf16 v21, v19  }
0x182: {  	v17 =	vmul.bf16 v49, v17;
	v22 =	vmul.bf16 v22, v27;
	v28 =	vld [tilespmem:s0+$0xC6C0]  }
0x183: {  	v21 =	vld [tilespmem:s0+$0xDAC0];
	v20 =	vmul.bf16 v23, v20;
	v18 =	vmul.bf16 v18, v19  }
0x184: {  	v24 =	vld [tilespmem:s0+$0xB2D0]  }
0x185: {  	v23 =	vld [tilespmem:s0+$0xDAD0];
	v17 =	vadd.bf16 v22, v17;
	v18 =	vadd.bf16 v18, v20  }
0x186: {  	v22 =	vld [tilespmem:s0+$0xC6E0]  }
0x187: {  	v19 =	vld [tilespmem:s0+$0xC6D0];
	v17 =	vadd.bf16 v18, v17  }
0x188: {  	v20 =	vld [tilespmem:s0+$0xB2E0]  }
0x189: {  	v18 =	vld [tilespmem:s0+$0xDAE0];
	[tilespmem:v5+s20+$0x0] =	vst.idx.msk $0xffff, v17  }
0x18a: {  	v17 =	vld [tilespmem:s0+$0xB2F0]  }
0x18b: {  	v27 =	vld [tilespmem:s0+$0xC6F0]  }
0x18c: {  	v16 =	vmul.bf16 v25, v16;
	v25 =	vmul.bf16 v28, v29;
	v51 =	vld [tilespmem:s0+$0xDAF0]  }
0x18d: {  	v19 =	vmul.bf16 v19, v24;
	v52 =	vld [tilespmem:s0+$0xB300];
	v20 =	vmul.bf16 v22, v20  }
0x18e: {  	v16 =	vmul.bf16 v26, v16;
	v21 =	vmul.bf16 v21, v25;
	v28 =	vld [tilespmem:s0+$0xC700]  }
0x18f: {  	v22 =	vld [tilespmem:s0+$0xDB00];
	v19 =	vmul.bf16 v23, v19;
	v18 =	vmul.bf16 v18, v20  }
0x190: {  	v24 =	vld [tilespmem:s0+$0xB310]  }
0x191: {  	v23 =	vld [tilespmem:s0+$0xDB10];
	v16 =	vadd.bf16 v21, v16;
	v18 =	vadd.bf16 v18, v19  }
0x192: {  	v21 =	vld [tilespmem:s0+$0xC720]  }
0x193: {  	v20 =	vld [tilespmem:s0+$0xC710];
	v16 =	vadd.bf16 v18, v16  }
0x194: {  	v19 =	vld [tilespmem:s0+$0xB320]  }
0x195: {  	v18 =	vld [tilespmem:s0+$0xDB20];
	[tilespmem:v6+s20+$0x0] =	vst.idx.msk $0xffff, v16  }
0x196: {  	v16 =	vld [tilespmem:s0+$0xB330]  }
0x197: {  	v25 =	vld [tilespmem:s0+$0xC730]  }
0x198: {  	v17 =	vmul.bf16 v27, v17;
	v27 =	vmul.bf16 v28, v52;
	v26 =	vld [tilespmem:s0+$0xDB30]  }
0x199: {  	v20 =	vmul.bf16 v20, v24;
	v29 =	vld [tilespmem:s0+$0xB340];
	v19 =	vmul.bf16 v21, v19  }
0x19a: {  	v17 =	vmul.bf16 v51, v17;
	v22 =	vmul.bf16 v22, v27;
	v28 =	vld [tilespmem:s0+$0xC740]  }
0x19b: {  	v21 =	vld [tilespmem:s0+$0xDB40];
	v20 =	vmul.bf16 v23, v20;
	v18 =	vmul.bf16 v18, v19  }
0x19c: {  	v24 =	vld [tilespmem:s0+$0xB350]  }
0x19d: {  	v23 =	vld [tilespmem:s0+$0xDB50];
	v17 =	vadd.bf16 v22, v17;
	v18 =	vadd.bf16 v18, v20  }
0x19e: {  	v22 =	vld [tilespmem:s0+$0xC760]  }
0x19f: {  	v19 =	vld [tilespmem:s0+$0xC750];
	v17 =	vadd.bf16 v18, v17  }
0x1a0: {  	v20 =	vld [tilespmem:s0+$0xB360]  }
0x1a1: {  	v18 =	vld [tilespmem:s0+$0xDB60];
	[tilespmem:v7+s20+$0x0] =	vst.idx.msk $0xffff, v17  }
0x1a2: {  	v17 =	vld [tilespmem:s0+$0xB370]  }
0x1a3: {  	v27 =	vld [tilespmem:s0+$0xC770]  }
0x1a4: {  	v16 =	vmul.bf16 v25, v16;
	v25 =	vmul.bf16 v28, v29;
	v53 =	vld [tilespmem:s0+$0xDB70]  }
0x1a5: {  	v19 =	vmul.bf16 v19, v24;
	v54 =	vld [tilespmem:s0+$0xB380];
	v20 =	vmul.bf16 v22, v20  }
0x1a6: {  	v16 =	vmul.bf16 v26, v16;
	v21 =	vmul.bf16 v21, v25;
	v28 =	vld [tilespmem:s0+$0xC780]  }
0x1a7: {  	v22 =	vld [tilespmem:s0+$0xDB80];
	v19 =	vmul.bf16 v23, v19;
	v18 =	vmul.bf16 v18, v20  }
0x1a8: {  	v24 =	vld [tilespmem:s0+$0xB390]  }
0x1a9: {  	v23 =	vld [tilespmem:s0+$0xDB90];
	v16 =	vadd.bf16 v21, v16;
	v18 =	vadd.bf16 v18, v19  }
0x1aa: {  	v21 =	vld [tilespmem:s0+$0xC7A0]  }
0x1ab: {  	v20 =	vld [tilespmem:s0+$0xC790];
	v16 =	vadd.bf16 v18, v16  }
0x1ac: {  	v19 =	vld [tilespmem:s0+$0xB3A0]  }
0x1ad: {  	v18 =	vld [tilespmem:s0+$0xDBA0];
	[tilespmem:v8+s20+$0x0] =	vst.idx.msk $0xffff, v16  }
0x1ae: {  	v16 =	vld [tilespmem:s0+$0xB3B0]  }
0x1af: {  	v25 =	vld [tilespmem:s0+$0xC7B0]  }
0x1b0: {  	v17 =	vmul.bf16 v27, v17;
	v27 =	vmul.bf16 v28, v54;
	v26 =	vld [tilespmem:s0+$0xDBB0]  }
0x1b1: {  	v20 =	vmul.bf16 v20, v24;
	v29 =	vld [tilespmem:s0+$0xB3C0];
	v19 =	vmul.bf16 v21, v19  }
0x1b2: {  	v17 =	vmul.bf16 v53, v17;
	v22 =	vmul.bf16 v22, v27;
	v28 =	vld [tilespmem:s0+$0xC7C0]  }
0x1b3: {  	v21 =	vld [tilespmem:s0+$0xDBC0];
	v20 =	vmul.bf16 v23, v20;
	v18 =	vmul.bf16 v18, v19  }
0x1b4: {  	v24 =	vld [tilespmem:s0+$0xB3D0]  }
0x1b5: {  	v23 =	vld [tilespmem:s0+$0xDBD0];
	v17 =	vadd.bf16 v22, v17;
	v18 =	vadd.bf16 v18, v20  }
0x1b6: {  	v22 =	vld [tilespmem:s0+$0xC7E0]  }
0x1b7: {  	v19 =	vld [tilespmem:s0+$0xC7D0];
	v17 =	vadd.bf16 v18, v17  }
0x1b8: {  	v20 =	vld [tilespmem:s0+$0xB3E0]  }
0x1b9: {  	v18 =	vld [tilespmem:s0+$0xDBE0];
	[tilespmem:v9+s20+$0x0] =	vst.idx.msk $0xffff, v17  }
0x1ba: {  	v17 =	vld [tilespmem:s0+$0xB3F0]  }
0x1bb: {  	v27 =	vld [tilespmem:s0+$0xC7F0]  }
0x1bc: {  	v16 =	vmul.bf16 v25, v16;
	v25 =	vmul.bf16 v28, v29;
	v55 =	vld [tilespmem:s0+$0xDBF0]  }
0x1bd: {  	v19 =	vmul.bf16 v19, v24;
	v56 =	vld [tilespmem:s0+$0xB400];
	v20 =	vmul.bf16 v22, v20  }
0x1be: {  	v16 =	vmul.bf16 v26, v16;
	v21 =	vmul.bf16 v21, v25;
	v28 =	vld [tilespmem:s0+$0xC800]  }
0x1bf: {  	v22 =	vld [tilespmem:s0+$0xDC00];
	v19 =	vmul.bf16 v23, v19;
	v18 =	vmul.bf16 v18, v20  }
0x1c0: {  	v24 =	vld [tilespmem:s0+$0xB410]  }
0x1c1: {  	v23 =	vld [tilespmem:s0+$0xDC10];
	v16 =	vadd.bf16 v21, v16;
	v18 =	vadd.bf16 v18, v19  }
0x1c2: {  	v21 =	vld [tilespmem:s0+$0xC820]  }
0x1c3: {  	v20 =	vld [tilespmem:s0+$0xC810];
	v16 =	vadd.bf16 v18, v16  }
0x1c4: {  	v19 =	vld [tilespmem:s0+$0xB420]  }
0x1c5: {  	v18 =	vld [tilespmem:s0+$0xDC20];
	[tilespmem:v10+s20+$0x0] =	vst.idx.msk $0xffff, v16  }
0x1c6: {  	v16 =	vld [tilespmem:s0+$0xB430]  }
0x1c7: {  	v25 =	vld [tilespmem:s0+$0xC830]  }
0x1c8: {  	v17 =	vmul.bf16 v27, v17;
	v27 =	vmul.bf16 v28, v56;
	v26 =	vld [tilespmem:s0+$0xDC30]  }
0x1c9: {  	v20 =	vmul.bf16 v20, v24;
	v29 =	vld [tilespmem:s0+$0xB440];
	v19 =	vmul.bf16 v21, v19  }
0x1ca: {  	v17 =	vmul.bf16 v55, v17;
	v22 =	vmul.bf16 v22, v27;
	v28 =	vld [tilespmem:s0+$0xC840]  }
0x1cb: {  	v21 =	vld [tilespmem:s0+$0xDC40];
	v20 =	vmul.bf16 v23, v20;
	v18 =	vmul.bf16 v18, v19  }
0x1cc: {  	v24 =	vld [tilespmem:s0+$0xB450]  }
0x1cd: {  	v23 =	vld [tilespmem:s0+$0xDC50];
	v17 =	vadd.bf16 v22, v17;
	v18 =	vadd.bf16 v18, v20  }
0x1ce: {  	v22 =	vld [tilespmem:s0+$0xC860]  }
0x1cf: {  	v19 =	vld [tilespmem:s0+$0xC850];
	v17 =	vadd.bf16 v18, v17  }
0x1d0: {  	v20 =	vld [tilespmem:s0+$0xB460]  }
0x1d1: {  	v18 =	vld [tilespmem:s0+$0xDC60];
	[tilespmem:v11+s20+$0x0] =	vst.idx.msk $0xffff, v17  }
0x1d2: {  	v17 =	vld [tilespmem:s0+$0xB470]  }
0x1d3: {  	v27 =	vld [tilespmem:s0+$0xC870]  }
0x1d4: {  	v16 =	vmul.bf16 v25, v16;
	v25 =	vmul.bf16 v28, v29;
	v57 =	vld [tilespmem:s0+$0xDC70]  }
0x1d5: {  	v19 =	vmul.bf16 v19, v24;
	v58 =	vld [tilespmem:s0+$0xB480];
	v20 =	vmul.bf16 v22, v20  }
0x1d6: {  	v16 =	vmul.bf16 v26, v16;
	v21 =	vmul.bf16 v21, v25;
	v28 =	vld [tilespmem:s0+$0xC880]  }
0x1d7: {  	v22 =	vld [tilespmem:s0+$0xDC80];
	v19 =	vmul.bf16 v23, v19;
	v18 =	vmul.bf16 v18, v20  }
0x1d8: {  	v24 =	vld [tilespmem:s0+$0xB490]  }
0x1d9: {  	v23 =	vld [tilespmem:s0+$0xDC90];
	v16 =	vadd.bf16 v21, v16;
	v18 =	vadd.bf16 v18, v19  }
0x1da: {  	v21 =	vld [tilespmem:s0+$0xC8A0]  }
0x1db: {  	v20 =	vld [tilespmem:s0+$0xC890];
	v16 =	vadd.bf16 v18, v16  }
0x1dc: {  	v19 =	vld [tilespmem:s0+$0xB4A0]  }
0x1dd: {  	v18 =	vld [tilespmem:s0+$0xDCA0];
	[tilespmem:v12+s20+$0x0] =	vst.idx.msk $0xffff, v16  }
0x1de: {  	v16 =	vld [tilespmem:s0+$0xB4B0]  }
0x1df: {  	v25 =	vld [tilespmem:s0+$0xC8B0]  }
0x1e0: {  	v17 =	vmul.bf16 v27, v17;
	v27 =	vmul.bf16 v28, v58;
	v26 =	vld [tilespmem:s0+$0xDCB0]  }
0x1e1: {  	v20 =	vmul.bf16 v20, v24;
	v29 =	vld [tilespmem:s0+$0xB4C0];
	v19 =	vmul.bf16 v21, v19  }
0x1e2: {  	v17 =	vmul.bf16 v57, v17;
	v22 =	vmul.bf16 v22, v27;
	v28 =	vld [tilespmem:s0+$0xC8C0]  }
0x1e3: {  	v21 =	vld [tilespmem:s0+$0xDCC0];
	v20 =	vmul.bf16 v23, v20;
	v18 =	vmul.bf16 v18, v19  }
0x1e4: {  	v24 =	vld [tilespmem:s0+$0xB4D0]  }
0x1e5: {  	v23 =	vld [tilespmem:s0+$0xDCD0];
	v17 =	vadd.bf16 v22, v17;
	v18 =	vadd.bf16 v18, v20  }
0x1e6: {  	v22 =	vld [tilespmem:s0+$0xC8E0]  }
0x1e7: {  	v19 =	vld [tilespmem:s0+$0xC8D0];
	v17 =	vadd.bf16 v18, v17  }
0x1e8: {  	v20 =	vld [tilespmem:s0+$0xB4E0]  }
0x1e9: {  	v18 =	vld [tilespmem:s0+$0xDCE0];
	[tilespmem:v13+s20+$0x0] =	vst.idx.msk $0xffff, v17  }
0x1ea: {  	v17 =	vld [tilespmem:s0+$0xB4F0]  }
0x1eb: {  	v27 =	vld [tilespmem:s0+$0xC8F0]  }
0x1ec: {  	v59 =	vld [tilespmem:s0+$0xDCF0]  }
0x1ed: {  	v60 =	vld [tilespmem:s0+$0xB500]  }
0x1ee: {  	v32 =	vld [tilespmem:s0+$0xC900]  }
0x1ef: {  	v33 =	vld [tilespmem:s0+$0xDD00]  }
0x1f0: {  	v34 =	vld [tilespmem:s0+$0xB510]  }
0x1f1: {  	v35 =	vld [tilespmem:s0+$0xC910]  }
0x1f2: {  	v36 =	vld [tilespmem:s0+$0xB520]  }
0x1f3: {  	v16 =	vmul.bf16 v25, v16;
	v25 =	vmul.bf16 v28, v29;
	v37 =	vld [tilespmem:s0+$0xC920]  }
0x1f4: {  	v19 =	vmul.bf16 v19, v24;
	v28 =	vld [tilespmem:s0+$0xDD10];
	v20 =	vmul.bf16 v22, v20  }
0x1f5: {  	v16 =	vmul.bf16 v26, v16;
	v21 =	vmul.bf16 v21, v25;
	v22 =	vld [tilespmem:s0+$0xDD20]  }
0x1f6: {  	v19 =	vmul.bf16 v23, v19;
	v18 =	vmul.bf16 v18, v20  }
0x1f7: {  	v17 =	vmul.bf16 v27, v17;
	v20 =	vmul.bf16 v32, v60  }
0x1f8: {  	v23 =	vmul.bf16 v35, v34;
	v24 =	vmul.bf16 v37, v36  }
0x1f9: {  	v17 =	vmul.bf16 v59, v17;
	v20 =	vmul.bf16 v33, v20  }
0x1fa: {  	v23 =	vmul.bf16 v28, v23;
	v22 =	vmul.bf16 v22, v24  }
0x1fb: {  	v16 =	vadd.bf16 v21, v16;
	v18 =	vadd.bf16 v18, v19  }
0x1fc: {  	v17 =	vadd.bf16 v20, v17;
	v19 =	vadd.bf16 v22, v23  }
0x1fd: {  	v16 =	vadd.bf16 v18, v16  }
0x1fe: {  	v17 =	vadd.bf16 v19, v17  }
0x1ff: {  	[tilespmem:v14+s20+$0x0] =	vst.idx.msk $0xffff, v16  }
0x200: {  	[tilespmem:v15+s20+$0x0] =	vst.idx.msk $0xffff, v17  }
0x201: {  	v16 =	vld [tilespmem:$0x11440]  }
0x202: {  	v17 =	vld [tilespmem:$0x11451]  }
0x203: {  	v18 =	vld [tilespmem:$0x11462]  }
0x204: {  	v19 =	vld [tilespmem:$0x11473]  }
0x205: {  	v20 =	vld [tilespmem:$0x11484]  }
0x206: {  	v21 =	vld [tilespmem:$0x11495]  }
0x207: {  	v22 =	vld [tilespmem:$0x114A6]  }
0x208: {  	v23 =	vld [tilespmem:$0x114B7]  }
0x209: {  	v24 =	vld [tilespmem:$0x114C8]  }
0x20a: {  	v25 =	vld [tilespmem:$0x114D9]  }
0x20b: {  	v26 =	vld [tilespmem:$0x114EA]  }
0x20c: {  	v27 =	vld [tilespmem:$0x114FB]  }
0x20d: {  	v28 =	vld [tilespmem:$0x1150C]  }
0x20e: {  	v29 =	vld [tilespmem:$0x1151D]  }
0x20f: {  	v61 =	vld [tilespmem:$0x1152E]  }
0x210: {  	v62 =	vld [tilespmem:$0x1153F];
	_ =	sdelay $0x1  }
0x211: {  	v63 =	vadd.bf16 v17, v16;
	v19 =	vadd.bf16 v19, v18  }
0x212: {  	p0 =	seq.s32 s30, $0x4000;
	s0 =	smov.u32 s31;
	v20 =	vadd.bf16 v21, v20;
	v21 =	vadd.bf16 v23, v22  }
0x213: {  	s0 =	simm.s32 @p0 $0x0;
	v22 =	vadd.bf16 v25, v24;
	v23 =	vadd.bf16 v27, v26  }
0x214: {  	v16 =	vld [tilespmem:s0+$0xB130];
	v24 =	vadd.bf16 v29, v28;
	v25 =	vadd.bf16 v62, v61  }
0x215: {  	v18 =	vld [tilespmem:s0+$0xC530];
	v26 =	vadd.bf16 v19, v63;
	v27 =	vadd.bf16 v21, v20  }
0x216: {  	v17 =	vld [tilespmem:s0+$0xD930];
	v22 =	vadd.bf16 v23, v22;
	v23 =	vadd.bf16 v25, v24  }
0x217: {  	v20 =	vld [tilespmem:s0+$0xB140]  }
0x218: {  	v21 =	vld [tilespmem:s0+$0xC540];
	v25 =	vadd.bf16 v27, v26;
	v22 =	vadd.bf16 v23, v22  }
0x219: {  	v19 =	vld [tilespmem:s0+$0xD940]  }
0x21a: {  	p0 =	sne.s32 s30, $0x4000;
	v24 =	vld [tilespmem:s0+$0xC550];
	v26 =	vadd.bf16 v22, v25  }
.Ltmp4:
0x21b: {  	v23 =	vld [tilespmem:s0+$0xB150];
	(pc) =	sbr.rel @p0 .LBB2_6-.Ltmp4, $4  }
0x21c: {  	v27 =	vld [tilespmem:s0+$0xC560];
	v28 =	vunpack.i.u.bf16.f32 v26;
	v26 =	vunpack.i.l.bf16.f32 v26  }
0x21d: {  	v22 =	vld [tilespmem:s0+$0xD950];
	v28 =	vadd.f32 v26, v28  }
0x21e: {  	v25 =	vld [tilespmem:s0+$0xB160]  }
0x21f: {  	s31 =	sadd.s32 $0x400, s31;
	s30 =	sadd.s32 $0x1000, s30;
	v26 =	vld [tilespmem:s0+$0xD960];
	[tilespmem:s28+$0x0] =	vst v28;
	s28 =	sadd.s32 $0x10, s28  }
.Ltmp5:
0x220: {  	_ = 	snop;
	(pc) =	sbr.rel .LBB2_7-.Ltmp5, $1  }
0x221: {  	_ =	sdelay $0x3  }
.LBB2_8:
0x222: {  	s0 =	simm.s32 $0x0  }
0x223: {  	v16 =	vld [tilespmem:s0+$0xED30]  }
0x224: {  	v17 =	vld [tilespmem:s0+$0xED40]  }
0x225: {  	v18 =	vld [tilespmem:s0+$0xED50]  }
0x226: {  	s2 =	simm.s32 $0x140;
	v19 =	vld [tilespmem:s0+$0xED60]  }
.LBB2_9:
0x227: {  	p0 =	sne.s32 s2, $0x9B00;
	v20 =	vld [tilespmem:s0+$0xED70]  }
0x228: {  	v16 =	vsub.f32 $0.0e+00, v16  }
0x229: {  	v17 =	vsub.f32 $0.0e+00, v17  }
0x22a: {  	v16 =	vmul.f32 $1.442695020e+00, v16;
	v18 =	vsub.f32 $0.0e+00, v18  }
0x22b: {  	v17 =	vmul.f32 $1.442695020e+00, v17;
	v19 =	vsub.f32 $0.0e+00, v19  }
0x22c: {  	v18 =	vmul.f32 $1.442695020e+00, v18;
	v20 =	vsub.f32 $0.0e+00, v20;
	(erf) = vpow2.f32 v16  }
0x22d: {  	v16 =	vmul.f32 $1.442695020e+00, v19;
	(erf) = vpow2.f32 v17  }
0x22e: {  	v17 =	vmul.f32 $1.442695020e+00, v20;
	(erf) = vpow2.f32 v18  }
0x22f: {  	(erf) = vpow2.f32 v16  }
0x230: {  	(erf) = vpow2.f32 v17;
	_ =	sdelay $0x4  }
0x231: {  	v16 =	vpop (erf)  }
0x232: {  	v19 =	vadd.f32 $1.000000000e+00, v16;
	v17 =	vpop (erf)  }
0x233: {  	v20 =	vadd.f32 $1.000000000e+00, v17;
	v18 =	vpop (erf)  }
0x234: {  	v18 =	vadd.f32 $1.000000000e+00, v18;
	(erf) = vrcp.f32 v19;
	v16 =	vpop (erf)  }
0x235: {  	v16 =	vadd.f32 $1.000000000e+00, v16;
	(erf) = vrcp.f32 v20;
	v17 =	vpop (erf)  }
0x236: {  	v17 =	vadd.f32 $1.000000000e+00, v17;
	(erf) = vrcp.f32 v18  }
0x237: {  	(erf) = vrcp.f32 v16  }
0x238: {  	(erf) = vrcp.f32 v17;
	_ =	sdelay $0x4  }
0x239: {  	v16 =	vpop (erf)  }
.Ltmp6:
0x23a: {  	s26 =	sshra.s32 s2, $0x2;
	[tilespmem:s0+$0xED30] =	vst v16;
	v17 =	vpop (erf);
	(pc) =	sbr.rel @p0 .LBB2_9-.Ltmp6, $4  }
0x23b: {  	v16 =	vld [tilespmem:s26+$0xED30];
	[tilespmem:s0+$0xED40] =	vst v17;
	v18 =	vpop (erf)  }
0x23c: {  	v17 =	vld [tilespmem:s26+$0xED40];
	[tilespmem:s0+$0xED50] =	vst v18;
	v19 =	vpop (erf)  }
0x23d: {  	v18 =	vld [tilespmem:s26+$0xED50];
	[tilespmem:s0+$0xED60] =	vst v19;
	v20 =	vpop (erf)  }
0x23e: {  	s2 =	sadd.s32 $0x140, s2;
	v19 =	vld [tilespmem:s26+$0xED60];
	[tilespmem:s0+$0xED70] =	vst v20;
	s0 =	smov.u32 s26  }
0x23f: {  	_ = 	snop  }
0x240: {  	v16 =	vsub.f32 $0.0e+00, v16  }
0x241: {  	v20 =	vld [tilespmem:s0+$0xED70];
	v17 =	vsub.f32 $0.0e+00, v17  }
0x242: {  	v16 =	vmul.f32 $1.442695020e+00, v16  }
0x243: {  	v17 =	vmul.f32 $1.442695020e+00, v17  }
0x244: {  	v18 =	vsub.f32 $0.0e+00, v18;
	(erf) = vpow2.f32 v16  }
0x245: {  	v19 =	vsub.f32 $0.0e+00, v19;
	(erf) = vpow2.f32 v17  }
0x246: {  	v18 =	vmul.f32 $1.442695020e+00, v18;
	v20 =	vsub.f32 $0.0e+00, v20  }
0x247: {  	v16 =	vmul.f32 $1.442695020e+00, v19  }
0x248: {  	v17 =	vmul.f32 $1.442695020e+00, v20;
	(erf) = vpow2.f32 v18  }
0x249: {  	(erf) = vpow2.f32 v16  }
0x24a: {  	(erf) = vpow2.f32 v17;
	_ =	sdelay $0x2  }
0x24b: {  	v16 =	vpop (erf)  }
0x24c: {  	v16 =	vadd.f32 $1.000000000e+00, v16;
	v17 =	vpop (erf)  }
0x24d: {  	v17 =	vadd.f32 $1.000000000e+00, v17;
	_ =	sdelay $0x1  }
0x24e: {  	v18 =	vpop (erf)  }
0x24f: {  	v18 =	vadd.f32 $1.000000000e+00, v18;
	(erf) = vrcp.f32 v16;
	v16 =	vpop (erf)  }
0x250: {  	(erf) = vrcp.f32 v17;
	v16 =	vadd.f32 $1.000000000e+00, v16;
	v17 =	vpop (erf)  }
0x251: {  	(erf) = vrcp.f32 v18;
	v17 =	vadd.f32 $1.000000000e+00, v17  }
0x252: {  	(erf) = vrcp.f32 v16  }
0x253: {  	(erf) = vrcp.f32 v17;
	_ =	sdelay $0x4  }
0x254: {  	v16 =	vpop (erf)  }
0x255: {  	[tilespmem:s0+$0xED30] =	vst v16;
	v16 =	vpop (erf)  }
0x256: {  	[tilespmem:s0+$0xED40] =	vst v16;
	v16 =	vpop (erf)  }
0x257: {  	s25 =	sadd.s32 $0x1, s25;
	[tilespmem:s0+$0xED50] =	vst v16;
	v16 =	vpop (erf)  }
0x258: {  	p0 =	sne.s32 s25, s9;
	[tilespmem:s0+$0xED60] =	vst v16;
	v16 =	vpop (erf)  }
.Ltmp7:
0x259: {  	[tilespmem:s0+$0xED70] =	vst v16;
	(pc) =	sbr.rel @p0 .LBB2_1-.Ltmp7, $4  }
0x25a: {  	[hbm4b:s8+s3] =	stream.linear.scatter [tilespmem:s24], [sflag:$0x7], $0x2710, $0x38;
	[tilespmem:$0x11550] =	vst v63  }
0x25b: {  	_ =	swait.ge [sflag:s10], $0x2710  }
0x25c: {  	[sflag:s10] =	ssyncset.done $0x0  }
0x25d: {  	[sflag:s10] =	ssyncadd.s32 $0xFFFFD8F0  }
0x25e: {  	_ =	sfence.sel $0x180000  }
0x25f: {  	[bflag:$0x0] =	sbarrier.arrive $0xFFFF  }
0x260: {  	_ =	strace $0x90000047  }
0x261: {  	s0 =	stileid.u32;
	[bflag:$0x2] =	sbarrier.arrive $0xFFFF  }
0x262: {  	p0 =	sne.s32 s0, $0x0;
	s0 =	rddreg [dreg:$0x3]  }
0x263: {  	s0 =	sadd.s32 @!p0 $0x100000, s0  }
0x264: {  	[sflag:s0] =	ssyncadd.tile.s32 @!p0 $0x1;
	_ =	shalt  }
.Lfunc_end2:
_tile_overlayer_lowered:
.L_overlay_start_2:
0x265: {  	(tag) =	ssettag $0x2  }
0x266: {  	s0 =	rddreg [dreg:$0x0];
	s2 =	stileid.u32  }
0x267: {  	s1 =	rddreg [dreg:$0x1];
	p0 =	sne.s32 s2, $0x0  }
0x268: {  	s3 =	rddreg [dreg:$0x2];
	[bflag:$0x3] =	sbarrier.arrive $0xFFFF;
	s2 =	simm.s32 @!p0 $0x1C07  }
0x269: {  	[timem:s3], [sflag:s2] =	dma.local @!p0 [hbm:s0], s1  }
0x26a: {  	s0 =	simm.s32 @!p0 $0x7  }
0x26b: {  	_ =	swait.ge @!p0 [sflag:s0], s1  }
0x26c: {  	s1 =	ssub.s32 @!p0 $0x0, s1;
	[sflag:s0] =	ssyncset.done @!p0 $0x0  }
0x26d: {  	[sflag:s0] =	ssyncadd.s32 @!p0 s1  }
0x26e: {  	[bflag:$0x3] =	sbarrier.arrive $0xFFFF  }
0x26f: {  	_ =	shalt  }

</sc_bundles>
